<compile_context>
chip_gen: v7x
topology: tpu7x:2x2x1
jax: 0.10.2.dev20260603
libtpu: 0.0.44.dev20260713+nightly
codegen_flags: <defaults>
</compile_context>

<pallas_src>
import functools

import jax
import jax.numpy as jnp
from jax import lax
from jax.experimental import pallas as pl
from jax.experimental.pallas import tpu as pltpu
from jax.experimental.pallas import tpu_sc as plsc

N = 100000
E = 1600000
H = 32

LANE = 128
N_PAD = 100352
RN = N_PAD // LANE
BLK = 112
NB = RN // BLK
BN = BLK * LANE

NC = 2
NS = 16
NW = NC * NS
SLICE = N_PAD // NS

EPT = E // NW
ECH = EPT // 5


def _moments_body(x0_ref, x1_ref, out_ref, acc_ref):
    i = pl.program_id(0)

    @pl.when(i == 0)
    def _init():
        for k in range(5):
            acc_ref[k] = 0.0

    c0 = x0_ref[0]
    c1 = x1_ref[0]
    acc_ref[0] += jnp.sum(c0)
    acc_ref[1] += jnp.sum(c1)
    acc_ref[2] += jnp.sum(c0 * c0)
    acc_ref[3] += jnp.sum(c1 * c1)
    acc_ref[4] += jnp.sum(c0 * c1)

    @pl.when(i == NB - 1)
    def _fin():
        for k in range(5):
            out_ref[k] = acc_ref[k]


def _moments(x0c, x1c):
    return pl.pallas_call(
        _moments_body,
        grid=(NB,),
        in_specs=[pl.BlockSpec((1, BLK, LANE), lambda i: (i, 0, 0))] * 2,
        out_specs=pl.BlockSpec(memory_space=pltpu.SMEM),
        out_shape=jax.ShapeDtypeStruct((8,), jnp.float32),
        scratch_shapes=[pltpu.SMEM((8,), jnp.float32)],
    )(x0c, x1c)


def _node_body(x0_ref, x1_ref, mom_ref, w1_ref, gam_ref, bet_ref,
               vb_ref, v0_ref, sc_ref, s_ref, sc0_ref):
    i = pl.program_id(0)
    inv_n = 1.0 / N
    m0 = mom_ref[0] * inv_n
    m1 = mom_ref[1] * inv_n
    v00 = mom_ref[2] * inv_n - m0 * m0
    v11 = mom_ref[3] * inv_n - m1 * m1
    v01 = mom_ref[4] * inv_n - m0 * m1
    pa = sc_ref[2]

    c0 = x0_ref[0]
    c1 = x1_ref[0]
    s_acc = jnp.zeros((BLK, LANE), jnp.float32)
    sc0_acc = jnp.zeros((BLK, LANE), jnp.float32)
    for j in range(H):
        wa = w1_ref[0, j]
        wb = w1_ref[1, j]
        varh = v00 * wa * wa + 2.0 * v01 * wa * wb + v11 * wb * wb
        aj = gam_ref[j] * lax.rsqrt(varh + 1e-5)
        bj = bet_ref[j] - (m0 * wa + m1 * wb) * aj
        hn = (c0 * wa + c1 * wb) * aj + bj
        act = jnp.where(hn > 0, hn, pa * hn)
        s_acc = s_acc + act * vb_ref[j]
        sc0_acc = sc0_acc + act * v0_ref[j]

    ids = (lax.broadcasted_iota(jnp.int32, (BLK, LANE), 0) * LANE
           + lax.broadcasted_iota(jnp.int32, (BLK, LANE), 1) + i * BN)
    s_ref[0] = jnp.where(ids < N, s_acc + sc_ref[0], 0.0)
    sc0_ref[0] = sc0_acc + sc_ref[1]


def _node(x0c, x1c, mom, w1, gam, bet, vb, v0, scal):
    return pl.pallas_call(
        _node_body,
        grid=(NB,),
        in_specs=[
            pl.BlockSpec((1, BLK, LANE), lambda i: (i, 0, 0)),
            pl.BlockSpec((1, BLK, LANE), lambda i: (i, 0, 0)),
            pl.BlockSpec(memory_space=pltpu.SMEM),
            pl.BlockSpec(memory_space=pltpu.SMEM),
            pl.BlockSpec(memory_space=pltpu.SMEM),
            pl.BlockSpec(memory_space=pltpu.SMEM),
            pl.BlockSpec(memory_space=pltpu.SMEM),
            pl.BlockSpec(memory_space=pltpu.SMEM),
            pl.BlockSpec(memory_space=pltpu.SMEM),
        ],
        out_specs=[
            pl.BlockSpec((1, BLK, LANE), lambda i: (i, 0, 0)),
            pl.BlockSpec((1, BLK, LANE), lambda i: (i, 0, 0)),
        ],
        out_shape=[
            jax.ShapeDtypeStruct((NB, BLK, LANE), jnp.float32),
            jax.ShapeDtypeStruct((NB, BLK, LANE), jnp.float32),
        ],
    )(x0c, x1c, mom, w1, gam, bet, vb, v0, scal)


def _hist_body(rows_hbm, zeros_hbm, ones_hbm, out_hbm, idx_v, ones_v, deg_sh):
    cid = lax.axis_index("c")
    sid = lax.axis_index("s")
    wid = cid * NS + sid
    sl = pl.ds(sid * SLICE, SLICE)
    pltpu.sync_copy(zeros_hbm.at[sl], deg_sh.at[sl])
    pltpu.sync_copy(ones_hbm, ones_v)
    pltpu.sync_copy(rows_hbm.at[pl.ds(wid * EPT, EPT)], idx_v)
    plsc.subcore_barrier()
    pltpu.sync_copy(ones_v, deg_sh.at[idx_v], add=True)
    plsc.subcore_barrier()
    pltpu.sync_copy(deg_sh.at[sl], out_hbm.at[cid, sl])


_hist = functools.partial(
    pl.kernel,
    out_type=jax.ShapeDtypeStruct((NC, N_PAD), jnp.float32),
    mesh=plsc.VectorSubcoreMesh(core_axis_name="c", subcore_axis_name="s", num_cores=NC, num_subcores=NS),
    scratch_types=[
        pltpu.VMEM((EPT,), jnp.int32),
        pltpu.VMEM((EPT,), jnp.float32),
        pltpu.VMEM_SHARED((N_PAD,), jnp.float32),
    ],
)(_hist_body)


def _dinv_body(d0_ref, d1_ref, s_ref, t_ref, dinv_ref):
    deg = d0_ref[...] + d1_ref[...] + 1.0
    dinv = lax.rsqrt(deg)
    dinv_ref[...] = dinv
    t_ref[...] = dinv * s_ref[...]


def _dinv_t(d0, d1, s2d):
    return pl.pallas_call(
        _dinv_body,
        grid=(NB,),
        in_specs=[pl.BlockSpec((BLK, LANE), lambda i: (i, 0))] * 3,
        out_specs=[pl.BlockSpec((BLK, LANE), lambda i: (i, 0))] * 2,
        out_shape=[
            jax.ShapeDtypeStruct((RN, LANE), jnp.float32),
            jax.ShapeDtypeStruct((RN, LANE), jnp.float32),
        ],
    )(d0, d1, s2d)


def _edge_body(rows_hbm, cols_hbm, t_hbm, zeros_hbm, out_hbm,
               ridx_0, ridx_1, ridx_2, ridx_3, ridx_4, cidx_v, vals_v,
               t_sh, g_sh):
    ridx_bufs = (ridx_0, ridx_1, ridx_2, ridx_3, ridx_4)
    cid = lax.axis_index("c")
    sid = lax.axis_index("s")
    wid = cid * NS + sid
    sl = pl.ds(sid * SLICE, SLICE)
    pltpu.sync_copy(t_hbm.at[sl], t_sh.at[sl])
    pltpu.sync_copy(zeros_hbm.at[sl], g_sh.at[sl])
    base = wid * EPT
    pltpu.sync_copy(cols_hbm.at[pl.ds(base, EPT)], cidx_v)
    for ch, ridx in enumerate(ridx_bufs):
        pltpu.sync_copy(rows_hbm.at[pl.ds(base + ch * ECH, ECH)], ridx)
    plsc.subcore_barrier()
    for ch, ridx in enumerate(ridx_bufs):
        pltpu.sync_copy(t_sh.at[cidx_v.at[pl.ds(ch * ECH, ECH)]], vals_v)
        pltpu.sync_copy(vals_v, g_sh.at[ridx], add=True)
    plsc.subcore_barrier()
    pltpu.sync_copy(g_sh.at[sl], out_hbm.at[cid, sl])


_edge = functools.partial(
    pl.kernel,
    out_type=jax.ShapeDtypeStruct((NC, N_PAD), jnp.float32),
    mesh=plsc.VectorSubcoreMesh(core_axis_name="c", subcore_axis_name="s", num_cores=NC, num_subcores=NS),
    scratch_types=[
        pltpu.VMEM((ECH,), jnp.int32),
        pltpu.VMEM((ECH,), jnp.int32),
        pltpu.VMEM((ECH,), jnp.int32),
        pltpu.VMEM((ECH,), jnp.int32),
        pltpu.VMEM((ECH,), jnp.int32),
        pltpu.VMEM((EPT,), jnp.int32),
        pltpu.VMEM((ECH,), jnp.float32),
        pltpu.VMEM_SHARED((N_PAD,), jnp.float32),
        pltpu.VMEM_SHARED((N_PAD,), jnp.float32),
    ],
)(_edge_body)


def _final_body(sc0_ref, dinv_ref, t_ref, g0_ref, g1_ref, c_ref, out_ref):
    out_ref[...] = sc0_ref[...] + c_ref[0] + dinv_ref[...] * (
        g0_ref[...] + g1_ref[...] + t_ref[...])


def _final(sc02d, dinv2d, t2d, g0, g1, cconst):
    return pl.pallas_call(
        _final_body,
        grid=(NB,),
        in_specs=[pl.BlockSpec((BLK, LANE), lambda i: (i, 0))] * 5
        + [pl.BlockSpec(memory_space=pltpu.SMEM)],
        out_specs=pl.BlockSpec((BLK, LANE), lambda i: (i, 0)),
        out_shape=jax.ShapeDtypeStruct((RN, LANE), jnp.float32),
    )(sc02d, dinv2d, t2d, g0, g1, cconst)


def kernel(x, edge_index, x_face, W1, b1, gamma, beta, prelu_a, W2, b2,
           w0_w, w0_b, gcn_w, gcn_b, wb_w, wb_b):
    f32 = jnp.float32
    ei32 = edge_index.astype(jnp.int32)
    rows_h = ei32[0]
    cols_h = ei32[1]

    x0c = jnp.pad(x[:, 0], (0, N_PAD - N)).reshape(NB, BLK, LANE)
    x1c = jnp.pad(x[:, 1], (0, N_PAD - N)).reshape(NB, BLK, LANE)
    zeros_n = jnp.zeros((N_PAD,), f32)

    gw = gcn_w @ wb_w
    vmat = jnp.concatenate([W2 @ gw, W2 @ w0_w], axis=1)
    cb = (b2 @ gw)[0]
    c0 = (b2 @ w0_w)[0] + w0_b[0]
    cconst = ((gcn_b @ wb_w)[0] + wb_b[0]).reshape(1)
    scal = jnp.stack([cb, c0, prelu_a[0]])

    mom = _moments(x0c, x1c)
    s3d, sc03d = _node(x0c, x1c, mom, W1, gamma, beta,
                       vmat[:, 0], vmat[:, 1], scal)
    s2d = s3d.reshape(RN, LANE)
    sc02d = sc03d.reshape(RN, LANE)

    ones_t = jnp.ones((EPT,), f32)
    degp = _hist(rows_h, zeros_n, ones_t)
    d0 = degp[0].reshape(RN, LANE)
    d1 = degp[1].reshape(RN, LANE)
    t2d, dinv2d = _dinv_t(d0, d1, s2d)

    gp = _edge(rows_h, cols_h, t2d.reshape(N_PAD), zeros_n)
    g0 = gp[0].reshape(RN, LANE)
    g1 = gp[1].reshape(RN, LANE)

    out2d = _final(sc02d, dinv2d, t2d, g0, g1, cconst)
    return out2d.reshape(N_PAD)[:N]

# --- scband reference (transcript-rebuilt; emitter-appended) ---
"""Pipeline reference for scband-linear-gcnbody-39376260169852 (READ-ONLY COPY).

The authoritative reference and input builder live on the scoring server;
editing this copy changes nothing except your own understanding.
"""

import jax, jax.numpy as jnp
import numpy as np

N = 100000
E = 1600000
H = 32


def setup_inputs(seed: int = 0) -> dict:
    key = jax.random.key(seed)
    ks = jax.random.split(key, 10)
    inp = {}
    inp["x"] = jax.random.normal(ks[0], (N, 2), dtype=jnp.float32)
    inp["edge_index"] = jax.random.randint(ks[1], (2, E), 0, N, dtype=jnp.int32).astype(jnp.int64)
    inp["x_face"] = jax.random.normal(ks[2], (N, 2), dtype=jnp.float32)
    # encoder / input_mlp params: Linear(2,32) -> BatchNorm1d(32) -> PReLU -> Dropout(0) -> Linear(32,32)
    inp["W1"] = jax.random.normal(ks[3], (2, H), dtype=jnp.float32) * 0.5
    inp["b1"] = jnp.zeros((H,), jnp.float32)
    inp["gamma"] = jnp.ones((H,), jnp.float32)
    inp["beta"] = jnp.zeros((H,), jnp.float32)
    inp["prelu_a"] = jnp.full((1,), 0.25, jnp.float32)
    inp["W2"] = jax.random.normal(ks[4], (H, H), dtype=jnp.float32) * 0.1
    inp["b2"] = jnp.zeros((H,), jnp.float32)
    # w_0: Linear(32,1)
    inp["w0_w"] = jax.random.normal(ks[5], (H, 1), dtype=jnp.float32) * 0.1
    inp["w0_b"] = jnp.zeros((1,), jnp.float32)
    # gcn_body: GCNConv(32,32,...)
    inp["gcn_w"] = jax.random.normal(ks[6], (H, H), dtype=jnp.float32) * 0.1
    inp["gcn_b"] = jnp.zeros((H,), jnp.float32)
    # w_b: Linear(32,1)
    inp["wb_w"] = jax.random.normal(ks[7], (H, 1), dtype=jnp.float32) * 0.1
    inp["wb_b"] = jnp.zeros((1,), jnp.float32)
    return inp


def _forward(x, W1, b1, gamma, beta, prelu_a, W2, b2, w0_w, w0_b, gcn_w, gcn_b, wb_w, wb_b, row, col):
    # input_mlp / encoder
    h = x @ W1 + b1
    mu = jnp.mean(h, axis=0)
    var = jnp.var(h, axis=0)
    h = (h - mu) / jnp.sqrt(var + 1e-5) * gamma + beta  # BatchNorm1d (batch stats)
    h = jnp.where(h > 0, h, prelu_a * h)  # PReLU; Dropout(p=0) is identity
    emb = h @ W2 + b2
    # GCNConv: add self-loops, symmetric normalization D^-1/2 A D^-1/2, linear transform
    loop = jnp.arange(N, dtype=row.dtype)
    r = jnp.concatenate([row, loop])
    c = jnp.concatenate([col, loop])
    deg = jax.ops.segment_sum(jnp.ones_like(r, dtype=jnp.float32), r, num_segments=N)
    dinv = jnp.where(deg > 0, jax.lax.rsqrt(deg), 0.0)
    xw = emb @ gcn_w
    norm = (dinv[r] * dinv[c])[:, None]
    msg = xw[c] * norm
    agg = jax.ops.segment_sum(msg, r, num_segments=N)
    gcn_out = agg + gcn_b
    linear_scores = (emb @ w0_w + w0_b)[:, 0]
    gcn_scores = (gcn_out @ wb_w + wb_b)[:, 0]
    return linear_scores + gcn_scores


def reference(x, edge_index, x_face, W1, b1, gamma, beta, prelu_a, W2, b2, w0_w, w0_b, gcn_w, gcn_b, wb_w, wb_b):
    # graph_face (x_face) is unused by the original forward
    row = edge_index[0]
    col = edge_index[1]
    return _forward(x, W1, b1, gamma, beta, prelu_a, W2, b2, w0_w, w0_b, gcn_w, gcn_b, wb_w, wb_b, row, col)

if __name__ == "__main__":
    import jax
    _d = setup_inputs()
    print(jax.jit(kernel)(*tuple(_d.values())))

</pallas_src>

<mosaic_0001>
#map = affine_map<(d0, d1) -> (0)>
#map1 = affine_map<(d0, d1) -> (0, 0)>
module attributes {stable_mosaic.version = 14 : i64} {
  func.func @_edge_body(%arg0: i32, %arg1: i32, %arg2: memref<1600000xi32, #tpu.memory_space<hbm>>, %arg3: memref<1600000xi32, #tpu.memory_space<hbm>>, %arg4: memref<100352xf32, #tpu.memory_space<hbm>>, %arg5: memref<100352xf32, #tpu.memory_space<hbm>>, %arg6: memref<2x100352xf32, #tpu.memory_space<hbm>>, %arg7: memref<10000xi32, #tpu.memory_space<vmem>>, %arg8: memref<10000xi32, #tpu.memory_space<vmem>>, %arg9: memref<10000xi32, #tpu.memory_space<vmem>>, %arg10: memref<10000xi32, #tpu.memory_space<vmem>>, %arg11: memref<10000xi32, #tpu.memory_space<vmem>>, %arg12: memref<50000xi32, #tpu.memory_space<vmem>>, %arg13: memref<10000xf32, #tpu.memory_space<vmem>>, %arg14: memref<100352xf32, #tpu.memory_space<vmem_shared>>, %arg15: memref<100352xf32, #tpu.memory_space<vmem_shared>>) attributes {dimension_semantics = [#tpu.dimension_semantics<core_parallel>, #tpu.dimension_semantics<subcore_parallel>], iteration_bounds = array<i64: 2, 16>, scalar_prefetch = 0 : i64, scratch_operands = 9 : i64, tpu.core_type = #tpu.core_type<sc_vector_subcore>, window_params = [{transform_indices = #map}, {transform_indices = #map}, {transform_indices = #map}, {transform_indices = #map}, {transform_indices = #map1}]} {
    %mul3A = arith.constant 16 : i32
    %mul3A_0 = arith.muli %arg0, %mul3A : i32
    %add3A = arith.addi %mul3A_0, %arg1 : i32
    %mul3A_1 = arith.constant 6272 : i32
    %mul3A_2 = arith.muli %arg1, %mul3A_1 : i32
    "tpu.region"() ({
      %run_scoped3A = tpu.sem_alloc : memref<!tpu.dma_semaphore, #tpu.memory_space<semaphore_mem>>
      %dma_start3A = tpu.memref_slice %arg14[%mul3A_2] : memref<100352xf32, #tpu.memory_space<vmem_shared>> -> memref<6272xf32, #tpu.memory_space<vmem_shared>>
      %dma_start3A_16 = tpu.memref_slice %arg4[%mul3A_2] : memref<100352xf32, #tpu.memory_space<hbm>> -> memref<6272xf32, #tpu.memory_space<hbm>>
      tpu.enqueue_dma source(%dma_start3A_16 : memref<6272xf32, #tpu.memory_space<hbm>>) target(%dma_start3A : memref<6272xf32, #tpu.memory_space<vmem_shared>>) target_semaphore(%run_scoped3A : memref<!tpu.dma_semaphore, #tpu.memory_space<semaphore_mem>>)
      %dma_wait3A = tpu.memref_slice %arg14[%mul3A_2] : memref<100352xf32, #tpu.memory_space<vmem_shared>> -> memref<6272xf32, #tpu.memory_space<vmem_shared>>
      %dma_wait3A_17 = tpu.memref_slice %arg4[%mul3A_2] : memref<100352xf32, #tpu.memory_space<hbm>> -> memref<6272xf32, #tpu.memory_space<hbm>>
      tpu.wait_dma2 semaphore(%run_scoped3A : memref<!tpu.dma_semaphore, #tpu.memory_space<semaphore_mem>>) src(%dma_wait3A_17 : memref<6272xf32, #tpu.memory_space<hbm>>) dst(%dma_wait3A : memref<6272xf32, #tpu.memory_space<vmem_shared>>)
      tpu.yield
    }) : () -> ()
    "tpu.region"() ({
      %run_scoped3A = tpu.sem_alloc : memref<!tpu.dma_semaphore, #tpu.memory_space<semaphore_mem>>
      %dma_start3A = tpu.memref_slice %arg15[%mul3A_2] : memref<100352xf32, #tpu.memory_space<vmem_shared>> -> memref<6272xf32, #tpu.memory_space<vmem_shared>>
      %dma_start3A_16 = tpu.memref_slice %arg5[%mul3A_2] : memref<100352xf32, #tpu.memory_space<hbm>> -> memref<6272xf32, #tpu.memory_space<hbm>>
      tpu.enqueue_dma source(%dma_start3A_16 : memref<6272xf32, #tpu.memory_space<hbm>>) target(%dma_start3A : memref<6272xf32, #tpu.memory_space<vmem_shared>>) target_semaphore(%run_scoped3A : memref<!tpu.dma_semaphore, #tpu.memory_space<semaphore_mem>>)
      %dma_wait3A = tpu.memref_slice %arg15[%mul3A_2] : memref<100352xf32, #tpu.memory_space<vmem_shared>> -> memref<6272xf32, #tpu.memory_space<vmem_shared>>
      %dma_wait3A_17 = tpu.memref_slice %arg5[%mul3A_2] : memref<100352xf32, #tpu.memory_space<hbm>> -> memref<6272xf32, #tpu.memory_space<hbm>>
      tpu.wait_dma2 semaphore(%run_scoped3A : memref<!tpu.dma_semaphore, #tpu.memory_space<semaphore_mem>>) src(%dma_wait3A_17 : memref<6272xf32, #tpu.memory_space<hbm>>) dst(%dma_wait3A : memref<6272xf32, #tpu.memory_space<vmem_shared>>)
      tpu.yield
    }) : () -> ()
    %mul3A_3 = arith.constant 50000 : i32
    %mul3A_4 = arith.muli %add3A, %mul3A_3 : i32
    "tpu.region"() ({
      %run_scoped3A = tpu.sem_alloc : memref<!tpu.dma_semaphore, #tpu.memory_space<semaphore_mem>>
      %dma_start3A = tpu.memref_slice %arg3[%mul3A_4] : memref<1600000xi32, #tpu.memory_space<hbm>> -> memref<50000xi32, #tpu.memory_space<hbm>>
      %dma_start3A_16 = tpu.memref_slice %arg3[%mul3A_4] : memref<1600000xi32, #tpu.memory_space<hbm>> -> memref<50000xi32, #tpu.memory_space<hbm>>
      tpu.enqueue_dma source(%dma_start3A_16 : memref<50000xi32, #tpu.memory_space<hbm>>) target(%arg12 : memref<50000xi32, #tpu.memory_space<vmem>>) target_semaphore(%run_scoped3A : memref<!tpu.dma_semaphore, #tpu.memory_space<semaphore_mem>>)
      %dma_wait3A = tpu.memref_slice %arg3[%mul3A_4] : memref<1600000xi32, #tpu.memory_space<hbm>> -> memref<50000xi32, #tpu.memory_space<hbm>>
      %dma_wait3A_17 = tpu.memref_slice %arg3[%mul3A_4] : memref<1600000xi32, #tpu.memory_space<hbm>> -> memref<50000xi32, #tpu.memory_space<hbm>>
      tpu.wait_dma2 semaphore(%run_scoped3A : memref<!tpu.dma_semaphore, #tpu.memory_space<semaphore_mem>>) src(%dma_wait3A_17 : memref<50000xi32, #tpu.memory_space<hbm>>) dst(%arg12 : memref<50000xi32, #tpu.memory_space<vmem>>)
      tpu.yield
    }) : () -> ()
    %add3A_5 = arith.constant 0 : i32
    %add3A_6 = arith.addi %mul3A_4, %add3A_5 : i32
    "tpu.region"() ({
      %run_scoped3A = tpu.sem_alloc : memref<!tpu.dma_semaphore, #tpu.memory_space<semaphore_mem>>
      %dma_start3A = tpu.memref_slice %arg2[%add3A_6] : memref<1600000xi32, #tpu.memory_space<hbm>> -> memref<10000xi32, #tpu.memory_space<hbm>>
      %dma_start3A_16 = tpu.memref_slice %arg2[%add3A_6] : memref<1600000xi32, #tpu.memory_space<hbm>> -> memref<10000xi32, #tpu.memory_space<hbm>>
      tpu.enqueue_dma source(%dma_start3A_16 : memref<10000xi32, #tpu.memory_space<hbm>>) target(%arg7 : memref<10000xi32, #tpu.memory_space<vmem>>) target_semaphore(%run_scoped3A : memref<!tpu.dma_semaphore, #tpu.memory_space<semaphore_mem>>)
      %dma_wait3A = tpu.memref_slice %arg2[%add3A_6] : memref<1600000xi32, #tpu.memory_space<hbm>> -> memref<10000xi32, #tpu.memory_space<hbm>>
      %dma_wait3A_17 = tpu.memref_slice %arg2[%add3A_6] : memref<1600000xi32, #tpu.memory_space<hbm>> -> memref<10000xi32, #tpu.memory_space<hbm>>
      tpu.wait_dma2 semaphore(%run_scoped3A : memref<!tpu.dma_semaphore, #tpu.memory_space<semaphore_mem>>) src(%dma_wait3A_17 : memref<10000xi32, #tpu.memory_space<hbm>>) dst(%arg7 : memref<10000xi32, #tpu.memory_space<vmem>>)
      tpu.yield
    }) : () -> ()
    %add3A_7 = arith.constant 10000 : i32
    %add3A_8 = arith.addi %mul3A_4, %add3A_7 : i32
    "tpu.region"() ({
      %run_scoped3A = tpu.sem_alloc : memref<!tpu.dma_semaphore, #tpu.memory_space<semaphore_mem>>
      %dma_start3A = tpu.memref_slice %arg2[%add3A_8] : memref<1600000xi32, #tpu.memory_space<hbm>> -> memref<10000xi32, #tpu.memory_space<hbm>>
      %dma_start3A_16 = tpu.memref_slice %arg2[%add3A_8] : memref<1600000xi32, #tpu.memory_space<hbm>> -> memref<10000xi32, #tpu.memory_space<hbm>>
      tpu.enqueue_dma source(%dma_start3A_16 : memref<10000xi32, #tpu.memory_space<hbm>>) target(%arg8 : memref<10000xi32, #tpu.memory_space<vmem>>) target_semaphore(%run_scoped3A : memref<!tpu.dma_semaphore, #tpu.memory_space<semaphore_mem>>)
      %dma_wait3A = tpu.memref_slice %arg2[%add3A_8] : memref<1600000xi32, #tpu.memory_space<hbm>> -> memref<10000xi32, #tpu.memory_space<hbm>>
      %dma_wait3A_17 = tpu.memref_slice %arg2[%add3A_8] : memref<1600000xi32, #tpu.memory_space<hbm>> -> memref<10000xi32, #tpu.memory_space<hbm>>
      tpu.wait_dma2 semaphore(%run_scoped3A : memref<!tpu.dma_semaphore, #tpu.memory_space<semaphore_mem>>) src(%dma_wait3A_17 : memref<10000xi32, #tpu.memory_space<hbm>>) dst(%arg8 : memref<10000xi32, #tpu.memory_space<vmem>>)
      tpu.yield
    }) : () -> ()
    %add3A_9 = arith.constant 20000 : i32
    %add3A_10 = arith.addi %mul3A_4, %add3A_9 : i32
    "tpu.region"() ({
      %run_scoped3A = tpu.sem_alloc : memref<!tpu.dma_semaphore, #tpu.memory_space<semaphore_mem>>
      %dma_start3A = tpu.memref_slice %arg2[%add3A_10] : memref<1600000xi32, #tpu.memory_space<hbm>> -> memref<10000xi32, #tpu.memory_space<hbm>>
      %dma_start3A_16 = tpu.memref_slice %arg2[%add3A_10] : memref<1600000xi32, #tpu.memory_space<hbm>> -> memref<10000xi32, #tpu.memory_space<hbm>>
      tpu.enqueue_dma source(%dma_start3A_16 : memref<10000xi32, #tpu.memory_space<hbm>>) target(%arg9 : memref<10000xi32, #tpu.memory_space<vmem>>) target_semaphore(%run_scoped3A : memref<!tpu.dma_semaphore, #tpu.memory_space<semaphore_mem>>)
      %dma_wait3A = tpu.memref_slice %arg2[%add3A_10] : memref<1600000xi32, #tpu.memory_space<hbm>> -> memref<10000xi32, #tpu.memory_space<hbm>>
      %dma_wait3A_17 = tpu.memref_slice %arg2[%add3A_10] : memref<1600000xi32, #tpu.memory_space<hbm>> -> memref<10000xi32, #tpu.memory_space<hbm>>
      tpu.wait_dma2 semaphore(%run_scoped3A : memref<!tpu.dma_semaphore, #tpu.memory_space<semaphore_mem>>) src(%dma_wait3A_17 : memref<10000xi32, #tpu.memory_space<hbm>>) dst(%arg9 : memref<10000xi32, #tpu.memory_space<vmem>>)
      tpu.yield
    }) : () -> ()
    %add3A_11 = arith.constant 30000 : i32
    %add3A_12 = arith.addi %mul3A_4, %add3A_11 : i32
    "tpu.region"() ({
      %run_scoped3A = tpu.sem_alloc : memref<!tpu.dma_semaphore, #tpu.memory_space<semaphore_mem>>
      %dma_start3A = tpu.memref_slice %arg2[%add3A_12] : memref<1600000xi32, #tpu.memory_space<hbm>> -> memref<10000xi32, #tpu.memory_space<hbm>>
      %dma_start3A_16 = tpu.memref_slice %arg2[%add3A_12] : memref<1600000xi32, #tpu.memory_space<hbm>> -> memref<10000xi32, #tpu.memory_space<hbm>>
      tpu.enqueue_dma source(%dma_start3A_16 : memref<10000xi32, #tpu.memory_space<hbm>>) target(%arg10 : memref<10000xi32, #tpu.memory_space<vmem>>) target_semaphore(%run_scoped3A : memref<!tpu.dma_semaphore, #tpu.memory_space<semaphore_mem>>)
      %dma_wait3A = tpu.memref_slice %arg2[%add3A_12] : memref<1600000xi32, #tpu.memory_space<hbm>> -> memref<10000xi32, #tpu.memory_space<hbm>>
      %dma_wait3A_17 = tpu.memref_slice %arg2[%add3A_12] : memref<1600000xi32, #tpu.memory_space<hbm>> -> memref<10000xi32, #tpu.memory_space<hbm>>
      tpu.wait_dma2 semaphore(%run_scoped3A : memref<!tpu.dma_semaphore, #tpu.memory_space<semaphore_mem>>) src(%dma_wait3A_17 : memref<10000xi32, #tpu.memory_space<hbm>>) dst(%arg10 : memref<10000xi32, #tpu.memory_space<vmem>>)
      tpu.yield
    }) : () -> ()
    %add3A_13 = arith.constant 40000 : i32
    %add3A_14 = arith.addi %mul3A_4, %add3A_13 : i32
    "tpu.region"() ({
      %run_scoped3A = tpu.sem_alloc : memref<!tpu.dma_semaphore, #tpu.memory_space<semaphore_mem>>
      %dma_start3A = tpu.memref_slice %arg2[%add3A_14] : memref<1600000xi32, #tpu.memory_space<hbm>> -> memref<10000xi32, #tpu.memory_space<hbm>>
      %dma_start3A_16 = tpu.memref_slice %arg2[%add3A_14] : memref<1600000xi32, #tpu.memory_space<hbm>> -> memref<10000xi32, #tpu.memory_space<hbm>>
      tpu.enqueue_dma source(%dma_start3A_16 : memref<10000xi32, #tpu.memory_space<hbm>>) target(%arg11 : memref<10000xi32, #tpu.memory_space<vmem>>) target_semaphore(%run_scoped3A : memref<!tpu.dma_semaphore, #tpu.memory_space<semaphore_mem>>)
      %dma_wait3A = tpu.memref_slice %arg2[%add3A_14] : memref<1600000xi32, #tpu.memory_space<hbm>> -> memref<10000xi32, #tpu.memory_space<hbm>>
      %dma_wait3A_17 = tpu.memref_slice %arg2[%add3A_14] : memref<1600000xi32, #tpu.memory_space<hbm>> -> memref<10000xi32, #tpu.memory_space<hbm>>
      tpu.wait_dma2 semaphore(%run_scoped3A : memref<!tpu.dma_semaphore, #tpu.memory_space<semaphore_mem>>) src(%dma_wait3A_17 : memref<10000xi32, #tpu.memory_space<hbm>>) dst(%arg11 : memref<10000xi32, #tpu.memory_space<vmem>>)
      tpu.yield
    }) : () -> ()
    %barrier3A = arith.constant 0 : index
    tpu.barrier barrier_id(%barrier3A)
    "tpu.region"() ({
      %run_scoped3A = tpu.sem_alloc : memref<!tpu.dma_semaphore, #tpu.memory_space<semaphore_mem>>
      %dma_start3A = arith.constant 0 : i32
      %dma_start3A_16 = tpu.memref_slice %arg12[%dma_start3A] : memref<50000xi32, #tpu.memory_space<vmem>> -> memref<10000xi32, #tpu.memory_space<vmem>>
      %dma_start3A_17 = arith.constant 0 : i32
      %dma_start3A_18 = tpu.memref_slice %arg14[%dma_start3A_17] : memref<100352xf32, #tpu.memory_space<vmem_shared>> -> memref<100352xf32, #tpu.memory_space<vmem_shared>>
      tpu.enqueue_indirect_dma source(%dma_start3A_18 : memref<100352xf32, #tpu.memory_space<vmem_shared>>) target(%arg13 : memref<10000xf32, #tpu.memory_space<vmem>>) offsets(%dma_start3A_16 : memref<10000xi32, #tpu.memory_space<vmem>>) semaphore(%run_scoped3A : memref<!tpu.dma_semaphore, #tpu.memory_space<semaphore_mem>>)
      %dma_wait3A = arith.constant 0 : i32
      %dma_wait3A_19 = tpu.memref_slice %arg12[%dma_wait3A] : memref<50000xi32, #tpu.memory_space<vmem>> -> memref<10000xi32, #tpu.memory_space<vmem>>
      %dma_wait3A_20 = arith.constant 0 : i32
      %dma_wait3A_21 = tpu.memref_slice %arg14[%dma_wait3A_20] : memref<100352xf32, #tpu.memory_space<vmem_shared>> -> memref<100352xf32, #tpu.memory_space<vmem_shared>>
      tpu.wait_indirect_dma semaphore(%run_scoped3A : memref<!tpu.dma_semaphore, #tpu.memory_space<semaphore_mem>>) src(%dma_wait3A_21 : memref<100352xf32, #tpu.memory_space<vmem_shared>>) dst(%arg13 : memref<10000xf32, #tpu.memory_space<vmem>>)
      tpu.yield
    }) : () -> ()
    "tpu.region"() ({
      %run_scoped3A = tpu.sem_alloc : memref<!tpu.dma_semaphore, #tpu.memory_space<semaphore_mem>>
      %dma_start3A = arith.constant 0 : i32
      %dma_start3A_16 = tpu.memref_slice %arg15[%dma_start3A] : memref<100352xf32, #tpu.memory_space<vmem_shared>> -> memref<100352xf32, #tpu.memory_space<vmem_shared>>
      tpu.enqueue_indirect_dma source(%arg13 : memref<10000xf32, #tpu.memory_space<vmem>>) target(%dma_start3A_16 : memref<100352xf32, #tpu.memory_space<vmem_shared>>) offsets(%arg7 : memref<10000xi32, #tpu.memory_space<vmem>>) semaphore(%run_scoped3A : memref<!tpu.dma_semaphore, #tpu.memory_space<semaphore_mem>>) {add = true}
      %dma_wait3A = arith.constant 0 : i32
      %dma_wait3A_17 = tpu.memref_slice %arg15[%dma_wait3A] : memref<100352xf32, #tpu.memory_space<vmem_shared>> -> memref<100352xf32, #tpu.memory_space<vmem_shared>>
      tpu.wait_indirect_dma semaphore(%run_scoped3A : memref<!tpu.dma_semaphore, #tpu.memory_space<semaphore_mem>>) src(%arg13 : memref<10000xf32, #tpu.memory_space<vmem>>) dst(%dma_wait3A_17 : memref<100352xf32, #tpu.memory_space<vmem_shared>>)
      tpu.yield
    }) : () -> ()
    "tpu.region"() ({
      %run_scoped3A = tpu.sem_alloc : memref<!tpu.dma_semaphore, #tpu.memory_space<semaphore_mem>>
      %dma_start3A = arith.constant 10000 : i32
      %dma_start3A_16 = tpu.memref_slice %arg12[%dma_start3A] : memref<50000xi32, #tpu.memory_space<vmem>> -> memref<10000xi32, #tpu.memory_space<vmem>>
      %dma_start3A_17 = arith.constant 0 : i32
      %dma_start3A_18 = tpu.memref_slice %arg14[%dma_start3A_17] : memref<100352xf32, #tpu.memory_space<vmem_shared>> -> memref<100352xf32, #tpu.memory_space<vmem_shared>>
      tpu.enqueue_indirect_dma source(%dma_start3A_18 : memref<100352xf32, #tpu.memory_space<vmem_shared>>) target(%arg13 : memref<10000xf32, #tpu.memory_space<vmem>>) offsets(%dma_start3A_16 : memref<10000xi32, #tpu.memory_space<vmem>>) semaphore(%run_scoped3A : memref<!tpu.dma_semaphore, #tpu.memory_space<semaphore_mem>>)
      %dma_wait3A = arith.constant 10000 : i32
      %dma_wait3A_19 = tpu.memref_slice %arg12[%dma_wait3A] : memref<50000xi32, #tpu.memory_space<vmem>> -> memref<10000xi32, #tpu.memory_space<vmem>>
      %dma_wait3A_20 = arith.constant 0 : i32
      %dma_wait3A_21 = tpu.memref_slice %arg14[%dma_wait3A_20] : memref<100352xf32, #tpu.memory_space<vmem_shared>> -> memref<100352xf32, #tpu.memory_space<vmem_shared>>
      tpu.wait_indirect_dma semaphore(%run_scoped3A : memref<!tpu.dma_semaphore, #tpu.memory_space<semaphore_mem>>) src(%dma_wait3A_21 : memref<100352xf32, #tpu.memory_space<vmem_shared>>) dst(%arg13 : memref<10000xf32, #tpu.memory_space<vmem>>)
      tpu.yield
    }) : () -> ()
    "tpu.region"() ({
      %run_scoped3A = tpu.sem_alloc : memref<!tpu.dma_semaphore, #tpu.memory_space<semaphore_mem>>
      %dma_start3A = arith.constant 0 : i32
      %dma_start3A_16 = tpu.memref_slice %arg15[%dma_start3A] : memref<100352xf32, #tpu.memory_space<vmem_shared>> -> memref<100352xf32, #tpu.memory_space<vmem_shared>>
      tpu.enqueue_indirect_dma source(%arg13 : memref<10000xf32, #tpu.memory_space<vmem>>) target(%dma_start3A_16 : memref<100352xf32, #tpu.memory_space<vmem_shared>>) offsets(%arg8 : memref<10000xi32, #tpu.memory_space<vmem>>) semaphore(%run_scoped3A : memref<!tpu.dma_semaphore, #tpu.memory_space<semaphore_mem>>) {add = true}
      %dma_wait3A = arith.constant 0 : i32
      %dma_wait3A_17 = tpu.memref_slice %arg15[%dma_wait3A] : memref<100352xf32, #tpu.memory_space<vmem_shared>> -> memref<100352xf32, #tpu.memory_space<vmem_shared>>
      tpu.wait_indirect_dma semaphore(%run_scoped3A : memref<!tpu.dma_semaphore, #tpu.memory_space<semaphore_mem>>) src(%arg13 : memref<10000xf32, #tpu.memory_space<vmem>>) dst(%dma_wait3A_17 : memref<100352xf32, #tpu.memory_space<vmem_shared>>)
      tpu.yield
    }) : () -> ()
    "tpu.region"() ({
      %run_scoped3A = tpu.sem_alloc : memref<!tpu.dma_semaphore, #tpu.memory_space<semaphore_mem>>
      %dma_start3A = arith.constant 20000 : i32
      %dma_start3A_16 = tpu.memref_slice %arg12[%dma_start3A] : memref<50000xi32, #tpu.memory_space<vmem>> -> memref<10000xi32, #tpu.memory_space<vmem>>
      %dma_start3A_17 = arith.constant 0 : i32
      %dma_start3A_18 = tpu.memref_slice %arg14[%dma_start3A_17] : memref<100352xf32, #tpu.memory_space<vmem_shared>> -> memref<100352xf32, #tpu.memory_space<vmem_shared>>
      tpu.enqueue_indirect_dma source(%dma_start3A_18 : memref<100352xf32, #tpu.memory_space<vmem_shared>>) target(%arg13 : memref<10000xf32, #tpu.memory_space<vmem>>) offsets(%dma_start3A_16 : memref<10000xi32, #tpu.memory_space<vmem>>) semaphore(%run_scoped3A : memref<!tpu.dma_semaphore, #tpu.memory_space<semaphore_mem>>)
      %dma_wait3A = arith.constant 20000 : i32
      %dma_wait3A_19 = tpu.memref_slice %arg12[%dma_wait3A] : memref<50000xi32, #tpu.memory_space<vmem>> -> memref<10000xi32, #tpu.memory_space<vmem>>
      %dma_wait3A_20 = arith.constant 0 : i32
      %dma_wait3A_21 = tpu.memref_slice %arg14[%dma_wait3A_20] : memref<100352xf32, #tpu.memory_space<vmem_shared>> -> memref<100352xf32, #tpu.memory_space<vmem_shared>>
      tpu.wait_indirect_dma semaphore(%run_scoped3A : memref<!tpu.dma_semaphore, #tpu.memory_space<semaphore_mem>>) src(%dma_wait3A_21 : memref<100352xf32, #tpu.memory_space<vmem_shared>>) dst(%arg13 : memref<10000xf32, #tpu.memory_space<vmem>>)
      tpu.yield
    }) : () -> ()
    "tpu.region"() ({
      %run_scoped3A = tpu.sem_alloc : memref<!tpu.dma_semaphore, #tpu.memory_space<semaphore_mem>>
      %dma_start3A = arith.constant 0 : i32
      %dma_start3A_16 = tpu.memref_slice %arg15[%dma_start3A] : memref<100352xf32, #tpu.memory_space<vmem_shared>> -> memref<100352xf32, #tpu.memory_space<vmem_shared>>
      tpu.enqueue_indirect_dma source(%arg13 : memref<10000xf32, #tpu.memory_space<vmem>>) target(%dma_start3A_16 : memref<100352xf32, #tpu.memory_space<vmem_shared>>) offsets(%arg9 : memref<10000xi32, #tpu.memory_space<vmem>>) semaphore(%run_scoped3A : memref<!tpu.dma_semaphore, #tpu.memory_space<semaphore_mem>>) {add = true}
      %dma_wait3A = arith.constant 0 : i32
      %dma_wait3A_17 = tpu.memref_slice %arg15[%dma_wait3A] : memref<100352xf32, #tpu.memory_space<vmem_shared>> -> memref<100352xf32, #tpu.memory_space<vmem_shared>>
      tpu.wait_indirect_dma semaphore(%run_scoped3A : memref<!tpu.dma_semaphore, #tpu.memory_space<semaphore_mem>>) src(%arg13 : memref<10000xf32, #tpu.memory_space<vmem>>) dst(%dma_wait3A_17 : memref<100352xf32, #tpu.memory_space<vmem_shared>>)
      tpu.yield
    }) : () -> ()
    "tpu.region"() ({
      %run_scoped3A = tpu.sem_alloc : memref<!tpu.dma_semaphore, #tpu.memory_space<semaphore_mem>>
      %dma_start3A = arith.constant 30000 : i32
      %dma_start3A_16 = tpu.memref_slice %arg12[%dma_start3A] : memref<50000xi32, #tpu.memory_space<vmem>> -> memref<10000xi32, #tpu.memory_space<vmem>>
      %dma_start3A_17 = arith.constant 0 : i32
      %dma_start3A_18 = tpu.memref_slice %arg14[%dma_start3A_17] : memref<100352xf32, #tpu.memory_space<vmem_shared>> -> memref<100352xf32, #tpu.memory_space<vmem_shared>>
      tpu.enqueue_indirect_dma source(%dma_start3A_18 : memref<100352xf32, #tpu.memory_space<vmem_shared>>) target(%arg13 : memref<10000xf32, #tpu.memory_space<vmem>>) offsets(%dma_start3A_16 : memref<10000xi32, #tpu.memory_space<vmem>>) semaphore(%run_scoped3A : memref<!tpu.dma_semaphore, #tpu.memory_space<semaphore_mem>>)
      %dma_wait3A = arith.constant 30000 : i32
      %dma_wait3A_19 = tpu.memref_slice %arg12[%dma_wait3A] : memref<50000xi32, #tpu.memory_space<vmem>> -> memref<10000xi32, #tpu.memory_space<vmem>>
      %dma_wait3A_20 = arith.constant 0 : i32
      %dma_wait3A_21 = tpu.memref_slice %arg14[%dma_wait3A_20] : memref<100352xf32, #tpu.memory_space<vmem_shared>> -> memref<100352xf32, #tpu.memory_space<vmem_shared>>
      tpu.wait_indirect_dma semaphore(%run_scoped3A : memref<!tpu.dma_semaphore, #tpu.memory_space<semaphore_mem>>) src(%dma_wait3A_21 : memref<100352xf32, #tpu.memory_space<vmem_shared>>) dst(%arg13 : memref<10000xf32, #tpu.memory_space<vmem>>)
      tpu.yield
    }) : () -> ()
    "tpu.region"() ({
      %run_scoped3A = tpu.sem_alloc : memref<!tpu.dma_semaphore, #tpu.memory_space<semaphore_mem>>
      %dma_start3A = arith.constant 0 : i32
      %dma_start3A_16 = tpu.memref_slice %arg15[%dma_start3A] : memref<100352xf32, #tpu.memory_space<vmem_shared>> -> memref<100352xf32, #tpu.memory_space<vmem_shared>>
      tpu.enqueue_indirect_dma source(%arg13 : memref<10000xf32, #tpu.memory_space<vmem>>) target(%dma_start3A_16 : memref<100352xf32, #tpu.memory_space<vmem_shared>>) offsets(%arg10 : memref<10000xi32, #tpu.memory_space<vmem>>) semaphore(%run_scoped3A : memref<!tpu.dma_semaphore, #tpu.memory_space<semaphore_mem>>) {add = true}
      %dma_wait3A = arith.constant 0 : i32
      %dma_wait3A_17 = tpu.memref_slice %arg15[%dma_wait3A] : memref<100352xf32, #tpu.memory_space<vmem_shared>> -> memref<100352xf32, #tpu.memory_space<vmem_shared>>
      tpu.wait_indirect_dma semaphore(%run_scoped3A : memref<!tpu.dma_semaphore, #tpu.memory_space<semaphore_mem>>) src(%arg13 : memref<10000xf32, #tpu.memory_space<vmem>>) dst(%dma_wait3A_17 : memref<100352xf32, #tpu.memory_space<vmem_shared>>)
      tpu.yield
    }) : () -> ()
    "tpu.region"() ({
      %run_scoped3A = tpu.sem_alloc : memref<!tpu.dma_semaphore, #tpu.memory_space<semaphore_mem>>
      %dma_start3A = arith.constant 40000 : i32
      %dma_start3A_16 = tpu.memref_slice %arg12[%dma_start3A] : memref<50000xi32, #tpu.memory_space<vmem>> -> memref<10000xi32, #tpu.memory_space<vmem>>
      %dma_start3A_17 = arith.constant 0 : i32
      %dma_start3A_18 = tpu.memref_slice %arg14[%dma_start3A_17] : memref<100352xf32, #tpu.memory_space<vmem_shared>> -> memref<100352xf32, #tpu.memory_space<vmem_shared>>
      tpu.enqueue_indirect_dma source(%dma_start3A_18 : memref<100352xf32, #tpu.memory_space<vmem_shared>>) target(%arg13 : memref<10000xf32, #tpu.memory_space<vmem>>) offsets(%dma_start3A_16 : memref<10000xi32, #tpu.memory_space<vmem>>) semaphore(%run_scoped3A : memref<!tpu.dma_semaphore, #tpu.memory_space<semaphore_mem>>)
      %dma_wait3A = arith.constant 40000 : i32
      %dma_wait3A_19 = tpu.memref_slice %arg12[%dma_wait3A] : memref<50000xi32, #tpu.memory_space<vmem>> -> memref<10000xi32, #tpu.memory_space<vmem>>
      %dma_wait3A_20 = arith.constant 0 : i32
      %dma_wait3A_21 = tpu.memref_slice %arg14[%dma_wait3A_20] : memref<100352xf32, #tpu.memory_space<vmem_shared>> -> memref<100352xf32, #tpu.memory_space<vmem_shared>>
      tpu.wait_indirect_dma semaphore(%run_scoped3A : memref<!tpu.dma_semaphore, #tpu.memory_space<semaphore_mem>>) src(%dma_wait3A_21 : memref<100352xf32, #tpu.memory_space<vmem_shared>>) dst(%arg13 : memref<10000xf32, #tpu.memory_space<vmem>>)
      tpu.yield
    }) : () -> ()
    "tpu.region"() ({
      %run_scoped3A = tpu.sem_alloc : memref<!tpu.dma_semaphore, #tpu.memory_space<semaphore_mem>>
      %dma_start3A = arith.constant 0 : i32
      %dma_start3A_16 = tpu.memref_slice %arg15[%dma_start3A] : memref<100352xf32, #tpu.memory_space<vmem_shared>> -> memref<100352xf32, #tpu.memory_space<vmem_shared>>
      tpu.enqueue_indirect_dma source(%arg13 : memref<10000xf32, #tpu.memory_space<vmem>>) target(%dma_start3A_16 : memref<100352xf32, #tpu.memory_space<vmem_shared>>) offsets(%arg11 : memref<10000xi32, #tpu.memory_space<vmem>>) semaphore(%run_scoped3A : memref<!tpu.dma_semaphore, #tpu.memory_space<semaphore_mem>>) {add = true}
      %dma_wait3A = arith.constant 0 : i32
      %dma_wait3A_17 = tpu.memref_slice %arg15[%dma_wait3A] : memref<100352xf32, #tpu.memory_space<vmem_shared>> -> memref<100352xf32, #tpu.memory_space<vmem_shared>>
      tpu.wait_indirect_dma semaphore(%run_scoped3A : memref<!tpu.dma_semaphore, #tpu.memory_space<semaphore_mem>>) src(%arg13 : memref<10000xf32, #tpu.memory_space<vmem>>) dst(%dma_wait3A_17 : memref<100352xf32, #tpu.memory_space<vmem_shared>>)
      tpu.yield
    }) : () -> ()
    %barrier3A_15 = arith.constant 0 : index
    tpu.barrier barrier_id(%barrier3A_15)
    "tpu.region"() ({
      %run_scoped3A = tpu.sem_alloc : memref<!tpu.dma_semaphore, #tpu.memory_space<semaphore_mem>>
      %dma_start3A = tpu.memref_slice %arg6[%arg0, %mul3A_2] : memref<2x100352xf32, #tpu.memory_space<hbm>> -> memref<1x6272xf32, #tpu.memory_space<hbm>>
      %dma_start3A_16 = tpu.memref_squeeze %dma_start3A : memref<1x6272xf32, #tpu.memory_space<hbm>> -> memref<6272xf32, #tpu.memory_space<hbm>>
      %dma_start3A_17 = tpu.memref_slice %arg15[%mul3A_2] : memref<100352xf32, #tpu.memory_space<vmem_shared>> -> memref<6272xf32, #tpu.memory_space<vmem_shared>>
      tpu.enqueue_dma source(%dma_start3A_17 : memref<6272xf32, #tpu.memory_space<vmem_shared>>) target(%dma_start3A_16 : memref<6272xf32, #tpu.memory_space<hbm>>) target_semaphore(%run_scoped3A : memref<!tpu.dma_semaphore, #tpu.memory_space<semaphore_mem>>)
      %dma_wait3A = tpu.memref_slice %arg6[%arg0, %mul3A_2] : memref<2x100352xf32, #tpu.memory_space<hbm>> -> memref<1x6272xf32, #tpu.memory_space<hbm>>
      %dma_wait3A_18 = tpu.memref_squeeze %dma_wait3A : memref<1x6272xf32, #tpu.memory_space<hbm>> -> memref<6272xf32, #tpu.memory_space<hbm>>
      %dma_wait3A_19 = tpu.memref_slice %arg15[%mul3A_2] : memref<100352xf32, #tpu.memory_space<vmem_shared>> -> memref<6272xf32, #tpu.memory_space<vmem_shared>>
      tpu.wait_dma2 semaphore(%run_scoped3A : memref<!tpu.dma_semaphore, #tpu.memory_space<semaphore_mem>>) src(%dma_wait3A_19 : memref<6272xf32, #tpu.memory_space<vmem_shared>>) dst(%dma_wait3A_18 : memref<6272xf32, #tpu.memory_space<hbm>>)
      tpu.yield
    }) : () -> ()
    return
  }
}

#map = affine_map<(d0, d1) -> (0)>
#map1 = affine_map<(d0, d1) -> (0, 0)>
module attributes {stable_mosaic.version = 14 : i64} {
  func.func @_hist_body(%arg0: i32, %arg1: i32, %arg2: memref<1600000xi32, #tpu.memory_space<hbm>>, %arg3: memref<100352xf32, #tpu.memory_space<hbm>>, %arg4: memref<50000xf32, #tpu.memory_space<hbm>>, %arg5: memref<2x100352xf32, #tpu.memory_space<hbm>>, %arg6: memref<50000xi32, #tpu.memory_space<vmem>>, %arg7: memref<50000xf32, #tpu.memory_space<vmem>>, %arg8: memref<100352xf32, #tpu.memory_space<vmem_shared>>) attributes {dimension_semantics = [#tpu.dimension_semantics<core_parallel>, #tpu.dimension_semantics<subcore_parallel>], iteration_bounds = array<i64: 2, 16>, scalar_prefetch = 0 : i64, scratch_operands = 3 : i64, tpu.core_type = #tpu.core_type<sc_vector_subcore>, window_params = [{transform_indices = #map}, {transform_indices = #map}, {transform_indices = #map}, {transform_indices = #map1}]} {
    %mul3A = arith.constant 16 : i32
    %mul3A_0 = arith.muli %arg0, %mul3A : i32
    %add3A = arith.addi %mul3A_0, %arg1 : i32
    %mul3A_1 = arith.constant 6272 : i32
    %mul3A_2 = arith.muli %arg1, %mul3A_1 : i32
    "tpu.region"() ({
      %run_scoped3A = tpu.sem_alloc : memref<!tpu.dma_semaphore, #tpu.memory_space<semaphore_mem>>
      %dma_start3A = tpu.memref_slice %arg8[%mul3A_2] : memref<100352xf32, #tpu.memory_space<vmem_shared>> -> memref<6272xf32, #tpu.memory_space<vmem_shared>>
      %dma_start3A_6 = tpu.memref_slice %arg3[%mul3A_2] : memref<100352xf32, #tpu.memory_space<hbm>> -> memref<6272xf32, #tpu.memory_space<hbm>>
      tpu.enqueue_dma source(%dma_start3A_6 : memref<6272xf32, #tpu.memory_space<hbm>>) target(%dma_start3A : memref<6272xf32, #tpu.memory_space<vmem_shared>>) target_semaphore(%run_scoped3A : memref<!tpu.dma_semaphore, #tpu.memory_space<semaphore_mem>>)
      %dma_wait3A = tpu.memref_slice %arg8[%mul3A_2] : memref<100352xf32, #tpu.memory_space<vmem_shared>> -> memref<6272xf32, #tpu.memory_space<vmem_shared>>
      %dma_wait3A_7 = tpu.memref_slice %arg3[%mul3A_2] : memref<100352xf32, #tpu.memory_space<hbm>> -> memref<6272xf32, #tpu.memory_space<hbm>>
      tpu.wait_dma2 semaphore(%run_scoped3A : memref<!tpu.dma_semaphore, #tpu.memory_space<semaphore_mem>>) src(%dma_wait3A_7 : memref<6272xf32, #tpu.memory_space<hbm>>) dst(%dma_wait3A : memref<6272xf32, #tpu.memory_space<vmem_shared>>)
      tpu.yield
    }) : () -> ()
    "tpu.region"() ({
      %run_scoped3A = tpu.sem_alloc : memref<!tpu.dma_semaphore, #tpu.memory_space<semaphore_mem>>
      tpu.enqueue_dma source(%arg4 : memref<50000xf32, #tpu.memory_space<hbm>>) target(%arg7 : memref<50000xf32, #tpu.memory_space<vmem>>) target_semaphore(%run_scoped3A : memref<!tpu.dma_semaphore, #tpu.memory_space<semaphore_mem>>)
      tpu.wait_dma2 semaphore(%run_scoped3A : memref<!tpu.dma_semaphore, #tpu.memory_space<semaphore_mem>>) src(%arg4 : memref<50000xf32, #tpu.memory_space<hbm>>) dst(%arg7 : memref<50000xf32, #tpu.memory_space<vmem>>)
      tpu.yield
    }) : () -> ()
    %mul3A_3 = arith.constant 50000 : i32
    %mul3A_4 = arith.muli %add3A, %mul3A_3 : i32
    "tpu.region"() ({
      %run_scoped3A = tpu.sem_alloc : memref<!tpu.dma_semaphore, #tpu.memory_space<semaphore_mem>>
      %dma_start3A = tpu.memref_slice %arg2[%mul3A_4] : memref<1600000xi32, #tpu.memory_space<hbm>> -> memref<50000xi32, #tpu.memory_space<hbm>>
      %dma_start3A_6 = tpu.memref_slice %arg2[%mul3A_4] : memref<1600000xi32, #tpu.memory_space<hbm>> -> memref<50000xi32, #tpu.memory_space<hbm>>
      tpu.enqueue_dma source(%dma_start3A_6 : memref<50000xi32, #tpu.memory_space<hbm>>) target(%arg6 : memref<50000xi32, #tpu.memory_space<vmem>>) target_semaphore(%run_scoped3A : memref<!tpu.dma_semaphore, #tpu.memory_space<semaphore_mem>>)
      %dma_wait3A = tpu.memref_slice %arg2[%mul3A_4] : memref<1600000xi32, #tpu.memory_space<hbm>> -> memref<50000xi32, #tpu.memory_space<hbm>>
      %dma_wait3A_7 = tpu.memref_slice %arg2[%mul3A_4] : memref<1600000xi32, #tpu.memory_space<hbm>> -> memref<50000xi32, #tpu.memory_space<hbm>>
      tpu.wait_dma2 semaphore(%run_scoped3A : memref<!tpu.dma_semaphore, #tpu.memory_space<semaphore_mem>>) src(%dma_wait3A_7 : memref<50000xi32, #tpu.memory_space<hbm>>) dst(%arg6 : memref<50000xi32, #tpu.memory_space<vmem>>)
      tpu.yield
    }) : () -> ()
    %barrier3A = arith.constant 0 : index
    tpu.barrier barrier_id(%barrier3A)
    "tpu.region"() ({
      %run_scoped3A = tpu.sem_alloc : memref<!tpu.dma_semaphore, #tpu.memory_space<semaphore_mem>>
      %dma_start3A = arith.constant 0 : i32
      %dma_start3A_6 = tpu.memref_slice %arg8[%dma_start3A] : memref<100352xf32, #tpu.memory_space<vmem_shared>> -> memref<100352xf32, #tpu.memory_space<vmem_shared>>
      tpu.enqueue_indirect_dma source(%arg7 : memref<50000xf32, #tpu.memory_space<vmem>>) target(%dma_start3A_6 : memref<100352xf32, #tpu.memory_space<vmem_shared>>) offsets(%arg6 : memref<50000xi32, #tpu.memory_space<vmem>>) semaphore(%run_scoped3A : memref<!tpu.dma_semaphore, #tpu.memory_space<semaphore_mem>>) {add = true}
      %dma_wait3A = arith.constant 0 : i32
      %dma_wait3A_7 = tpu.memref_slice %arg8[%dma_wait3A] : memref<100352xf32, #tpu.memory_space<vmem_shared>> -> memref<100352xf32, #tpu.memory_space<vmem_shared>>
      tpu.wait_indirect_dma semaphore(%run_scoped3A : memref<!tpu.dma_semaphore, #tpu.memory_space<semaphore_mem>>) src(%arg7 : memref<50000xf32, #tpu.memory_space<vmem>>) dst(%dma_wait3A_7 : memref<100352xf32, #tpu.memory_space<vmem_shared>>)
      tpu.yield
    }) : () -> ()
    %barrier3A_5 = arith.constant 0 : index
    tpu.barrier barrier_id(%barrier3A_5)
    "tpu.region"() ({
      %run_scoped3A = tpu.sem_alloc : memref<!tpu.dma_semaphore, #tpu.memory_space<semaphore_mem>>
      %dma_start3A = tpu.memref_slice %arg5[%arg0, %mul3A_2] : memref<2x100352xf32, #tpu.memory_space<hbm>> -> memref<1x6272xf32, #tpu.memory_space<hbm>>
      %dma_start3A_6 = tpu.memref_squeeze %dma_start3A : memref<1x6272xf32, #tpu.memory_space<hbm>> -> memref<6272xf32, #tpu.memory_space<hbm>>
      %dma_start3A_7 = tpu.memref_slice %arg8[%mul3A_2] : memref<100352xf32, #tpu.memory_space<vmem_shared>> -> memref<6272xf32, #tpu.memory_space<vmem_shared>>
      tpu.enqueue_dma source(%dma_start3A_7 : memref<6272xf32, #tpu.memory_space<vmem_shared>>) target(%dma_start3A_6 : memref<6272xf32, #tpu.memory_space<hbm>>) target_semaphore(%run_scoped3A : memref<!tpu.dma_semaphore, #tpu.memory_space<semaphore_mem>>)
      %dma_wait3A = tpu.memref_slice %arg5[%arg0, %mul3A_2] : memref<2x100352xf32, #tpu.memory_space<hbm>> -> memref<1x6272xf32, #tpu.memory_space<hbm>>
      %dma_wait3A_8 = tpu.memref_squeeze %dma_wait3A : memref<1x6272xf32, #tpu.memory_space<hbm>> -> memref<6272xf32, #tpu.memory_space<hbm>>
      %dma_wait3A_9 = tpu.memref_slice %arg8[%mul3A_2] : memref<100352xf32, #tpu.memory_space<vmem_shared>> -> memref<6272xf32, #tpu.memory_space<vmem_shared>>
      tpu.wait_dma2 semaphore(%run_scoped3A : memref<!tpu.dma_semaphore, #tpu.memory_space<semaphore_mem>>) src(%dma_wait3A_9 : memref<6272xf32, #tpu.memory_space<vmem_shared>>) dst(%dma_wait3A_8 : memref<6272xf32, #tpu.memory_space<hbm>>)
      tpu.yield
    }) : () -> ()
    return
  }
}

module attributes {stable_mosaic.version = 14 : i64} {
  func.func @_moments_body(%arg0: i32, %arg1: memref<1x112x128xf32, #tpu.memory_space<vmem>>, %arg2: memref<1x112x128xf32, #tpu.memory_space<vmem>>, %arg3: memref<8xf32, #tpu.memory_space<smem>>, %arg4: memref<8xf32, #tpu.memory_space<smem>>) attributes {dimension_semantics = [#tpu.dimension_semantics<arbitrary>], iteration_bounds = array<i64: 7>, scalar_prefetch = 0 : i64, scratch_operands = 1 : i64, tpu.core_type = #tpu.core_type<tc>, window_params = [{transform_indices = @transform_0, window_bounds = array<i64: 1, 112, 128>}, {transform_indices = @transform_1, window_bounds = array<i64: 1, 112, 128>}, {transform_indices = @transform_2, window_bounds = array<i64: 8>}]} {
    %eq3A = arith.constant 0 : i32
    %eq3A_0 = arith.cmpi eq, %arg0, %eq3A : i32
    %convert_element_type3A = arith.extui %eq3A_0 : i1 to i32
    %cond3A = arith.constant 0 : i32
    %cond3A_1 = arith.cmpi ne, %convert_element_type3A, %cond3A : i32
    scf.if %cond3A_1 {
      %swap3A_65 = arith.constant 0.000000e+00 : f32
      %swap3A_66 = arith.constant 0 : index
      %swap3A_67 = memref.load %arg4[%swap3A_66] : memref<8xf32, #tpu.memory_space<smem>>
      memref.store %swap3A_65, %arg4[%swap3A_66] : memref<8xf32, #tpu.memory_space<smem>>
      %swap3A_68 = arith.constant 0.000000e+00 : f32
      %swap3A_69 = arith.constant 1 : index
      %swap3A_70 = memref.load %arg4[%swap3A_69] : memref<8xf32, #tpu.memory_space<smem>>
      memref.store %swap3A_68, %arg4[%swap3A_69] : memref<8xf32, #tpu.memory_space<smem>>
      %swap3A_71 = arith.constant 0.000000e+00 : f32
      %swap3A_72 = arith.constant 2 : index
      %swap3A_73 = memref.load %arg4[%swap3A_72] : memref<8xf32, #tpu.memory_space<smem>>
      memref.store %swap3A_71, %arg4[%swap3A_72] : memref<8xf32, #tpu.memory_space<smem>>
      %swap3A_74 = arith.constant 0.000000e+00 : f32
      %swap3A_75 = arith.constant 3 : index
      %swap3A_76 = memref.load %arg4[%swap3A_75] : memref<8xf32, #tpu.memory_space<smem>>
      memref.store %swap3A_74, %arg4[%swap3A_75] : memref<8xf32, #tpu.memory_space<smem>>
      %swap3A_77 = arith.constant 0.000000e+00 : f32
      %swap3A_78 = arith.constant 4 : index
      %swap3A_79 = memref.load %arg4[%swap3A_78] : memref<8xf32, #tpu.memory_space<smem>>
      memref.store %swap3A_77, %arg4[%swap3A_78] : memref<8xf32, #tpu.memory_space<smem>>
    } else {
    }
    %get3A = arith.constant 0 : index
    %get3A_2 = arith.constant 0 : index
    %get3A_3 = arith.constant 0 : index
    %get3A_4 = vector.load %arg1[%get3A, %get3A_2, %get3A_3] : memref<1x112x128xf32, #tpu.memory_space<vmem>>, vector<1x112x128xf32>
    %get3A_5 = vector.shape_cast %get3A_4 : vector<1x112x128xf32> to vector<112x128xf32>
    %get3A_6 = arith.constant 0 : index
    %get3A_7 = arith.constant 0 : index
    %get3A_8 = arith.constant 0 : index
    %get3A_9 = vector.load %arg2[%get3A_6, %get3A_7, %get3A_8] : memref<1x112x128xf32, #tpu.memory_space<vmem>>, vector<1x112x128xf32>
    %get3A_10 = vector.shape_cast %get3A_9 : vector<1x112x128xf32> to vector<112x128xf32>
    %get3A_11 = arith.constant 0 : index
    %get3A_12 = memref.load %arg4[%get3A_11] : memref<8xf32, #tpu.memory_space<smem>>
    %reduce_sum3A = vector.shape_cast %get3A_5 : vector<112x128xf32> to vector<1x112x128xf32>
    %reduce_sum3A_13 = arith.constant dense<0.000000e+00> : vector<1xf32>
    %reduce_sum3A_14 = vector.multi_reduction <add>, %reduce_sum3A, %reduce_sum3A_13 [1, 2] : vector<1x112x128xf32> to vector<1xf32>
    %reduce_sum3A_15 = vector.shape_cast %reduce_sum3A_14 : vector<1xf32> to vector<1x1x1xf32>
    %reduce_sum3A_16 = vector.extract %reduce_sum3A_15[0, 0, 0] : f32 from vector<1x1x1xf32>
    %add3A = arith.addf %get3A_12, %reduce_sum3A_16 : f32
    %swap3A = arith.constant 0 : index
    %swap3A_17 = memref.load %arg4[%swap3A] : memref<8xf32, #tpu.memory_space<smem>>
    memref.store %add3A, %arg4[%swap3A] : memref<8xf32, #tpu.memory_space<smem>>
    %get3A_18 = arith.constant 1 : index
    %get3A_19 = memref.load %arg4[%get3A_18] : memref<8xf32, #tpu.memory_space<smem>>
    %reduce_sum3A_20 = vector.shape_cast %get3A_10 : vector<112x128xf32> to vector<1x112x128xf32>
    %reduce_sum3A_21 = arith.constant dense<0.000000e+00> : vector<1xf32>
    %reduce_sum3A_22 = vector.multi_reduction <add>, %reduce_sum3A_20, %reduce_sum3A_21 [1, 2] : vector<1x112x128xf32> to vector<1xf32>
    %reduce_sum3A_23 = vector.shape_cast %reduce_sum3A_22 : vector<1xf32> to vector<1x1x1xf32>
    %reduce_sum3A_24 = vector.extract %reduce_sum3A_23[0, 0, 0] : f32 from vector<1x1x1xf32>
    %add3A_25 = arith.addf %get3A_19, %reduce_sum3A_24 : f32
    %swap3A_26 = arith.constant 1 : index
    %swap3A_27 = memref.load %arg4[%swap3A_26] : memref<8xf32, #tpu.memory_space<smem>>
    memref.store %add3A_25, %arg4[%swap3A_26] : memref<8xf32, #tpu.memory_space<smem>>
    %get3A_28 = arith.constant 2 : index
    %get3A_29 = memref.load %arg4[%get3A_28] : memref<8xf32, #tpu.memory_space<smem>>
    %mul3A = arith.mulf %get3A_5, %get3A_5 : vector<112x128xf32>
    %reduce_sum3A_30 = vector.shape_cast %mul3A : vector<112x128xf32> to vector<1x112x128xf32>
    %reduce_sum3A_31 = arith.constant dense<0.000000e+00> : vector<1xf32>
    %reduce_sum3A_32 = vector.multi_reduction <add>, %reduce_sum3A_30, %reduce_sum3A_31 [1, 2] : vector<1x112x128xf32> to vector<1xf32>
    %reduce_sum3A_33 = vector.shape_cast %reduce_sum3A_32 : vector<1xf32> to vector<1x1x1xf32>
    %reduce_sum3A_34 = vector.extract %reduce_sum3A_33[0, 0, 0] : f32 from vector<1x1x1xf32>
    %add3A_35 = arith.addf %get3A_29, %reduce_sum3A_34 : f32
    %swap3A_36 = arith.constant 2 : index
    %swap3A_37 = memref.load %arg4[%swap3A_36] : memref<8xf32, #tpu.memory_space<smem>>
    memref.store %add3A_35, %arg4[%swap3A_36] : memref<8xf32, #tpu.memory_space<smem>>
    %get3A_38 = arith.constant 3 : index
    %get3A_39 = memref.load %arg4[%get3A_38] : memref<8xf32, #tpu.memory_space<smem>>
    %mul3A_40 = arith.mulf %get3A_10, %get3A_10 : vector<112x128xf32>
    %reduce_sum3A_41 = vector.shape_cast %mul3A_40 : vector<112x128xf32> to vector<1x112x128xf32>
    %reduce_sum3A_42 = arith.constant dense<0.000000e+00> : vector<1xf32>
    %reduce_sum3A_43 = vector.multi_reduction <add>, %reduce_sum3A_41, %reduce_sum3A_42 [1, 2] : vector<1x112x128xf32> to vector<1xf32>
    %reduce_sum3A_44 = vector.shape_cast %reduce_sum3A_43 : vector<1xf32> to vector<1x1x1xf32>
    %reduce_sum3A_45 = vector.extract %reduce_sum3A_44[0, 0, 0] : f32 from vector<1x1x1xf32>
    %add3A_46 = arith.addf %get3A_39, %reduce_sum3A_45 : f32
    %swap3A_47 = arith.constant 3 : index
    %swap3A_48 = memref.load %arg4[%swap3A_47] : memref<8xf32, #tpu.memory_space<smem>>
    memref.store %add3A_46, %arg4[%swap3A_47] : memref<8xf32, #tpu.memory_space<smem>>
    %get3A_49 = arith.constant 4 : index
    %get3A_50 = memref.load %arg4[%get3A_49] : memref<8xf32, #tpu.memory_space<smem>>
    %mul3A_51 = arith.mulf %get3A_5, %get3A_10 : vector<112x128xf32>
    %reduce_sum3A_52 = vector.shape_cast %mul3A_51 : vector<112x128xf32> to vector<1x112x128xf32>
    %reduce_sum3A_53 = arith.constant dense<0.000000e+00> : vector<1xf32>
    %reduce_sum3A_54 = vector.multi_reduction <add>, %reduce_sum3A_52, %reduce_sum3A_53 [1, 2] : vector<1x112x128xf32> to vector<1xf32>
    %reduce_sum3A_55 = vector.shape_cast %reduce_sum3A_54 : vector<1xf32> to vector<1x1x1xf32>
    %reduce_sum3A_56 = vector.extract %reduce_sum3A_55[0, 0, 0] : f32 from vector<1x1x1xf32>
    %add3A_57 = arith.addf %get3A_50, %reduce_sum3A_56 : f32
    %swap3A_58 = arith.constant 4 : index
    %swap3A_59 = memref.load %arg4[%swap3A_58] : memref<8xf32, #tpu.memory_space<smem>>
    memref.store %add3A_57, %arg4[%swap3A_58] : memref<8xf32, #tpu.memory_space<smem>>
    %eq3A_60 = arith.constant 6 : i32
    %eq3A_61 = arith.cmpi eq, %arg0, %eq3A_60 : i32
    %convert_element_type3A_62 = arith.extui %eq3A_61 : i1 to i32
    %cond3A_63 = arith.constant 0 : i32
    %cond3A_64 = arith.cmpi ne, %convert_element_type3A_62, %cond3A_63 : i32
    scf.if %cond3A_64 {
      %get3A_65 = arith.constant 0 : index
      %get3A_66 = memref.load %arg4[%get3A_65] : memref<8xf32, #tpu.memory_space<smem>>
      %swap3A_67 = arith.constant 0 : index
      %swap3A_68 = memref.load %arg3[%swap3A_67] : memref<8xf32, #tpu.memory_space<smem>>
      memref.store %get3A_66, %arg3[%swap3A_67] : memref<8xf32, #tpu.memory_space<smem>>
      %get3A_69 = arith.constant 1 : index
      %get3A_70 = memref.load %arg4[%get3A_69] : memref<8xf32, #tpu.memory_space<smem>>
      %swap3A_71 = arith.constant 1 : index
      %swap3A_72 = memref.load %arg3[%swap3A_71] : memref<8xf32, #tpu.memory_space<smem>>
      memref.store %get3A_70, %arg3[%swap3A_71] : memref<8xf32, #tpu.memory_space<smem>>
      %get3A_73 = arith.constant 2 : index
      %get3A_74 = memref.load %arg4[%get3A_73] : memref<8xf32, #tpu.memory_space<smem>>
      %swap3A_75 = arith.constant 2 : index
      %swap3A_76 = memref.load %arg3[%swap3A_75] : memref<8xf32, #tpu.memory_space<smem>>
      memref.store %get3A_74, %arg3[%swap3A_75] : memref<8xf32, #tpu.memory_space<smem>>
      %get3A_77 = arith.constant 3 : index
      %get3A_78 = memref.load %arg4[%get3A_77] : memref<8xf32, #tpu.memory_space<smem>>
      %swap3A_79 = arith.constant 3 : index
      %swap3A_80 = memref.load %arg3[%swap3A_79] : memref<8xf32, #tpu.memory_space<smem>>
      memref.store %get3A_78, %arg3[%swap3A_79] : memref<8xf32, #tpu.memory_space<smem>>
      %get3A_81 = arith.constant 4 : index
      %get3A_82 = memref.load %arg4[%get3A_81] : memref<8xf32, #tpu.memory_space<smem>>
      %swap3A_83 = arith.constant 4 : index
      %swap3A_84 = memref.load %arg3[%swap3A_83] : memref<8xf32, #tpu.memory_space<smem>>
      memref.store %get3A_82, %arg3[%swap3A_83] : memref<8xf32, #tpu.memory_space<smem>>
    } else {
    }
    return
  }
  func.func @transform_0(%arg0: i32) -> (i32, i32, i32) {
    %c0_i32 = arith.constant 0 : i32
    %c0_i32_0 = arith.constant 0 : i32
    %c0_i32_1 = arith.constant 0 : i32
    return %arg0, %c0_i32, %c0_i32_0 : i32, i32, i32
  }
  func.func @transform_1(%arg0: i32) -> (i32, i32, i32) {
    %c0_i32 = arith.constant 0 : i32
    %c0_i32_0 = arith.constant 0 : i32
    %c0_i32_1 = arith.constant 0 : i32
    return %arg0, %c0_i32, %c0_i32_0 : i32, i32, i32
  }
  func.func @transform_2(%arg0: i32) -> i32 {
    %c0_i32 = arith.constant 0 : i32
    %c0_i32_0 = arith.constant 0 : i32
    return %c0_i32 : i32
  }
}

module attributes {stable_mosaic.version = 14 : i64} {
  func.func @_node_body(%arg0: i32, %arg1: memref<1x112x128xf32, #tpu.memory_space<vmem>>, %arg2: memref<1x112x128xf32, #tpu.memory_space<vmem>>, %arg3: memref<8xf32, #tpu.memory_space<smem>>, %arg4: memref<2x32xf32, #tpu.memory_space<smem>>, %arg5: memref<32xf32, #tpu.memory_space<smem>>, %arg6: memref<32xf32, #tpu.memory_space<smem>>, %arg7: memref<32xf32, #tpu.memory_space<smem>>, %arg8: memref<32xf32, #tpu.memory_space<smem>>, %arg9: memref<3xf32, #tpu.memory_space<smem>>, %arg10: memref<1x112x128xf32, #tpu.memory_space<vmem>>, %arg11: memref<1x112x128xf32, #tpu.memory_space<vmem>>) attributes {dimension_semantics = [#tpu.dimension_semantics<arbitrary>], iteration_bounds = array<i64: 7>, scalar_prefetch = 0 : i64, scratch_operands = 0 : i64, tpu.core_type = #tpu.core_type<tc>, window_params = [{transform_indices = @transform_0, window_bounds = array<i64: 1, 112, 128>}, {transform_indices = @transform_1, window_bounds = array<i64: 1, 112, 128>}, {transform_indices = @transform_2, window_bounds = array<i64: 8>}, {transform_indices = @transform_3, window_bounds = array<i64: 2, 32>}, {transform_indices = @transform_4, window_bounds = array<i64: 32>}, {transform_indices = @transform_5, window_bounds = array<i64: 32>}, {transform_indices = @transform_6, window_bounds = array<i64: 32>}, {transform_indices = @transform_7, window_bounds = array<i64: 32>}, {transform_indices = @transform_8, window_bounds = array<i64: 3>}, {transform_indices = @transform_9, window_bounds = array<i64: 1, 112, 128>}, {transform_indices = @transform_10, window_bounds = array<i64: 1, 112, 128>}]} {
    %get3A = arith.constant 0 : index
    %get3A_0 = memref.load %arg3[%get3A] : memref<8xf32, #tpu.memory_space<smem>>
    %mul3A = arith.constant 9.99999974E-6 : f32
    %mul3A_1 = arith.mulf %get3A_0, %mul3A : f32
    %get3A_2 = arith.constant 1 : index
    %get3A_3 = memref.load %arg3[%get3A_2] : memref<8xf32, #tpu.memory_space<smem>>
    %mul3A_4 = arith.constant 9.99999974E-6 : f32
    %mul3A_5 = arith.mulf %get3A_3, %mul3A_4 : f32
    %get3A_6 = arith.constant 2 : index
    %get3A_7 = memref.load %arg3[%get3A_6] : memref<8xf32, #tpu.memory_space<smem>>
    %mul3A_8 = arith.constant 9.99999974E-6 : f32
    %mul3A_9 = arith.mulf %get3A_7, %mul3A_8 : f32
    %mul3A_10 = arith.mulf %mul3A_1, %mul3A_1 : f32
    %sub3A = arith.subf %mul3A_9, %mul3A_10 : f32
    %get3A_11 = arith.constant 3 : index
    %get3A_12 = memref.load %arg3[%get3A_11] : memref<8xf32, #tpu.memory_space<smem>>
    %mul3A_13 = arith.constant 9.99999974E-6 : f32
    %mul3A_14 = arith.mulf %get3A_12, %mul3A_13 : f32
    %mul3A_15 = arith.mulf %mul3A_5, %mul3A_5 : f32
    %sub3A_16 = arith.subf %mul3A_14, %mul3A_15 : f32
    %get3A_17 = arith.constant 4 : index
    %get3A_18 = memref.load %arg3[%get3A_17] : memref<8xf32, #tpu.memory_space<smem>>
    %mul3A_19 = arith.constant 9.99999974E-6 : f32
    %mul3A_20 = arith.mulf %get3A_18, %mul3A_19 : f32
    %mul3A_21 = arith.mulf %mul3A_1, %mul3A_5 : f32
    %sub3A_22 = arith.subf %mul3A_20, %mul3A_21 : f32
    %get3A_23 = arith.constant 2 : index
    %get3A_24 = memref.load %arg9[%get3A_23] : memref<3xf32, #tpu.memory_space<smem>>
    %get3A_25 = arith.constant 0 : index
    %get3A_26 = arith.constant 0 : index
    %get3A_27 = arith.constant 0 : index
    %get3A_28 = vector.load %arg1[%get3A_25, %get3A_26, %get3A_27] : memref<1x112x128xf32, #tpu.memory_space<vmem>>, vector<1x112x128xf32>
    %get3A_29 = vector.shape_cast %get3A_28 : vector<1x112x128xf32> to vector<112x128xf32>
    %get3A_30 = arith.constant 0 : index
    %get3A_31 = arith.constant 0 : index
    %get3A_32 = arith.constant 0 : index
    %get3A_33 = vector.load %arg2[%get3A_30, %get3A_31, %get3A_32] : memref<1x112x128xf32, #tpu.memory_space<vmem>>, vector<1x112x128xf32>
    %get3A_34 = vector.shape_cast %get3A_33 : vector<1x112x128xf32> to vector<112x128xf32>
    %broadcast_in_dim3A = arith.constant 0.000000e+00 : f32
    %broadcast_in_dim3A_35 = vector.broadcast %broadcast_in_dim3A : f32 to vector<112x128xf32>
    %broadcast_in_dim3A_36 = arith.constant 0.000000e+00 : f32
    %broadcast_in_dim3A_37 = vector.broadcast %broadcast_in_dim3A_36 : f32 to vector<112x128xf32>
    %get3A_38 = arith.constant 0 : index
    %get3A_39 = arith.constant 0 : index
    %get3A_40 = memref.load %arg4[%get3A_38, %get3A_39] : memref<2x32xf32, #tpu.memory_space<smem>>
    %get3A_41 = arith.constant 1 : index
    %get3A_42 = arith.constant 0 : index
    %get3A_43 = memref.load %arg4[%get3A_41, %get3A_42] : memref<2x32xf32, #tpu.memory_space<smem>>
    %mul3A_44 = arith.mulf %sub3A, %get3A_40 : f32
    %mul3A_45 = arith.mulf %mul3A_44, %get3A_40 : f32
    %mul3A_46 = arith.constant 2.000000e+00 : f32
    %mul3A_47 = arith.mulf %mul3A_46, %sub3A_22 : f32
    %mul3A_48 = arith.mulf %mul3A_47, %get3A_40 : f32
    %mul3A_49 = arith.mulf %mul3A_48, %get3A_43 : f32
    %add3A = arith.addf %mul3A_45, %mul3A_49 : f32
    %mul3A_50 = arith.mulf %sub3A_16, %get3A_43 : f32
    %mul3A_51 = arith.mulf %mul3A_50, %get3A_43 : f32
    %add3A_52 = arith.addf %add3A, %mul3A_51 : f32
    %get3A_53 = arith.constant 0 : index
    %get3A_54 = memref.load %arg5[%get3A_53] : memref<32xf32, #tpu.memory_space<smem>>
    %add3A_55 = arith.constant 9.99999974E-6 : f32
    %add3A_56 = arith.addf %add3A_52, %add3A_55 : f32
    %rsqrt3A = math.rsqrt %add3A_56 : f32
    %mul3A_57 = arith.mulf %get3A_54, %rsqrt3A : f32
    %get3A_58 = arith.constant 0 : index
    %get3A_59 = memref.load %arg6[%get3A_58] : memref<32xf32, #tpu.memory_space<smem>>
    %mul3A_60 = arith.mulf %mul3A_1, %get3A_40 : f32
    %mul3A_61 = arith.mulf %mul3A_5, %get3A_43 : f32
    %add3A_62 = arith.addf %mul3A_60, %mul3A_61 : f32
    %mul3A_63 = arith.mulf %add3A_62, %mul3A_57 : f32
    %sub3A_64 = arith.subf %get3A_59, %mul3A_63 : f32
    %mul3A_65 = vector.broadcast %get3A_40 : f32 to vector<112x128xf32>
    %mul3A_66 = arith.mulf %get3A_29, %mul3A_65 : vector<112x128xf32>
    %mul3A_67 = vector.broadcast %get3A_43 : f32 to vector<112x128xf32>
    %mul3A_68 = arith.mulf %get3A_34, %mul3A_67 : vector<112x128xf32>
    %add3A_69 = arith.addf %mul3A_66, %mul3A_68 : vector<112x128xf32>
    %mul3A_70 = vector.broadcast %mul3A_57 : f32 to vector<112x128xf32>
    %mul3A_71 = arith.mulf %add3A_69, %mul3A_70 : vector<112x128xf32>
    %add3A_72 = vector.broadcast %sub3A_64 : f32 to vector<112x128xf32>
    %add3A_73 = arith.addf %mul3A_71, %add3A_72 : vector<112x128xf32>
    %gt3A = arith.constant 0.000000e+00 : f32
    %gt3A_74 = vector.broadcast %gt3A : f32 to vector<112x128xf32>
    %gt3A_75 = arith.cmpf ogt, %add3A_73, %gt3A_74 : vector<112x128xf32>
    %mul3A_76 = vector.broadcast %get3A_24 : f32 to vector<112x128xf32>
    %mul3A_77 = arith.mulf %mul3A_76, %add3A_73 : vector<112x128xf32>
    %select_n3A = arith.select %gt3A_75, %add3A_73, %mul3A_77 : vector<112x128xi1>, vector<112x128xf32>
    %get3A_78 = arith.constant 0 : index
    %get3A_79 = memref.load %arg7[%get3A_78] : memref<32xf32, #tpu.memory_space<smem>>
    %mul3A_80 = vector.broadcast %get3A_79 : f32 to vector<112x128xf32>
    %mul3A_81 = arith.mulf %select_n3A, %mul3A_80 : vector<112x128xf32>
    %add3A_82 = arith.addf %broadcast_in_dim3A_35, %mul3A_81 : vector<112x128xf32>
    %get3A_83 = arith.constant 0 : index
    %get3A_84 = memref.load %arg8[%get3A_83] : memref<32xf32, #tpu.memory_space<smem>>
    %mul3A_85 = vector.broadcast %get3A_84 : f32 to vector<112x128xf32>
    %mul3A_86 = arith.mulf %select_n3A, %mul3A_85 : vector<112x128xf32>
    %add3A_87 = arith.addf %broadcast_in_dim3A_37, %mul3A_86 : vector<112x128xf32>
    %get3A_88 = arith.constant 0 : index
    %get3A_89 = arith.constant 1 : index
    %get3A_90 = memref.load %arg4[%get3A_88, %get3A_89] : memref<2x32xf32, #tpu.memory_space<smem>>
    %get3A_91 = arith.constant 1 : index
    %get3A_92 = arith.constant 1 : index
    %get3A_93 = memref.load %arg4[%get3A_91, %get3A_92] : memref<2x32xf32, #tpu.memory_space<smem>>
    %mul3A_94 = arith.mulf %sub3A, %get3A_90 : f32
    %mul3A_95 = arith.mulf %mul3A_94, %get3A_90 : f32
    %mul3A_96 = arith.constant 2.000000e+00 : f32
    %mul3A_97 = arith.mulf %mul3A_96, %sub3A_22 : f32
    %mul3A_98 = arith.mulf %mul3A_97, %get3A_90 : f32
    %mul3A_99 = arith.mulf %mul3A_98, %get3A_93 : f32
    %add3A_100 = arith.addf %mul3A_95, %mul3A_99 : f32
    %mul3A_101 = arith.mulf %sub3A_16, %get3A_93 : f32
    %mul3A_102 = arith.mulf %mul3A_101, %get3A_93 : f32
    %add3A_103 = arith.addf %add3A_100, %mul3A_102 : f32
    %get3A_104 = arith.constant 1 : index
    %get3A_105 = memref.load %arg5[%get3A_104] : memref<32xf32, #tpu.memory_space<smem>>
    %add3A_106 = arith.constant 9.99999974E-6 : f32
    %add3A_107 = arith.addf %add3A_103, %add3A_106 : f32
    %rsqrt3A_108 = math.rsqrt %add3A_107 : f32
    %mul3A_109 = arith.mulf %get3A_105, %rsqrt3A_108 : f32
    %get3A_110 = arith.constant 1 : index
    %get3A_111 = memref.load %arg6[%get3A_110] : memref<32xf32, #tpu.memory_space<smem>>
    %mul3A_112 = arith.mulf %mul3A_1, %get3A_90 : f32
    %mul3A_113 = arith.mulf %mul3A_5, %get3A_93 : f32
    %add3A_114 = arith.addf %mul3A_112, %mul3A_113 : f32
    %mul3A_115 = arith.mulf %add3A_114, %mul3A_109 : f32
    %sub3A_116 = arith.subf %get3A_111, %mul3A_115 : f32
    %mul3A_117 = vector.broadcast %get3A_90 : f32 to vector<112x128xf32>
    %mul3A_118 = arith.mulf %get3A_29, %mul3A_117 : vector<112x128xf32>
    %mul3A_119 = vector.broadcast %get3A_93 : f32 to vector<112x128xf32>
    %mul3A_120 = arith.mulf %get3A_34, %mul3A_119 : vector<112x128xf32>
    %add3A_121 = arith.addf %mul3A_118, %mul3A_120 : vector<112x128xf32>
    %mul3A_122 = vector.broadcast %mul3A_109 : f32 to vector<112x128xf32>
    %mul3A_123 = arith.mulf %add3A_121, %mul3A_122 : vector<112x128xf32>
    %add3A_124 = vector.broadcast %sub3A_116 : f32 to vector<112x128xf32>
    %add3A_125 = arith.addf %mul3A_123, %add3A_124 : vector<112x128xf32>
    %gt3A_126 = arith.constant 0.000000e+00 : f32
    %gt3A_127 = vector.broadcast %gt3A_126 : f32 to vector<112x128xf32>
    %gt3A_128 = arith.cmpf ogt, %add3A_125, %gt3A_127 : vector<112x128xf32>
    %mul3A_129 = vector.broadcast %get3A_24 : f32 to vector<112x128xf32>
    %mul3A_130 = arith.mulf %mul3A_129, %add3A_125 : vector<112x128xf32>
    %select_n3A_131 = arith.select %gt3A_128, %add3A_125, %mul3A_130 : vector<112x128xi1>, vector<112x128xf32>
    %get3A_132 = arith.constant 1 : index
    %get3A_133 = memref.load %arg7[%get3A_132] : memref<32xf32, #tpu.memory_space<smem>>
    %mul3A_134 = vector.broadcast %get3A_133 : f32 to vector<112x128xf32>
    %mul3A_135 = arith.mulf %select_n3A_131, %mul3A_134 : vector<112x128xf32>
    %add3A_136 = arith.addf %add3A_82, %mul3A_135 : vector<112x128xf32>
    %get3A_137 = arith.constant 1 : index
    %get3A_138 = memref.load %arg8[%get3A_137] : memref<32xf32, #tpu.memory_space<smem>>
    %mul3A_139 = vector.broadcast %get3A_138 : f32 to vector<112x128xf32>
    %mul3A_140 = arith.mulf %select_n3A_131, %mul3A_139 : vector<112x128xf32>
    %add3A_141 = arith.addf %add3A_87, %mul3A_140 : vector<112x128xf32>
    %get3A_142 = arith.constant 0 : index
    %get3A_143 = arith.constant 2 : index
    %get3A_144 = memref.load %arg4[%get3A_142, %get3A_143] : memref<2x32xf32, #tpu.memory_space<smem>>
    %get3A_145 = arith.constant 1 : index
    %get3A_146 = arith.constant 2 : index
    %get3A_147 = memref.load %arg4[%get3A_145, %get3A_146] : memref<2x32xf32, #tpu.memory_space<smem>>
    %mul3A_148 = arith.mulf %sub3A, %get3A_144 : f32
    %mul3A_149 = arith.mulf %mul3A_148, %get3A_144 : f32
    %mul3A_150 = arith.constant 2.000000e+00 : f32
    %mul3A_151 = arith.mulf %mul3A_150, %sub3A_22 : f32
    %mul3A_152 = arith.mulf %mul3A_151, %get3A_144 : f32
    %mul3A_153 = arith.mulf %mul3A_152, %get3A_147 : f32
    %add3A_154 = arith.addf %mul3A_149, %mul3A_153 : f32
    %mul3A_155 = arith.mulf %sub3A_16, %get3A_147 : f32
    %mul3A_156 = arith.mulf %mul3A_155, %get3A_147 : f32
    %add3A_157 = arith.addf %add3A_154, %mul3A_156 : f32
    %get3A_158 = arith.constant 2 : index
    %get3A_159 = memref.load %arg5[%get3A_158] : memref<32xf32, #tpu.memory_space<smem>>
    %add3A_160 = arith.constant 9.99999974E-6 : f32
    %add3A_161 = arith.addf %add3A_157, %add3A_160 : f32
    %rsqrt3A_162 = math.rsqrt %add3A_161 : f32
    %mul3A_163 = arith.mulf %get3A_159, %rsqrt3A_162 : f32
    %get3A_164 = arith.constant 2 : index
    %get3A_165 = memref.load %arg6[%get3A_164] : memref<32xf32, #tpu.memory_space<smem>>
    %mul3A_166 = arith.mulf %mul3A_1, %get3A_144 : f32
    %mul3A_167 = arith.mulf %mul3A_5, %get3A_147 : f32
    %add3A_168 = arith.addf %mul3A_166, %mul3A_167 : f32
    %mul3A_169 = arith.mulf %add3A_168, %mul3A_163 : f32
    %sub3A_170 = arith.subf %get3A_165, %mul3A_169 : f32
    %mul3A_171 = vector.broadcast %get3A_144 : f32 to vector<112x128xf32>
    %mul3A_172 = arith.mulf %get3A_29, %mul3A_171 : vector<112x128xf32>
    %mul3A_173 = vector.broadcast %get3A_147 : f32 to vector<112x128xf32>
    %mul3A_174 = arith.mulf %get3A_34, %mul3A_173 : vector<112x128xf32>
    %add3A_175 = arith.addf %mul3A_172, %mul3A_174 : vector<112x128xf32>
    %mul3A_176 = vector.broadcast %mul3A_163 : f32 to vector<112x128xf32>
    %mul3A_177 = arith.mulf %add3A_175, %mul3A_176 : vector<112x128xf32>
    %add3A_178 = vector.broadcast %sub3A_170 : f32 to vector<112x128xf32>
    %add3A_179 = arith.addf %mul3A_177, %add3A_178 : vector<112x128xf32>
    %gt3A_180 = arith.constant 0.000000e+00 : f32
    %gt3A_181 = vector.broadcast %gt3A_180 : f32 to vector<112x128xf32>
    %gt3A_182 = arith.cmpf ogt, %add3A_179, %gt3A_181 : vector<112x128xf32>
    %mul3A_183 = vector.broadcast %get3A_24 : f32 to vector<112x128xf32>
    %mul3A_184 = arith.mulf %mul3A_183, %add3A_179 : vector<112x128xf32>
    %select_n3A_185 = arith.select %gt3A_182, %add3A_179, %mul3A_184 : vector<112x128xi1>, vector<112x128xf32>
    %get3A_186 = arith.constant 2 : index
    %get3A_187 = memref.load %arg7[%get3A_186] : memref<32xf32, #tpu.memory_space<smem>>
    %mul3A_188 = vector.broadcast %get3A_187 : f32 to vector<112x128xf32>
    %mul3A_189 = arith.mulf %select_n3A_185, %mul3A_188 : vector<112x128xf32>
    %add3A_190 = arith.addf %add3A_136, %mul3A_189 : vector<112x128xf32>
    %get3A_191 = arith.constant 2 : index
    %get3A_192 = memref.load %arg8[%get3A_191] : memref<32xf32, #tpu.memory_space<smem>>
    %mul3A_193 = vector.broadcast %get3A_192 : f32 to vector<112x128xf32>
    %mul3A_194 = arith.mulf %select_n3A_185, %mul3A_193 : vector<112x128xf32>
    %add3A_195 = arith.addf %add3A_141, %mul3A_194 : vector<112x128xf32>
    %get3A_196 = arith.constant 0 : index
    %get3A_197 = arith.constant 3 : index
    %get3A_198 = memref.load %arg4[%get3A_196, %get3A_197] : memref<2x32xf32, #tpu.memory_space<smem>>
    %get3A_199 = arith.constant 1 : index
    %get3A_200 = arith.constant 3 : index
    %get3A_201 = memref.load %arg4[%get3A_199, %get3A_200] : memref<2x32xf32, #tpu.memory_space<smem>>
    %mul3A_202 = arith.mulf %sub3A, %get3A_198 : f32
    %mul3A_203 = arith.mulf %mul3A_202, %get3A_198 : f32
    %mul3A_204 = arith.constant 2.000000e+00 : f32
    %mul3A_205 = arith.mulf %mul3A_204, %sub3A_22 : f32
    %mul3A_206 = arith.mulf %mul3A_205, %get3A_198 : f32
    %mul3A_207 = arith.mulf %mul3A_206, %get3A_201 : f32
    %add3A_208 = arith.addf %mul3A_203, %mul3A_207 : f32
    %mul3A_209 = arith.mulf %sub3A_16, %get3A_201 : f32
    %mul3A_210 = arith.mulf %mul3A_209, %get3A_201 : f32
    %add3A_211 = arith.addf %add3A_208, %mul3A_210 : f32
    %get3A_212 = arith.constant 3 : index
    %get3A_213 = memref.load %arg5[%get3A_212] : memref<32xf32, #tpu.memory_space<smem>>
    %add3A_214 = arith.constant 9.99999974E-6 : f32
    %add3A_215 = arith.addf %add3A_211, %add3A_214 : f32
    %rsqrt3A_216 = math.rsqrt %add3A_215 : f32
    %mul3A_217 = arith.mulf %get3A_213, %rsqrt3A_216 : f32
    %get3A_218 = arith.constant 3 : index
    %get3A_219 = memref.load %arg6[%get3A_218] : memref<32xf32, #tpu.memory_space<smem>>
    %mul3A_220 = arith.mulf %mul3A_1, %get3A_198 : f32
    %mul3A_221 = arith.mulf %mul3A_5, %get3A_201 : f32
    %add3A_222 = arith.addf %mul3A_220, %mul3A_221 : f32
    %mul3A_223 = arith.mulf %add3A_222, %mul3A_217 : f32
    %sub3A_224 = arith.subf %get3A_219, %mul3A_223 : f32
    %mul3A_225 = vector.broadcast %get3A_198 : f32 to vector<112x128xf32>
    %mul3A_226 = arith.mulf %get3A_29, %mul3A_225 : vector<112x128xf32>
    %mul3A_227 = vector.broadcast %get3A_201 : f32 to vector<112x128xf32>
    %mul3A_228 = arith.mulf %get3A_34, %mul3A_227 : vector<112x128xf32>
    %add3A_229 = arith.addf %mul3A_226, %mul3A_228 : vector<112x128xf32>
    %mul3A_230 = vector.broadcast %mul3A_217 : f32 to vector<112x128xf32>
    %mul3A_231 = arith.mulf %add3A_229, %mul3A_230 : vector<112x128xf32>
    %add3A_232 = vector.broadcast %sub3A_224 : f32 to vector<112x128xf32>
    %add3A_233 = arith.addf %mul3A_231, %add3A_232 : vector<112x128xf32>
    %gt3A_234 = arith.constant 0.000000e+00 : f32
    %gt3A_235 = vector.broadcast %gt3A_234 : f32 to vector<112x128xf32>
    %gt3A_236 = arith.cmpf ogt, %add3A_233, %gt3A_235 : vector<112x128xf32>
    %mul3A_237 = vector.broadcast %get3A_24 : f32 to vector<112x128xf32>
    %mul3A_238 = arith.mulf %mul3A_237, %add3A_233 : vector<112x128xf32>
    %select_n3A_239 = arith.select %gt3A_236, %add3A_233, %mul3A_238 : vector<112x128xi1>, vector<112x128xf32>
    %get3A_240 = arith.constant 3 : index
    %get3A_241 = memref.load %arg7[%get3A_240] : memref<32xf32, #tpu.memory_space<smem>>
    %mul3A_242 = vector.broadcast %get3A_241 : f32 to vector<112x128xf32>
    %mul3A_243 = arith.mulf %select_n3A_239, %mul3A_242 : vector<112x128xf32>
    %add3A_244 = arith.addf %add3A_190, %mul3A_243 : vector<112x128xf32>
    %get3A_245 = arith.constant 3 : index
    %get3A_246 = memref.load %arg8[%get3A_245] : memref<32xf32, #tpu.memory_space<smem>>
    %mul3A_247 = vector.broadcast %get3A_246 : f32 to vector<112x128xf32>
    %mul3A_248 = arith.mulf %select_n3A_239, %mul3A_247 : vector<112x128xf32>
    %add3A_249 = arith.addf %add3A_195, %mul3A_248 : vector<112x128xf32>
    %get3A_250 = arith.constant 0 : index
    %get3A_251 = arith.constant 4 : index
    %get3A_252 = memref.load %arg4[%get3A_250, %get3A_251] : memref<2x32xf32, #tpu.memory_space<smem>>
    %get3A_253 = arith.constant 1 : index
    %get3A_254 = arith.constant 4 : index
    %get3A_255 = memref.load %arg4[%get3A_253, %get3A_254] : memref<2x32xf32, #tpu.memory_space<smem>>
    %mul3A_256 = arith.mulf %sub3A, %get3A_252 : f32
    %mul3A_257 = arith.mulf %mul3A_256, %get3A_252 : f32
    %mul3A_258 = arith.constant 2.000000e+00 : f32
    %mul3A_259 = arith.mulf %mul3A_258, %sub3A_22 : f32
    %mul3A_260 = arith.mulf %mul3A_259, %get3A_252 : f32
    %mul3A_261 = arith.mulf %mul3A_260, %get3A_255 : f32
    %add3A_262 = arith.addf %mul3A_257, %mul3A_261 : f32
    %mul3A_263 = arith.mulf %sub3A_16, %get3A_255 : f32
    %mul3A_264 = arith.mulf %mul3A_263, %get3A_255 : f32
    %add3A_265 = arith.addf %add3A_262, %mul3A_264 : f32
    %get3A_266 = arith.constant 4 : index
    %get3A_267 = memref.load %arg5[%get3A_266] : memref<32xf32, #tpu.memory_space<smem>>
    %add3A_268 = arith.constant 9.99999974E-6 : f32
    %add3A_269 = arith.addf %add3A_265, %add3A_268 : f32
    %rsqrt3A_270 = math.rsqrt %add3A_269 : f32
    %mul3A_271 = arith.mulf %get3A_267, %rsqrt3A_270 : f32
    %get3A_272 = arith.constant 4 : index
    %get3A_273 = memref.load %arg6[%get3A_272] : memref<32xf32, #tpu.memory_space<smem>>
    %mul3A_274 = arith.mulf %mul3A_1, %get3A_252 : f32
    %mul3A_275 = arith.mulf %mul3A_5, %get3A_255 : f32
    %add3A_276 = arith.addf %mul3A_274, %mul3A_275 : f32
    %mul3A_277 = arith.mulf %add3A_276, %mul3A_271 : f32
    %sub3A_278 = arith.subf %get3A_273, %mul3A_277 : f32
    %mul3A_279 = vector.broadcast %get3A_252 : f32 to vector<112x128xf32>
    %mul3A_280 = arith.mulf %get3A_29, %mul3A_279 : vector<112x128xf32>
    %mul3A_281 = vector.broadcast %get3A_255 : f32 to vector<112x128xf32>
    %mul3A_282 = arith.mulf %get3A_34, %mul3A_281 : vector<112x128xf32>
    %add3A_283 = arith.addf %mul3A_280, %mul3A_282 : vector<112x128xf32>
    %mul3A_284 = vector.broadcast %mul3A_271 : f32 to vector<112x128xf32>
    %mul3A_285 = arith.mulf %add3A_283, %mul3A_284 : vector<112x128xf32>
    %add3A_286 = vector.broadcast %sub3A_278 : f32 to vector<112x128xf32>
    %add3A_287 = arith.addf %mul3A_285, %add3A_286 : vector<112x128xf32>
    %gt3A_288 = arith.constant 0.000000e+00 : f32
    %gt3A_289 = vector.broadcast %gt3A_288 : f32 to vector<112x128xf32>
    %gt3A_290 = arith.cmpf ogt, %add3A_287, %gt3A_289 : vector<112x128xf32>
    %mul3A_291 = vector.broadcast %get3A_24 : f32 to vector<112x128xf32>
    %mul3A_292 = arith.mulf %mul3A_291, %add3A_287 : vector<112x128xf32>
    %select_n3A_293 = arith.select %gt3A_290, %add3A_287, %mul3A_292 : vector<112x128xi1>, vector<112x128xf32>
    %get3A_294 = arith.constant 4 : index
    %get3A_295 = memref.load %arg7[%get3A_294] : memref<32xf32, #tpu.memory_space<smem>>
    %mul3A_296 = vector.broadcast %get3A_295 : f32 to vector<112x128xf32>
    %mul3A_297 = arith.mulf %select_n3A_293, %mul3A_296 : vector<112x128xf32>
    %add3A_298 = arith.addf %add3A_244, %mul3A_297 : vector<112x128xf32>
    %get3A_299 = arith.constant 4 : index
    %get3A_300 = memref.load %arg8[%get3A_299] : memref<32xf32, #tpu.memory_space<smem>>
    %mul3A_301 = vector.broadcast %get3A_300 : f32 to vector<112x128xf32>
    %mul3A_302 = arith.mulf %select_n3A_293, %mul3A_301 : vector<112x128xf32>
    %add3A_303 = arith.addf %add3A_249, %mul3A_302 : vector<112x128xf32>
    %get3A_304 = arith.constant 0 : index
    %get3A_305 = arith.constant 5 : index
    %get3A_306 = memref.load %arg4[%get3A_304, %get3A_305] : memref<2x32xf32, #tpu.memory_space<smem>>
    %get3A_307 = arith.constant 1 : index
    %get3A_308 = arith.constant 5 : index
    %get3A_309 = memref.load %arg4[%get3A_307, %get3A_308] : memref<2x32xf32, #tpu.memory_space<smem>>
    %mul3A_310 = arith.mulf %sub3A, %get3A_306 : f32
    %mul3A_311 = arith.mulf %mul3A_310, %get3A_306 : f32
    %mul3A_312 = arith.constant 2.000000e+00 : f32
    %mul3A_313 = arith.mulf %mul3A_312, %sub3A_22 : f32
    %mul3A_314 = arith.mulf %mul3A_313, %get3A_306 : f32
    %mul3A_315 = arith.mulf %mul3A_314, %get3A_309 : f32
    %add3A_316 = arith.addf %mul3A_311, %mul3A_315 : f32
    %mul3A_317 = arith.mulf %sub3A_16, %get3A_309 : f32
    %mul3A_318 = arith.mulf %mul3A_317, %get3A_309 : f32
    %add3A_319 = arith.addf %add3A_316, %mul3A_318 : f32
    %get3A_320 = arith.constant 5 : index
    %get3A_321 = memref.load %arg5[%get3A_320] : memref<32xf32, #tpu.memory_space<smem>>
    %add3A_322 = arith.constant 9.99999974E-6 : f32
    %add3A_323 = arith.addf %add3A_319, %add3A_322 : f32
    %rsqrt3A_324 = math.rsqrt %add3A_323 : f32
    %mul3A_325 = arith.mulf %get3A_321, %rsqrt3A_324 : f32
    %get3A_326 = arith.constant 5 : index
    %get3A_327 = memref.load %arg6[%get3A_326] : memref<32xf32, #tpu.memory_space<smem>>
    %mul3A_328 = arith.mulf %mul3A_1, %get3A_306 : f32
    %mul3A_329 = arith.mulf %mul3A_5, %get3A_309 : f32
    %add3A_330 = arith.addf %mul3A_328, %mul3A_329 : f32
    %mul3A_331 = arith.mulf %add3A_330, %mul3A_325 : f32
    %sub3A_332 = arith.subf %get3A_327, %mul3A_331 : f32
    %mul3A_333 = vector.broadcast %get3A_306 : f32 to vector<112x128xf32>
    %mul3A_334 = arith.mulf %get3A_29, %mul3A_333 : vector<112x128xf32>
    %mul3A_335 = vector.broadcast %get3A_309 : f32 to vector<112x128xf32>
    %mul3A_336 = arith.mulf %get3A_34, %mul3A_335 : vector<112x128xf32>
    %add3A_337 = arith.addf %mul3A_334, %mul3A_336 : vector<112x128xf32>
    %mul3A_338 = vector.broadcast %mul3A_325 : f32 to vector<112x128xf32>
    %mul3A_339 = arith.mulf %add3A_337, %mul3A_338 : vector<112x128xf32>
    %add3A_340 = vector.broadcast %sub3A_332 : f32 to vector<112x128xf32>
    %add3A_341 = arith.addf %mul3A_339, %add3A_340 : vector<112x128xf32>
    %gt3A_342 = arith.constant 0.000000e+00 : f32
    %gt3A_343 = vector.broadcast %gt3A_342 : f32 to vector<112x128xf32>
    %gt3A_344 = arith.cmpf ogt, %add3A_341, %gt3A_343 : vector<112x128xf32>
    %mul3A_345 = vector.broadcast %get3A_24 : f32 to vector<112x128xf32>
    %mul3A_346 = arith.mulf %mul3A_345, %add3A_341 : vector<112x128xf32>
    %select_n3A_347 = arith.select %gt3A_344, %add3A_341, %mul3A_346 : vector<112x128xi1>, vector<112x128xf32>
    %get3A_348 = arith.constant 5 : index
    %get3A_349 = memref.load %arg7[%get3A_348] : memref<32xf32, #tpu.memory_space<smem>>
    %mul3A_350 = vector.broadcast %get3A_349 : f32 to vector<112x128xf32>
    %mul3A_351 = arith.mulf %select_n3A_347, %mul3A_350 : vector<112x128xf32>
    %add3A_352 = arith.addf %add3A_298, %mul3A_351 : vector<112x128xf32>
    %get3A_353 = arith.constant 5 : index
    %get3A_354 = memref.load %arg8[%get3A_353] : memref<32xf32, #tpu.memory_space<smem>>
    %mul3A_355 = vector.broadcast %get3A_354 : f32 to vector<112x128xf32>
    %mul3A_356 = arith.mulf %select_n3A_347, %mul3A_355 : vector<112x128xf32>
    %add3A_357 = arith.addf %add3A_303, %mul3A_356 : vector<112x128xf32>
    %get3A_358 = arith.constant 0 : index
    %get3A_359 = arith.constant 6 : index
    %get3A_360 = memref.load %arg4[%get3A_358, %get3A_359] : memref<2x32xf32, #tpu.memory_space<smem>>
    %get3A_361 = arith.constant 1 : index
    %get3A_362 = arith.constant 6 : index
    %get3A_363 = memref.load %arg4[%get3A_361, %get3A_362] : memref<2x32xf32, #tpu.memory_space<smem>>
    %mul3A_364 = arith.mulf %sub3A, %get3A_360 : f32
    %mul3A_365 = arith.mulf %mul3A_364, %get3A_360 : f32
    %mul3A_366 = arith.constant 2.000000e+00 : f32
    %mul3A_367 = arith.mulf %mul3A_366, %sub3A_22 : f32
    %mul3A_368 = arith.mulf %mul3A_367, %get3A_360 : f32
    %mul3A_369 = arith.mulf %mul3A_368, %get3A_363 : f32
    %add3A_370 = arith.addf %mul3A_365, %mul3A_369 : f32
    %mul3A_371 = arith.mulf %sub3A_16, %get3A_363 : f32
    %mul3A_372 = arith.mulf %mul3A_371, %get3A_363 : f32
    %add3A_373 = arith.addf %add3A_370, %mul3A_372 : f32
    %get3A_374 = arith.constant 6 : index
    %get3A_375 = memref.load %arg5[%get3A_374] : memref<32xf32, #tpu.memory_space<smem>>
    %add3A_376 = arith.constant 9.99999974E-6 : f32
    %add3A_377 = arith.addf %add3A_373, %add3A_376 : f32
    %rsqrt3A_378 = math.rsqrt %add3A_377 : f32
    %mul3A_379 = arith.mulf %get3A_375, %rsqrt3A_378 : f32
    %get3A_380 = arith.constant 6 : index
    %get3A_381 = memref.load %arg6[%get3A_380] : memref<32xf32, #tpu.memory_space<smem>>
    %mul3A_382 = arith.mulf %mul3A_1, %get3A_360 : f32
    %mul3A_383 = arith.mulf %mul3A_5, %get3A_363 : f32
    %add3A_384 = arith.addf %mul3A_382, %mul3A_383 : f32
    %mul3A_385 = arith.mulf %add3A_384, %mul3A_379 : f32
    %sub3A_386 = arith.subf %get3A_381, %mul3A_385 : f32
    %mul3A_387 = vector.broadcast %get3A_360 : f32 to vector<112x128xf32>
    %mul3A_388 = arith.mulf %get3A_29, %mul3A_387 : vector<112x128xf32>
    %mul3A_389 = vector.broadcast %get3A_363 : f32 to vector<112x128xf32>
    %mul3A_390 = arith.mulf %get3A_34, %mul3A_389 : vector<112x128xf32>
    %add3A_391 = arith.addf %mul3A_388, %mul3A_390 : vector<112x128xf32>
    %mul3A_392 = vector.broadcast %mul3A_379 : f32 to vector<112x128xf32>
    %mul3A_393 = arith.mulf %add3A_391, %mul3A_392 : vector<112x128xf32>
    %add3A_394 = vector.broadcast %sub3A_386 : f32 to vector<112x128xf32>
    %add3A_395 = arith.addf %mul3A_393, %add3A_394 : vector<112x128xf32>
    %gt3A_396 = arith.constant 0.000000e+00 : f32
    %gt3A_397 = vector.broadcast %gt3A_396 : f32 to vector<112x128xf32>
    %gt3A_398 = arith.cmpf ogt, %add3A_395, %gt3A_397 : vector<112x128xf32>
    %mul3A_399 = vector.broadcast %get3A_24 : f32 to vector<112x128xf32>
    %mul3A_400 = arith.mulf %mul3A_399, %add3A_395 : vector<112x128xf32>
    %select_n3A_401 = arith.select %gt3A_398, %add3A_395, %mul3A_400 : vector<112x128xi1>, vector<112x128xf32>
    %get3A_402 = arith.constant 6 : index
    %get3A_403 = memref.load %arg7[%get3A_402] : memref<32xf32, #tpu.memory_space<smem>>
    %mul3A_404 = vector.broadcast %get3A_403 : f32 to vector<112x128xf32>
    %mul3A_405 = arith.mulf %select_n3A_401, %mul3A_404 : vector<112x128xf32>
    %add3A_406 = arith.addf %add3A_352, %mul3A_405 : vector<112x128xf32>
    %get3A_407 = arith.constant 6 : index
    %get3A_408 = memref.load %arg8[%get3A_407] : memref<32xf32, #tpu.memory_space<smem>>
    %mul3A_409 = vector.broadcast %get3A_408 : f32 to vector<112x128xf32>
    %mul3A_410 = arith.mulf %select_n3A_401, %mul3A_409 : vector<112x128xf32>
    %add3A_411 = arith.addf %add3A_357, %mul3A_410 : vector<112x128xf32>
    %get3A_412 = arith.constant 0 : index
    %get3A_413 = arith.constant 7 : index
    %get3A_414 = memref.load %arg4[%get3A_412, %get3A_413] : memref<2x32xf32, #tpu.memory_space<smem>>
    %get3A_415 = arith.constant 1 : index
    %get3A_416 = arith.constant 7 : index
    %get3A_417 = memref.load %arg4[%get3A_415, %get3A_416] : memref<2x32xf32, #tpu.memory_space<smem>>
    %mul3A_418 = arith.mulf %sub3A, %get3A_414 : f32
    %mul3A_419 = arith.mulf %mul3A_418, %get3A_414 : f32
    %mul3A_420 = arith.constant 2.000000e+00 : f32
    %mul3A_421 = arith.mulf %mul3A_420, %sub3A_22 : f32
    %mul3A_422 = arith.mulf %mul3A_421, %get3A_414 : f32
    %mul3A_423 = arith.mulf %mul3A_422, %get3A_417 : f32
    %add3A_424 = arith.addf %mul3A_419, %mul3A_423 : f32
    %mul3A_425 = arith.mulf %sub3A_16, %get3A_417 : f32
    %mul3A_426 = arith.mulf %mul3A_425, %get3A_417 : f32
    %add3A_427 = arith.addf %add3A_424, %mul3A_426 : f32
    %get3A_428 = arith.constant 7 : index
    %get3A_429 = memref.load %arg5[%get3A_428] : memref<32xf32, #tpu.memory_space<smem>>
    %add3A_430 = arith.constant 9.99999974E-6 : f32
    %add3A_431 = arith.addf %add3A_427, %add3A_430 : f32
    %rsqrt3A_432 = math.rsqrt %add3A_431 : f32
    %mul3A_433 = arith.mulf %get3A_429, %rsqrt3A_432 : f32
    %get3A_434 = arith.constant 7 : index
    %get3A_435 = memref.load %arg6[%get3A_434] : memref<32xf32, #tpu.memory_space<smem>>
    %mul3A_436 = arith.mulf %mul3A_1, %get3A_414 : f32
    %mul3A_437 = arith.mulf %mul3A_5, %get3A_417 : f32
    %add3A_438 = arith.addf %mul3A_436, %mul3A_437 : f32
    %mul3A_439 = arith.mulf %add3A_438, %mul3A_433 : f32
    %sub3A_440 = arith.subf %get3A_435, %mul3A_439 : f32
    %mul3A_441 = vector.broadcast %get3A_414 : f32 to vector<112x128xf32>
    %mul3A_442 = arith.mulf %get3A_29, %mul3A_441 : vector<112x128xf32>
    %mul3A_443 = vector.broadcast %get3A_417 : f32 to vector<112x128xf32>
    %mul3A_444 = arith.mulf %get3A_34, %mul3A_443 : vector<112x128xf32>
    %add3A_445 = arith.addf %mul3A_442, %mul3A_444 : vector<112x128xf32>
    %mul3A_446 = vector.broadcast %mul3A_433 : f32 to vector<112x128xf32>
    %mul3A_447 = arith.mulf %add3A_445, %mul3A_446 : vector<112x128xf32>
    %add3A_448 = vector.broadcast %sub3A_440 : f32 to vector<112x128xf32>
    %add3A_449 = arith.addf %mul3A_447, %add3A_448 : vector<112x128xf32>
    %gt3A_450 = arith.constant 0.000000e+00 : f32
    %gt3A_451 = vector.broadcast %gt3A_450 : f32 to vector<112x128xf32>
    %gt3A_452 = arith.cmpf ogt, %add3A_449, %gt3A_451 : vector<112x128xf32>
    %mul3A_453 = vector.broadcast %get3A_24 : f32 to vector<112x128xf32>
    %mul3A_454 = arith.mulf %mul3A_453, %add3A_449 : vector<112x128xf32>
    %select_n3A_455 = arith.select %gt3A_452, %add3A_449, %mul3A_454 : vector<112x128xi1>, vector<112x128xf32>
    %get3A_456 = arith.constant 7 : index
    %get3A_457 = memref.load %arg7[%get3A_456] : memref<32xf32, #tpu.memory_space<smem>>
    %mul3A_458 = vector.broadcast %get3A_457 : f32 to vector<112x128xf32>
    %mul3A_459 = arith.mulf %select_n3A_455, %mul3A_458 : vector<112x128xf32>
    %add3A_460 = arith.addf %add3A_406, %mul3A_459 : vector<112x128xf32>
    %get3A_461 = arith.constant 7 : index
    %get3A_462 = memref.load %arg8[%get3A_461] : memref<32xf32, #tpu.memory_space<smem>>
    %mul3A_463 = vector.broadcast %get3A_462 : f32 to vector<112x128xf32>
    %mul3A_464 = arith.mulf %select_n3A_455, %mul3A_463 : vector<112x128xf32>
    %add3A_465 = arith.addf %add3A_411, %mul3A_464 : vector<112x128xf32>
    %get3A_466 = arith.constant 0 : index
    %get3A_467 = arith.constant 8 : index
    %get3A_468 = memref.load %arg4[%get3A_466, %get3A_467] : memref<2x32xf32, #tpu.memory_space<smem>>
    %get3A_469 = arith.constant 1 : index
    %get3A_470 = arith.constant 8 : index
    %get3A_471 = memref.load %arg4[%get3A_469, %get3A_470] : memref<2x32xf32, #tpu.memory_space<smem>>
    %mul3A_472 = arith.mulf %sub3A, %get3A_468 : f32
    %mul3A_473 = arith.mulf %mul3A_472, %get3A_468 : f32
    %mul3A_474 = arith.constant 2.000000e+00 : f32
    %mul3A_475 = arith.mulf %mul3A_474, %sub3A_22 : f32
    %mul3A_476 = arith.mulf %mul3A_475, %get3A_468 : f32
    %mul3A_477 = arith.mulf %mul3A_476, %get3A_471 : f32
    %add3A_478 = arith.addf %mul3A_473, %mul3A_477 : f32
    %mul3A_479 = arith.mulf %sub3A_16, %get3A_471 : f32
    %mul3A_480 = arith.mulf %mul3A_479, %get3A_471 : f32
    %add3A_481 = arith.addf %add3A_478, %mul3A_480 : f32
    %get3A_482 = arith.constant 8 : index
    %get3A_483 = memref.load %arg5[%get3A_482] : memref<32xf32, #tpu.memory_space<smem>>
    %add3A_484 = arith.constant 9.99999974E-6 : f32
    %add3A_485 = arith.addf %add3A_481, %add3A_484 : f32
    %rsqrt3A_486 = math.rsqrt %add3A_485 : f32
    %mul3A_487 = arith.mulf %get3A_483, %rsqrt3A_486 : f32
    %get3A_488 = arith.constant 8 : index
    %get3A_489 = memref.load %arg6[%get3A_488] : memref<32xf32, #tpu.memory_space<smem>>
    %mul3A_490 = arith.mulf %mul3A_1, %get3A_468 : f32
    %mul3A_491 = arith.mulf %mul3A_5, %get3A_471 : f32
    %add3A_492 = arith.addf %mul3A_490, %mul3A_491 : f32
    %mul3A_493 = arith.mulf %add3A_492, %mul3A_487 : f32
    %sub3A_494 = arith.subf %get3A_489, %mul3A_493 : f32
    %mul3A_495 = vector.broadcast %get3A_468 : f32 to vector<112x128xf32>
    %mul3A_496 = arith.mulf %get3A_29, %mul3A_495 : vector<112x128xf32>
    %mul3A_497 = vector.broadcast %get3A_471 : f32 to vector<112x128xf32>
    %mul3A_498 = arith.mulf %get3A_34, %mul3A_497 : vector<112x128xf32>
    %add3A_499 = arith.addf %mul3A_496, %mul3A_498 : vector<112x128xf32>
    %mul3A_500 = vector.broadcast %mul3A_487 : f32 to vector<112x128xf32>
    %mul3A_501 = arith.mulf %add3A_499, %mul3A_500 : vector<112x128xf32>
    %add3A_502 = vector.broadcast %sub3A_494 : f32 to vector<112x128xf32>
    %add3A_503 = arith.addf %mul3A_501, %add3A_502 : vector<112x128xf32>
    %gt3A_504 = arith.constant 0.000000e+00 : f32
    %gt3A_505 = vector.broadcast %gt3A_504 : f32 to vector<112x128xf32>
    %gt3A_506 = arith.cmpf ogt, %add3A_503, %gt3A_505 : vector<112x128xf32>
    %mul3A_507 = vector.broadcast %get3A_24 : f32 to vector<112x128xf32>
    %mul3A_508 = arith.mulf %mul3A_507, %add3A_503 : vector<112x128xf32>
    %select_n3A_509 = arith.select %gt3A_506, %add3A_503, %mul3A_508 : vector<112x128xi1>, vector<112x128xf32>
    %get3A_510 = arith.constant 8 : index
    %get3A_511 = memref.load %arg7[%get3A_510] : memref<32xf32, #tpu.memory_space<smem>>
    %mul3A_512 = vector.broadcast %get3A_511 : f32 to vector<112x128xf32>
    %mul3A_513 = arith.mulf %select_n3A_509, %mul3A_512 : vector<112x128xf32>
    %add3A_514 = arith.addf %add3A_460, %mul3A_513 : vector<112x128xf32>
    %get3A_515 = arith.constant 8 : index
    %get3A_516 = memref.load %arg8[%get3A_515] : memref<32xf32, #tpu.memory_space<smem>>
    %mul3A_517 = vector.broadcast %get3A_516 : f32 to vector<112x128xf32>
    %mul3A_518 = arith.mulf %select_n3A_509, %mul3A_517 : vector<112x128xf32>
    %add3A_519 = arith.addf %add3A_465, %mul3A_518 : vector<112x128xf32>
    %get3A_520 = arith.constant 0 : index
    %get3A_521 = arith.constant 9 : index
    %get3A_522 = memref.load %arg4[%get3A_520, %get3A_521] : memref<2x32xf32, #tpu.memory_space<smem>>
    %get3A_523 = arith.constant 1 : index
    %get3A_524 = arith.constant 9 : index
    %get3A_525 = memref.load %arg4[%get3A_523, %get3A_524] : memref<2x32xf32, #tpu.memory_space<smem>>
    %mul3A_526 = arith.mulf %sub3A, %get3A_522 : f32
    %mul3A_527 = arith.mulf %mul3A_526, %get3A_522 : f32
    %mul3A_528 = arith.constant 2.000000e+00 : f32
    %mul3A_529 = arith.mulf %mul3A_528, %sub3A_22 : f32
    %mul3A_530 = arith.mulf %mul3A_529, %get3A_522 : f32
    %mul3A_531 = arith.mulf %mul3A_530, %get3A_525 : f32
    %add3A_532 = arith.addf %mul3A_527, %mul3A_531 : f32
    %mul3A_533 = arith.mulf %sub3A_16, %get3A_525 : f32
    %mul3A_534 = arith.mulf %mul3A_533, %get3A_525 : f32
    %add3A_535 = arith.addf %add3A_532, %mul3A_534 : f32
    %get3A_536 = arith.constant 9 : index
    %get3A_537 = memref.load %arg5[%get3A_536] : memref<32xf32, #tpu.memory_space<smem>>
    %add3A_538 = arith.constant 9.99999974E-6 : f32
    %add3A_539 = arith.addf %add3A_535, %add3A_538 : f32
    %rsqrt3A_540 = math.rsqrt %add3A_539 : f32
    %mul3A_541 = arith.mulf %get3A_537, %rsqrt3A_540 : f32
    %get3A_542 = arith.constant 9 : index
    %get3A_543 = memref.load %arg6[%get3A_542] : memref<32xf32, #tpu.memory_space<smem>>
    %mul3A_544 = arith.mulf %mul3A_1, %get3A_522 : f32
    %mul3A_545 = arith.mulf %mul3A_5, %get3A_525 : f32
    %add3A_546 = arith.addf %mul3A_544, %mul3A_545 : f32
    %mul3A_547 = arith.mulf %add3A_546, %mul3A_541 : f32
    %sub3A_548 = arith.subf %get3A_543, %mul3A_547 : f32
    %mul3A_549 = vector.broadcast %get3A_522 : f32 to vector<112x128xf32>
    %mul3A_550 = arith.mulf %get3A_29, %mul3A_549 : vector<112x128xf32>
    %mul3A_551 = vector.broadcast %get3A_525 : f32 to vector<112x128xf32>
    %mul3A_552 = arith.mulf %get3A_34, %mul3A_551 : vector<112x128xf32>
    %add3A_553 = arith.addf %mul3A_550, %mul3A_552 : vector<112x128xf32>
    %mul3A_554 = vector.broadcast %mul3A_541 : f32 to vector<112x128xf32>
    %mul3A_555 = arith.mulf %add3A_553, %mul3A_554 : vector<112x128xf32>
    %add3A_556 = vector.broadcast %sub3A_548 : f32 to vector<112x128xf32>
    %add3A_557 = arith.addf %mul3A_555, %add3A_556 : vector<112x128xf32>
    %gt3A_558 = arith.constant 0.000000e+00 : f32
    %gt3A_559 = vector.broadcast %gt3A_558 : f32 to vector<112x128xf32>
    %gt3A_560 = arith.cmpf ogt, %add3A_557, %gt3A_559 : vector<112x128xf32>
    %mul3A_561 = vector.broadcast %get3A_24 : f32 to vector<112x128xf32>
    %mul3A_562 = arith.mulf %mul3A_561, %add3A_557 : vector<112x128xf32>
    %select_n3A_563 = arith.select %gt3A_560, %add3A_557, %mul3A_562 : vector<112x128xi1>, vector<112x128xf32>
    %get3A_564 = arith.constant 9 : index
    %get3A_565 = memref.load %arg7[%get3A_564] : memref<32xf32, #tpu.memory_space<smem>>
    %mul3A_566 = vector.broadcast %get3A_565 : f32 to vector<112x128xf32>
    %mul3A_567 = arith.mulf %select_n3A_563, %mul3A_566 : vector<112x128xf32>
    %add3A_568 = arith.addf %add3A_514, %mul3A_567 : vector<112x128xf32>
    %get3A_569 = arith.constant 9 : index
    %get3A_570 = memref.load %arg8[%get3A_569] : memref<32xf32, #tpu.memory_space<smem>>
    %mul3A_571 = vector.broadcast %get3A_570 : f32 to vector<112x128xf32>
    %mul3A_572 = arith.mulf %select_n3A_563, %mul3A_571 : vector<112x128xf32>
    %add3A_573 = arith.addf %add3A_519, %mul3A_572 : vector<112x128xf32>
    %get3A_574 = arith.constant 0 : index
    %get3A_575 = arith.constant 10 : index
    %get3A_576 = memref.load %arg4[%get3A_574, %get3A_575] : memref<2x32xf32, #tpu.memory_space<smem>>
    %get3A_577 = arith.constant 1 : index
    %get3A_578 = arith.constant 10 : index
    %get3A_579 = memref.load %arg4[%get3A_577, %get3A_578] : memref<2x32xf32, #tpu.memory_space<smem>>
    %mul3A_580 = arith.mulf %sub3A, %get3A_576 : f32
    %mul3A_581 = arith.mulf %mul3A_580, %get3A_576 : f32
    %mul3A_582 = arith.constant 2.000000e+00 : f32
    %mul3A_583 = arith.mulf %mul3A_582, %sub3A_22 : f32
    %mul3A_584 = arith.mulf %mul3A_583, %get3A_576 : f32
    %mul3A_585 = arith.mulf %mul3A_584, %get3A_579 : f32
    %add3A_586 = arith.addf %mul3A_581, %mul3A_585 : f32
    %mul3A_587 = arith.mulf %sub3A_16, %get3A_579 : f32
    %mul3A_588 = arith.mulf %mul3A_587, %get3A_579 : f32
    %add3A_589 = arith.addf %add3A_586, %mul3A_588 : f32
    %get3A_590 = arith.constant 10 : index
    %get3A_591 = memref.load %arg5[%get3A_590] : memref<32xf32, #tpu.memory_space<smem>>
    %add3A_592 = arith.constant 9.99999974E-6 : f32
    %add3A_593 = arith.addf %add3A_589, %add3A_592 : f32
    %rsqrt3A_594 = math.rsqrt %add3A_593 : f32
    %mul3A_595 = arith.mulf %get3A_591, %rsqrt3A_594 : f32
    %get3A_596 = arith.constant 10 : index
    %get3A_597 = memref.load %arg6[%get3A_596] : memref<32xf32, #tpu.memory_space<smem>>
    %mul3A_598 = arith.mulf %mul3A_1, %get3A_576 : f32
    %mul3A_599 = arith.mulf %mul3A_5, %get3A_579 : f32
    %add3A_600 = arith.addf %mul3A_598, %mul3A_599 : f32
    %mul3A_601 = arith.mulf %add3A_600, %mul3A_595 : f32
    %sub3A_602 = arith.subf %get3A_597, %mul3A_601 : f32
    %mul3A_603 = vector.broadcast %get3A_576 : f32 to vector<112x128xf32>
    %mul3A_604 = arith.mulf %get3A_29, %mul3A_603 : vector<112x128xf32>
    %mul3A_605 = vector.broadcast %get3A_579 : f32 to vector<112x128xf32>
    %mul3A_606 = arith.mulf %get3A_34, %mul3A_605 : vector<112x128xf32>
    %add3A_607 = arith.addf %mul3A_604, %mul3A_606 : vector<112x128xf32>
    %mul3A_608 = vector.broadcast %mul3A_595 : f32 to vector<112x128xf32>
    %mul3A_609 = arith.mulf %add3A_607, %mul3A_608 : vector<112x128xf32>
    %add3A_610 = vector.broadcast %sub3A_602 : f32 to vector<112x128xf32>
    %add3A_611 = arith.addf %mul3A_609, %add3A_610 : vector<112x128xf32>
    %gt3A_612 = arith.constant 0.000000e+00 : f32
    %gt3A_613 = vector.broadcast %gt3A_612 : f32 to vector<112x128xf32>
    %gt3A_614 = arith.cmpf ogt, %add3A_611, %gt3A_613 : vector<112x128xf32>
    %mul3A_615 = vector.broadcast %get3A_24 : f32 to vector<112x128xf32>
    %mul3A_616 = arith.mulf %mul3A_615, %add3A_611 : vector<112x128xf32>
    %select_n3A_617 = arith.select %gt3A_614, %add3A_611, %mul3A_616 : vector<112x128xi1>, vector<112x128xf32>
    %get3A_618 = arith.constant 10 : index
    %get3A_619 = memref.load %arg7[%get3A_618] : memref<32xf32, #tpu.memory_space<smem>>
    %mul3A_620 = vector.broadcast %get3A_619 : f32 to vector<112x128xf32>
    %mul3A_621 = arith.mulf %select_n3A_617, %mul3A_620 : vector<112x128xf32>
    %add3A_622 = arith.addf %add3A_568, %mul3A_621 : vector<112x128xf32>
    %get3A_623 = arith.constant 10 : index
    %get3A_624 = memref.load %arg8[%get3A_623] : memref<32xf32, #tpu.memory_space<smem>>
    %mul3A_625 = vector.broadcast %get3A_624 : f32 to vector<112x128xf32>
    %mul3A_626 = arith.mulf %select_n3A_617, %mul3A_625 : vector<112x128xf32>
    %add3A_627 = arith.addf %add3A_573, %mul3A_626 : vector<112x128xf32>
    %get3A_628 = arith.constant 0 : index
    %get3A_629 = arith.constant 11 : index
    %get3A_630 = memref.load %arg4[%get3A_628, %get3A_629] : memref<2x32xf32, #tpu.memory_space<smem>>
    %get3A_631 = arith.constant 1 : index
    %get3A_632 = arith.constant 11 : index
    %get3A_633 = memref.load %arg4[%get3A_631, %get3A_632] : memref<2x32xf32, #tpu.memory_space<smem>>
    %mul3A_634 = arith.mulf %sub3A, %get3A_630 : f32
    %mul3A_635 = arith.mulf %mul3A_634, %get3A_630 : f32
    %mul3A_636 = arith.constant 2.000000e+00 : f32
    %mul3A_637 = arith.mulf %mul3A_636, %sub3A_22 : f32
    %mul3A_638 = arith.mulf %mul3A_637, %get3A_630 : f32
    %mul3A_639 = arith.mulf %mul3A_638, %get3A_633 : f32
    %add3A_640 = arith.addf %mul3A_635, %mul3A_639 : f32
    %mul3A_641 = arith.mulf %sub3A_16, %get3A_633 : f32
    %mul3A_642 = arith.mulf %mul3A_641, %get3A_633 : f32
    %add3A_643 = arith.addf %add3A_640, %mul3A_642 : f32
    %get3A_644 = arith.constant 11 : index
    %get3A_645 = memref.load %arg5[%get3A_644] : memref<32xf32, #tpu.memory_space<smem>>
    %add3A_646 = arith.constant 9.99999974E-6 : f32
    %add3A_647 = arith.addf %add3A_643, %add3A_646 : f32
    %rsqrt3A_648 = math.rsqrt %add3A_647 : f32
    %mul3A_649 = arith.mulf %get3A_645, %rsqrt3A_648 : f32
    %get3A_650 = arith.constant 11 : index
    %get3A_651 = memref.load %arg6[%get3A_650] : memref<32xf32, #tpu.memory_space<smem>>
    %mul3A_652 = arith.mulf %mul3A_1, %get3A_630 : f32
    %mul3A_653 = arith.mulf %mul3A_5, %get3A_633 : f32
    %add3A_654 = arith.addf %mul3A_652, %mul3A_653 : f32
    %mul3A_655 = arith.mulf %add3A_654, %mul3A_649 : f32
    %sub3A_656 = arith.subf %get3A_651, %mul3A_655 : f32
    %mul3A_657 = vector.broadcast %get3A_630 : f32 to vector<112x128xf32>
    %mul3A_658 = arith.mulf %get3A_29, %mul3A_657 : vector<112x128xf32>
    %mul3A_659 = vector.broadcast %get3A_633 : f32 to vector<112x128xf32>
    %mul3A_660 = arith.mulf %get3A_34, %mul3A_659 : vector<112x128xf32>
    %add3A_661 = arith.addf %mul3A_658, %mul3A_660 : vector<112x128xf32>
    %mul3A_662 = vector.broadcast %mul3A_649 : f32 to vector<112x128xf32>
    %mul3A_663 = arith.mulf %add3A_661, %mul3A_662 : vector<112x128xf32>
    %add3A_664 = vector.broadcast %sub3A_656 : f32 to vector<112x128xf32>
    %add3A_665 = arith.addf %mul3A_663, %add3A_664 : vector<112x128xf32>
    %gt3A_666 = arith.constant 0.000000e+00 : f32
    %gt3A_667 = vector.broadcast %gt3A_666 : f32 to vector<112x128xf32>
    %gt3A_668 = arith.cmpf ogt, %add3A_665, %gt3A_667 : vector<112x128xf32>
    %mul3A_669 = vector.broadcast %get3A_24 : f32 to vector<112x128xf32>
    %mul3A_670 = arith.mulf %mul3A_669, %add3A_665 : vector<112x128xf32>
    %select_n3A_671 = arith.select %gt3A_668, %add3A_665, %mul3A_670 : vector<112x128xi1>, vector<112x128xf32>
    %get3A_672 = arith.constant 11 : index
    %get3A_673 = memref.load %arg7[%get3A_672] : memref<32xf32, #tpu.memory_space<smem>>
    %mul3A_674 = vector.broadcast %get3A_673 : f32 to vector<112x128xf32>
    %mul3A_675 = arith.mulf %select_n3A_671, %mul3A_674 : vector<112x128xf32>
    %add3A_676 = arith.addf %add3A_622, %mul3A_675 : vector<112x128xf32>
    %get3A_677 = arith.constant 11 : index
    %get3A_678 = memref.load %arg8[%get3A_677] : memref<32xf32, #tpu.memory_space<smem>>
    %mul3A_679 = vector.broadcast %get3A_678 : f32 to vector<112x128xf32>
    %mul3A_680 = arith.mulf %select_n3A_671, %mul3A_679 : vector<112x128xf32>
    %add3A_681 = arith.addf %add3A_627, %mul3A_680 : vector<112x128xf32>
    %get3A_682 = arith.constant 0 : index
    %get3A_683 = arith.constant 12 : index
    %get3A_684 = memref.load %arg4[%get3A_682, %get3A_683] : memref<2x32xf32, #tpu.memory_space<smem>>
    %get3A_685 = arith.constant 1 : index
    %get3A_686 = arith.constant 12 : index
    %get3A_687 = memref.load %arg4[%get3A_685, %get3A_686] : memref<2x32xf32, #tpu.memory_space<smem>>
    %mul3A_688 = arith.mulf %sub3A, %get3A_684 : f32
    %mul3A_689 = arith.mulf %mul3A_688, %get3A_684 : f32
    %mul3A_690 = arith.constant 2.000000e+00 : f32
    %mul3A_691 = arith.mulf %mul3A_690, %sub3A_22 : f32
    %mul3A_692 = arith.mulf %mul3A_691, %get3A_684 : f32
    %mul3A_693 = arith.mulf %mul3A_692, %get3A_687 : f32
    %add3A_694 = arith.addf %mul3A_689, %mul3A_693 : f32
    %mul3A_695 = arith.mulf %sub3A_16, %get3A_687 : f32
    %mul3A_696 = arith.mulf %mul3A_695, %get3A_687 : f32
    %add3A_697 = arith.addf %add3A_694, %mul3A_696 : f32
    %get3A_698 = arith.constant 12 : index
    %get3A_699 = memref.load %arg5[%get3A_698] : memref<32xf32, #tpu.memory_space<smem>>
    %add3A_700 = arith.constant 9.99999974E-6 : f32
    %add3A_701 = arith.addf %add3A_697, %add3A_700 : f32
    %rsqrt3A_702 = math.rsqrt %add3A_701 : f32
    %mul3A_703 = arith.mulf %get3A_699, %rsqrt3A_702 : f32
    %get3A_704 = arith.constant 12 : index
    %get3A_705 = memref.load %arg6[%get3A_704] : memref<32xf32, #tpu.memory_space<smem>>
    %mul3A_706 = arith.mulf %mul3A_1, %get3A_684 : f32
    %mul3A_707 = arith.mulf %mul3A_5, %get3A_687 : f32
    %add3A_708 = arith.addf %mul3A_706, %mul3A_707 : f32
    %mul3A_709 = arith.mulf %add3A_708, %mul3A_703 : f32
    %sub3A_710 = arith.subf %get3A_705, %mul3A_709 : f32
    %mul3A_711 = vector.broadcast %get3A_684 : f32 to vector<112x128xf32>
    %mul3A_712 = arith.mulf %get3A_29, %mul3A_711 : vector<112x128xf32>
    %mul3A_713 = vector.broadcast %get3A_687 : f32 to vector<112x128xf32>
    %mul3A_714 = arith.mulf %get3A_34, %mul3A_713 : vector<112x128xf32>
    %add3A_715 = arith.addf %mul3A_712, %mul3A_714 : vector<112x128xf32>
    %mul3A_716 = vector.broadcast %mul3A_703 : f32 to vector<112x128xf32>
    %mul3A_717 = arith.mulf %add3A_715, %mul3A_716 : vector<112x128xf32>
    %add3A_718 = vector.broadcast %sub3A_710 : f32 to vector<112x128xf32>
    %add3A_719 = arith.addf %mul3A_717, %add3A_718 : vector<112x128xf32>
    %gt3A_720 = arith.constant 0.000000e+00 : f32
    %gt3A_721 = vector.broadcast %gt3A_720 : f32 to vector<112x128xf32>
    %gt3A_722 = arith.cmpf ogt, %add3A_719, %gt3A_721 : vector<112x128xf32>
    %mul3A_723 = vector.broadcast %get3A_24 : f32 to vector<112x128xf32>
    %mul3A_724 = arith.mulf %mul3A_723, %add3A_719 : vector<112x128xf32>
    %select_n3A_725 = arith.select %gt3A_722, %add3A_719, %mul3A_724 : vector<112x128xi1>, vector<112x128xf32>
    %get3A_726 = arith.constant 12 : index
    %get3A_727 = memref.load %arg7[%get3A_726] : memref<32xf32, #tpu.memory_space<smem>>
    %mul3A_728 = vector.broadcast %get3A_727 : f32 to vector<112x128xf32>
    %mul3A_729 = arith.mulf %select_n3A_725, %mul3A_728 : vector<112x128xf32>
    %add3A_730 = arith.addf %add3A_676, %mul3A_729 : vector<112x128xf32>
    %get3A_731 = arith.constant 12 : index
    %get3A_732 = memref.load %arg8[%get3A_731] : memref<32xf32, #tpu.memory_space<smem>>
    %mul3A_733 = vector.broadcast %get3A_732 : f32 to vector<112x128xf32>
    %mul3A_734 = arith.mulf %select_n3A_725, %mul3A_733 : vector<112x128xf32>
    %add3A_735 = arith.addf %add3A_681, %mul3A_734 : vector<112x128xf32>
    %get3A_736 = arith.constant 0 : index
    %get3A_737 = arith.constant 13 : index
    %get3A_738 = memref.load %arg4[%get3A_736, %get3A_737] : memref<2x32xf32, #tpu.memory_space<smem>>
    %get3A_739 = arith.constant 1 : index
    %get3A_740 = arith.constant 13 : index
    %get3A_741 = memref.load %arg4[%get3A_739, %get3A_740] : memref<2x32xf32, #tpu.memory_space<smem>>
    %mul3A_742 = arith.mulf %sub3A, %get3A_738 : f32
    %mul3A_743 = arith.mulf %mul3A_742, %get3A_738 : f32
    %mul3A_744 = arith.constant 2.000000e+00 : f32
    %mul3A_745 = arith.mulf %mul3A_744, %sub3A_22 : f32
    %mul3A_746 = arith.mulf %mul3A_745, %get3A_738 : f32
    %mul3A_747 = arith.mulf %mul3A_746, %get3A_741 : f32
    %add3A_748 = arith.addf %mul3A_743, %mul3A_747 : f32
    %mul3A_749 = arith.mulf %sub3A_16, %get3A_741 : f32
    %mul3A_750 = arith.mulf %mul3A_749, %get3A_741 : f32
    %add3A_751 = arith.addf %add3A_748, %mul3A_750 : f32
    %get3A_752 = arith.constant 13 : index
    %get3A_753 = memref.load %arg5[%get3A_752] : memref<32xf32, #tpu.memory_space<smem>>
    %add3A_754 = arith.constant 9.99999974E-6 : f32
    %add3A_755 = arith.addf %add3A_751, %add3A_754 : f32
    %rsqrt3A_756 = math.rsqrt %add3A_755 : f32
    %mul3A_757 = arith.mulf %get3A_753, %rsqrt3A_756 : f32
    %get3A_758 = arith.constant 13 : index
    %get3A_759 = memref.load %arg6[%get3A_758] : memref<32xf32, #tpu.memory_space<smem>>
    %mul3A_760 = arith.mulf %mul3A_1, %get3A_738 : f32
    %mul3A_761 = arith.mulf %mul3A_5, %get3A_741 : f32
    %add3A_762 = arith.addf %mul3A_760, %mul3A_761 : f32
    %mul3A_763 = arith.mulf %add3A_762, %mul3A_757 : f32
    %sub3A_764 = arith.subf %get3A_759, %mul3A_763 : f32
    %mul3A_765 = vector.broadcast %get3A_738 : f32 to vector<112x128xf32>
    %mul3A_766 = arith.mulf %get3A_29, %mul3A_765 : vector<112x128xf32>
    %mul3A_767 = vector.broadcast %get3A_741 : f32 to vector<112x128xf32>
    %mul3A_768 = arith.mulf %get3A_34, %mul3A_767 : vector<112x128xf32>
    %add3A_769 = arith.addf %mul3A_766, %mul3A_768 : vector<112x128xf32>
    %mul3A_770 = vector.broadcast %mul3A_757 : f32 to vector<112x128xf32>
    %mul3A_771 = arith.mulf %add3A_769, %mul3A_770 : vector<112x128xf32>
    %add3A_772 = vector.broadcast %sub3A_764 : f32 to vector<112x128xf32>
    %add3A_773 = arith.addf %mul3A_771, %add3A_772 : vector<112x128xf32>
    %gt3A_774 = arith.constant 0.000000e+00 : f32
    %gt3A_775 = vector.broadcast %gt3A_774 : f32 to vector<112x128xf32>
    %gt3A_776 = arith.cmpf ogt, %add3A_773, %gt3A_775 : vector<112x128xf32>
    %mul3A_777 = vector.broadcast %get3A_24 : f32 to vector<112x128xf32>
    %mul3A_778 = arith.mulf %mul3A_777, %add3A_773 : vector<112x128xf32>
    %select_n3A_779 = arith.select %gt3A_776, %add3A_773, %mul3A_778 : vector<112x128xi1>, vector<112x128xf32>
    %get3A_780 = arith.constant 13 : index
    %get3A_781 = memref.load %arg7[%get3A_780] : memref<32xf32, #tpu.memory_space<smem>>
    %mul3A_782 = vector.broadcast %get3A_781 : f32 to vector<112x128xf32>
    %mul3A_783 = arith.mulf %select_n3A_779, %mul3A_782 : vector<112x128xf32>
    %add3A_784 = arith.addf %add3A_730, %mul3A_783 : vector<112x128xf32>
    %get3A_785 = arith.constant 13 : index
    %get3A_786 = memref.load %arg8[%get3A_785] : memref<32xf32, #tpu.memory_space<smem>>
    %mul3A_787 = vector.broadcast %get3A_786 : f32 to vector<112x128xf32>
    %mul3A_788 = arith.mulf %select_n3A_779, %mul3A_787 : vector<112x128xf32>
    %add3A_789 = arith.addf %add3A_735, %mul3A_788 : vector<112x128xf32>
    %get3A_790 = arith.constant 0 : index
    %get3A_791 = arith.constant 14 : index
    %get3A_792 = memref.load %arg4[%get3A_790, %get3A_791] : memref<2x32xf32, #tpu.memory_space<smem>>
    %get3A_793 = arith.constant 1 : index
    %get3A_794 = arith.constant 14 : index
    %get3A_795 = memref.load %arg4[%get3A_793, %get3A_794] : memref<2x32xf32, #tpu.memory_space<smem>>
    %mul3A_796 = arith.mulf %sub3A, %get3A_792 : f32
    %mul3A_797 = arith.mulf %mul3A_796, %get3A_792 : f32
    %mul3A_798 = arith.constant 2.000000e+00 : f32
    %mul3A_799 = arith.mulf %mul3A_798, %sub3A_22 : f32
    %mul3A_800 = arith.mulf %mul3A_799, %get3A_792 : f32
    %mul3A_801 = arith.mulf %mul3A_800, %get3A_795 : f32
    %add3A_802 = arith.addf %mul3A_797, %mul3A_801 : f32
    %mul3A_803 = arith.mulf %sub3A_16, %get3A_795 : f32
    %mul3A_804 = arith.mulf %mul3A_803, %get3A_795 : f32
    %add3A_805 = arith.addf %add3A_802, %mul3A_804 : f32
    %get3A_806 = arith.constant 14 : index
    %get3A_807 = memref.load %arg5[%get3A_806] : memref<32xf32, #tpu.memory_space<smem>>
    %add3A_808 = arith.constant 9.99999974E-6 : f32
    %add3A_809 = arith.addf %add3A_805, %add3A_808 : f32
    %rsqrt3A_810 = math.rsqrt %add3A_809 : f32
    %mul3A_811 = arith.mulf %get3A_807, %rsqrt3A_810 : f32
    %get3A_812 = arith.constant 14 : index
    %get3A_813 = memref.load %arg6[%get3A_812] : memref<32xf32, #tpu.memory_space<smem>>
    %mul3A_814 = arith.mulf %mul3A_1, %get3A_792 : f32
    %mul3A_815 = arith.mulf %mul3A_5, %get3A_795 : f32
    %add3A_816 = arith.addf %mul3A_814, %mul3A_815 : f32
    %mul3A_817 = arith.mulf %add3A_816, %mul3A_811 : f32
    %sub3A_818 = arith.subf %get3A_813, %mul3A_817 : f32
    %mul3A_819 = vector.broadcast %get3A_792 : f32 to vector<112x128xf32>
    %mul3A_820 = arith.mulf %get3A_29, %mul3A_819 : vector<112x128xf32>
    %mul3A_821 = vector.broadcast %get3A_795 : f32 to vector<112x128xf32>
    %mul3A_822 = arith.mulf %get3A_34, %mul3A_821 : vector<112x128xf32>
    %add3A_823 = arith.addf %mul3A_820, %mul3A_822 : vector<112x128xf32>
    %mul3A_824 = vector.broadcast %mul3A_811 : f32 to vector<112x128xf32>
    %mul3A_825 = arith.mulf %add3A_823, %mul3A_824 : vector<112x128xf32>
    %add3A_826 = vector.broadcast %sub3A_818 : f32 to vector<112x128xf32>
    %add3A_827 = arith.addf %mul3A_825, %add3A_826 : vector<112x128xf32>
    %gt3A_828 = arith.constant 0.000000e+00 : f32
    %gt3A_829 = vector.broadcast %gt3A_828 : f32 to vector<112x128xf32>
    %gt3A_830 = arith.cmpf ogt, %add3A_827, %gt3A_829 : vector<112x128xf32>
    %mul3A_831 = vector.broadcast %get3A_24 : f32 to vector<112x128xf32>
    %mul3A_832 = arith.mulf %mul3A_831, %add3A_827 : vector<112x128xf32>
    %select_n3A_833 = arith.select %gt3A_830, %add3A_827, %mul3A_832 : vector<112x128xi1>, vector<112x128xf32>
    %get3A_834 = arith.constant 14 : index
    %get3A_835 = memref.load %arg7[%get3A_834] : memref<32xf32, #tpu.memory_space<smem>>
    %mul3A_836 = vector.broadcast %get3A_835 : f32 to vector<112x128xf32>
    %mul3A_837 = arith.mulf %select_n3A_833, %mul3A_836 : vector<112x128xf32>
    %add3A_838 = arith.addf %add3A_784, %mul3A_837 : vector<112x128xf32>
    %get3A_839 = arith.constant 14 : index
    %get3A_840 = memref.load %arg8[%get3A_839] : memref<32xf32, #tpu.memory_space<smem>>
    %mul3A_841 = vector.broadcast %get3A_840 : f32 to vector<112x128xf32>
    %mul3A_842 = arith.mulf %select_n3A_833, %mul3A_841 : vector<112x128xf32>
    %add3A_843 = arith.addf %add3A_789, %mul3A_842 : vector<112x128xf32>
    %get3A_844 = arith.constant 0 : index
    %get3A_845 = arith.constant 15 : index
    %get3A_846 = memref.load %arg4[%get3A_844, %get3A_845] : memref<2x32xf32, #tpu.memory_space<smem>>
    %get3A_847 = arith.constant 1 : index
    %get3A_848 = arith.constant 15 : index
    %get3A_849 = memref.load %arg4[%get3A_847, %get3A_848] : memref<2x32xf32, #tpu.memory_space<smem>>
    %mul3A_850 = arith.mulf %sub3A, %get3A_846 : f32
    %mul3A_851 = arith.mulf %mul3A_850, %get3A_846 : f32
    %mul3A_852 = arith.constant 2.000000e+00 : f32
    %mul3A_853 = arith.mulf %mul3A_852, %sub3A_22 : f32
    %mul3A_854 = arith.mulf %mul3A_853, %get3A_846 : f32
    %mul3A_855 = arith.mulf %mul3A_854, %get3A_849 : f32
    %add3A_856 = arith.addf %mul3A_851, %mul3A_855 : f32
    %mul3A_857 = arith.mulf %sub3A_16, %get3A_849 : f32
    %mul3A_858 = arith.mulf %mul3A_857, %get3A_849 : f32
    %add3A_859 = arith.addf %add3A_856, %mul3A_858 : f32
    %get3A_860 = arith.constant 15 : index
    %get3A_861 = memref.load %arg5[%get3A_860] : memref<32xf32, #tpu.memory_space<smem>>
    %add3A_862 = arith.constant 9.99999974E-6 : f32
    %add3A_863 = arith.addf %add3A_859, %add3A_862 : f32
    %rsqrt3A_864 = math.rsqrt %add3A_863 : f32
    %mul3A_865 = arith.mulf %get3A_861, %rsqrt3A_864 : f32
    %get3A_866 = arith.constant 15 : index
    %get3A_867 = memref.load %arg6[%get3A_866] : memref<32xf32, #tpu.memory_space<smem>>
    %mul3A_868 = arith.mulf %mul3A_1, %get3A_846 : f32
    %mul3A_869 = arith.mulf %mul3A_5, %get3A_849 : f32
    %add3A_870 = arith.addf %mul3A_868, %mul3A_869 : f32
    %mul3A_871 = arith.mulf %add3A_870, %mul3A_865 : f32
    %sub3A_872 = arith.subf %get3A_867, %mul3A_871 : f32
    %mul3A_873 = vector.broadcast %get3A_846 : f32 to vector<112x128xf32>
    %mul3A_874 = arith.mulf %get3A_29, %mul3A_873 : vector<112x128xf32>
    %mul3A_875 = vector.broadcast %get3A_849 : f32 to vector<112x128xf32>
    %mul3A_876 = arith.mulf %get3A_34, %mul3A_875 : vector<112x128xf32>
    %add3A_877 = arith.addf %mul3A_874, %mul3A_876 : vector<112x128xf32>
    %mul3A_878 = vector.broadcast %mul3A_865 : f32 to vector<112x128xf32>
    %mul3A_879 = arith.mulf %add3A_877, %mul3A_878 : vector<112x128xf32>
    %add3A_880 = vector.broadcast %sub3A_872 : f32 to vector<112x128xf32>
    %add3A_881 = arith.addf %mul3A_879, %add3A_880 : vector<112x128xf32>
    %gt3A_882 = arith.constant 0.000000e+00 : f32
    %gt3A_883 = vector.broadcast %gt3A_882 : f32 to vector<112x128xf32>
    %gt3A_884 = arith.cmpf ogt, %add3A_881, %gt3A_883 : vector<112x128xf32>
    %mul3A_885 = vector.broadcast %get3A_24 : f32 to vector<112x128xf32>
    %mul3A_886 = arith.mulf %mul3A_885, %add3A_881 : vector<112x128xf32>
    %select_n3A_887 = arith.select %gt3A_884, %add3A_881, %mul3A_886 : vector<112x128xi1>, vector<112x128xf32>
    %get3A_888 = arith.constant 15 : index
    %get3A_889 = memref.load %arg7[%get3A_888] : memref<32xf32, #tpu.memory_space<smem>>
    %mul3A_890 = vector.broadcast %get3A_889 : f32 to vector<112x128xf32>
    %mul3A_891 = arith.mulf %select_n3A_887, %mul3A_890 : vector<112x128xf32>
    %add3A_892 = arith.addf %add3A_838, %mul3A_891 : vector<112x128xf32>
    %get3A_893 = arith.constant 15 : index
    %get3A_894 = memref.load %arg8[%get3A_893] : memref<32xf32, #tpu.memory_space<smem>>
    %mul3A_895 = vector.broadcast %get3A_894 : f32 to vector<112x128xf32>
    %mul3A_896 = arith.mulf %select_n3A_887, %mul3A_895 : vector<112x128xf32>
    %add3A_897 = arith.addf %add3A_843, %mul3A_896 : vector<112x128xf32>
    %get3A_898 = arith.constant 0 : index
    %get3A_899 = arith.constant 16 : index
    %get3A_900 = memref.load %arg4[%get3A_898, %get3A_899] : memref<2x32xf32, #tpu.memory_space<smem>>
    %get3A_901 = arith.constant 1 : index
    %get3A_902 = arith.constant 16 : index
    %get3A_903 = memref.load %arg4[%get3A_901, %get3A_902] : memref<2x32xf32, #tpu.memory_space<smem>>
    %mul3A_904 = arith.mulf %sub3A, %get3A_900 : f32
    %mul3A_905 = arith.mulf %mul3A_904, %get3A_900 : f32
    %mul3A_906 = arith.constant 2.000000e+00 : f32
    %mul3A_907 = arith.mulf %mul3A_906, %sub3A_22 : f32
    %mul3A_908 = arith.mulf %mul3A_907, %get3A_900 : f32
    %mul3A_909 = arith.mulf %mul3A_908, %get3A_903 : f32
    %add3A_910 = arith.addf %mul3A_905, %mul3A_909 : f32
    %mul3A_911 = arith.mulf %sub3A_16, %get3A_903 : f32
    %mul3A_912 = arith.mulf %mul3A_911, %get3A_903 : f32
    %add3A_913 = arith.addf %add3A_910, %mul3A_912 : f32
    %get3A_914 = arith.constant 16 : index
    %get3A_915 = memref.load %arg5[%get3A_914] : memref<32xf32, #tpu.memory_space<smem>>
    %add3A_916 = arith.constant 9.99999974E-6 : f32
    %add3A_917 = arith.addf %add3A_913, %add3A_916 : f32
    %rsqrt3A_918 = math.rsqrt %add3A_917 : f32
    %mul3A_919 = arith.mulf %get3A_915, %rsqrt3A_918 : f32
    %get3A_920 = arith.constant 16 : index
    %get3A_921 = memref.load %arg6[%get3A_920] : memref<32xf32, #tpu.memory_space<smem>>
    %mul3A_922 = arith.mulf %mul3A_1, %get3A_900 : f32
    %mul3A_923 = arith.mulf %mul3A_5, %get3A_903 : f32
    %add3A_924 = arith.addf %mul3A_922, %mul3A_923 : f32
    %mul3A_925 = arith.mulf %add3A_924, %mul3A_919 : f32
    %sub3A_926 = arith.subf %get3A_921, %mul3A_925 : f32
    %mul3A_927 = vector.broadcast %get3A_900 : f32 to vector<112x128xf32>
    %mul3A_928 = arith.mulf %get3A_29, %mul3A_927 : vector<112x128xf32>
    %mul3A_929 = vector.broadcast %get3A_903 : f32 to vector<112x128xf32>
    %mul3A_930 = arith.mulf %get3A_34, %mul3A_929 : vector<112x128xf32>
    %add3A_931 = arith.addf %mul3A_928, %mul3A_930 : vector<112x128xf32>
    %mul3A_932 = vector.broadcast %mul3A_919 : f32 to vector<112x128xf32>
    %mul3A_933 = arith.mulf %add3A_931, %mul3A_932 : vector<112x128xf32>
    %add3A_934 = vector.broadcast %sub3A_926 : f32 to vector<112x128xf32>
    %add3A_935 = arith.addf %mul3A_933, %add3A_934 : vector<112x128xf32>
    %gt3A_936 = arith.constant 0.000000e+00 : f32
    %gt3A_937 = vector.broadcast %gt3A_936 : f32 to vector<112x128xf32>
    %gt3A_938 = arith.cmpf ogt, %add3A_935, %gt3A_937 : vector<112x128xf32>
    %mul3A_939 = vector.broadcast %get3A_24 : f32 to vector<112x128xf32>
    %mul3A_940 = arith.mulf %mul3A_939, %add3A_935 : vector<112x128xf32>
    %select_n3A_941 = arith.select %gt3A_938, %add3A_935, %mul3A_940 : vector<112x128xi1>, vector<112x128xf32>
    %get3A_942 = arith.constant 16 : index
    %get3A_943 = memref.load %arg7[%get3A_942] : memref<32xf32, #tpu.memory_space<smem>>
    %mul3A_944 = vector.broadcast %get3A_943 : f32 to vector<112x128xf32>
    %mul3A_945 = arith.mulf %select_n3A_941, %mul3A_944 : vector<112x128xf32>
    %add3A_946 = arith.addf %add3A_892, %mul3A_945 : vector<112x128xf32>
    %get3A_947 = arith.constant 16 : index
    %get3A_948 = memref.load %arg8[%get3A_947] : memref<32xf32, #tpu.memory_space<smem>>
    %mul3A_949 = vector.broadcast %get3A_948 : f32 to vector<112x128xf32>
    %mul3A_950 = arith.mulf %select_n3A_941, %mul3A_949 : vector<112x128xf32>
    %add3A_951 = arith.addf %add3A_897, %mul3A_950 : vector<112x128xf32>
    %get3A_952 = arith.constant 0 : index
    %get3A_953 = arith.constant 17 : index
    %get3A_954 = memref.load %arg4[%get3A_952, %get3A_953] : memref<2x32xf32, #tpu.memory_space<smem>>
    %get3A_955 = arith.constant 1 : index
    %get3A_956 = arith.constant 17 : index
    %get3A_957 = memref.load %arg4[%get3A_955, %get3A_956] : memref<2x32xf32, #tpu.memory_space<smem>>
    %mul3A_958 = arith.mulf %sub3A, %get3A_954 : f32
    %mul3A_959 = arith.mulf %mul3A_958, %get3A_954 : f32
    %mul3A_960 = arith.constant 2.000000e+00 : f32
    %mul3A_961 = arith.mulf %mul3A_960, %sub3A_22 : f32
    %mul3A_962 = arith.mulf %mul3A_961, %get3A_954 : f32
    %mul3A_963 = arith.mulf %mul3A_962, %get3A_957 : f32
    %add3A_964 = arith.addf %mul3A_959, %mul3A_963 : f32
    %mul3A_965 = arith.mulf %sub3A_16, %get3A_957 : f32
    %mul3A_966 = arith.mulf %mul3A_965, %get3A_957 : f32
    %add3A_967 = arith.addf %add3A_964, %mul3A_966 : f32
    %get3A_968 = arith.constant 17 : index
    %get3A_969 = memref.load %arg5[%get3A_968] : memref<32xf32, #tpu.memory_space<smem>>
    %add3A_970 = arith.constant 9.99999974E-6 : f32
    %add3A_971 = arith.addf %add3A_967, %add3A_970 : f32
    %rsqrt3A_972 = math.rsqrt %add3A_971 : f32
    %mul3A_973 = arith.mulf %get3A_969, %rsqrt3A_972 : f32
    %get3A_974 = arith.constant 17 : index
    %get3A_975 = memref.load %arg6[%get3A_974] : memref<32xf32, #tpu.memory_space<smem>>
    %mul3A_976 = arith.mulf %mul3A_1, %get3A_954 : f32
    %mul3A_977 = arith.mulf %mul3A_5, %get3A_957 : f32
    %add3A_978 = arith.addf %mul3A_976, %mul3A_977 : f32
    %mul3A_979 = arith.mulf %add3A_978, %mul3A_973 : f32
    %sub3A_980 = arith.subf %get3A_975, %mul3A_979 : f32
    %mul3A_981 = vector.broadcast %get3A_954 : f32 to vector<112x128xf32>
    %mul3A_982 = arith.mulf %get3A_29, %mul3A_981 : vector<112x128xf32>
    %mul3A_983 = vector.broadcast %get3A_957 : f32 to vector<112x128xf32>
    %mul3A_984 = arith.mulf %get3A_34, %mul3A_983 : vector<112x128xf32>
    %add3A_985 = arith.addf %mul3A_982, %mul3A_984 : vector<112x128xf32>
    %mul3A_986 = vector.broadcast %mul3A_973 : f32 to vector<112x128xf32>
    %mul3A_987 = arith.mulf %add3A_985, %mul3A_986 : vector<112x128xf32>
    %add3A_988 = vector.broadcast %sub3A_980 : f32 to vector<112x128xf32>
    %add3A_989 = arith.addf %mul3A_987, %add3A_988 : vector<112x128xf32>
    %gt3A_990 = arith.constant 0.000000e+00 : f32
    %gt3A_991 = vector.broadcast %gt3A_990 : f32 to vector<112x128xf32>
    %gt3A_992 = arith.cmpf ogt, %add3A_989, %gt3A_991 : vector<112x128xf32>
    %mul3A_993 = vector.broadcast %get3A_24 : f32 to vector<112x128xf32>
    %mul3A_994 = arith.mulf %mul3A_993, %add3A_989 : vector<112x128xf32>
    %select_n3A_995 = arith.select %gt3A_992, %add3A_989, %mul3A_994 : vector<112x128xi1>, vector<112x128xf32>
    %get3A_996 = arith.constant 17 : index
    %get3A_997 = memref.load %arg7[%get3A_996] : memref<32xf32, #tpu.memory_space<smem>>
    %mul3A_998 = vector.broadcast %get3A_997 : f32 to vector<112x128xf32>
    %mul3A_999 = arith.mulf %select_n3A_995, %mul3A_998 : vector<112x128xf32>
    %add3A_1000 = arith.addf %add3A_946, %mul3A_999 : vector<112x128xf32>
    %get3A_1001 = arith.constant 17 : index
    %get3A_1002 = memref.load %arg8[%get3A_1001] : memref<32xf32, #tpu.memory_space<smem>>
    %mul3A_1003 = vector.broadcast %get3A_1002 : f32 to vector<112x128xf32>
    %mul3A_1004 = arith.mulf %select_n3A_995, %mul3A_1003 : vector<112x128xf32>
    %add3A_1005 = arith.addf %add3A_951, %mul3A_1004 : vector<112x128xf32>
    %get3A_1006 = arith.constant 0 : index
    %get3A_1007 = arith.constant 18 : index
    %get3A_1008 = memref.load %arg4[%get3A_1006, %get3A_1007] : memref<2x32xf32, #tpu.memory_space<smem>>
    %get3A_1009 = arith.constant 1 : index
    %get3A_1010 = arith.constant 18 : index
    %get3A_1011 = memref.load %arg4[%get3A_1009, %get3A_1010] : memref<2x32xf32, #tpu.memory_space<smem>>
    %mul3A_1012 = arith.mulf %sub3A, %get3A_1008 : f32
    %mul3A_1013 = arith.mulf %mul3A_1012, %get3A_1008 : f32
    %mul3A_1014 = arith.constant 2.000000e+00 : f32
    %mul3A_1015 = arith.mulf %mul3A_1014, %sub3A_22 : f32
    %mul3A_1016 = arith.mulf %mul3A_1015, %get3A_1008 : f32
    %mul3A_1017 = arith.mulf %mul3A_1016, %get3A_1011 : f32
    %add3A_1018 = arith.addf %mul3A_1013, %mul3A_1017 : f32
    %mul3A_1019 = arith.mulf %sub3A_16, %get3A_1011 : f32
    %mul3A_1020 = arith.mulf %mul3A_1019, %get3A_1011 : f32
    %add3A_1021 = arith.addf %add3A_1018, %mul3A_1020 : f32
    %get3A_1022 = arith.constant 18 : index
    %get3A_1023 = memref.load %arg5[%get3A_1022] : memref<32xf32, #tpu.memory_space<smem>>
    %add3A_1024 = arith.constant 9.99999974E-6 : f32
    %add3A_1025 = arith.addf %add3A_1021, %add3A_1024 : f32
    %rsqrt3A_1026 = math.rsqrt %add3A_1025 : f32
    %mul3A_1027 = arith.mulf %get3A_1023, %rsqrt3A_1026 : f32
    %get3A_1028 = arith.constant 18 : index
    %get3A_1029 = memref.load %arg6[%get3A_1028] : memref<32xf32, #tpu.memory_space<smem>>
    %mul3A_1030 = arith.mulf %mul3A_1, %get3A_1008 : f32
    %mul3A_1031 = arith.mulf %mul3A_5, %get3A_1011 : f32
    %add3A_1032 = arith.addf %mul3A_1030, %mul3A_1031 : f32
    %mul3A_1033 = arith.mulf %add3A_1032, %mul3A_1027 : f32
    %sub3A_1034 = arith.subf %get3A_1029, %mul3A_1033 : f32
    %mul3A_1035 = vector.broadcast %get3A_1008 : f32 to vector<112x128xf32>
    %mul3A_1036 = arith.mulf %get3A_29, %mul3A_1035 : vector<112x128xf32>
    %mul3A_1037 = vector.broadcast %get3A_1011 : f32 to vector<112x128xf32>
    %mul3A_1038 = arith.mulf %get3A_34, %mul3A_1037 : vector<112x128xf32>
    %add3A_1039 = arith.addf %mul3A_1036, %mul3A_1038 : vector<112x128xf32>
    %mul3A_1040 = vector.broadcast %mul3A_1027 : f32 to vector<112x128xf32>
    %mul3A_1041 = arith.mulf %add3A_1039, %mul3A_1040 : vector<112x128xf32>
    %add3A_1042 = vector.broadcast %sub3A_1034 : f32 to vector<112x128xf32>
    %add3A_1043 = arith.addf %mul3A_1041, %add3A_1042 : vector<112x128xf32>
    %gt3A_1044 = arith.constant 0.000000e+00 : f32
    %gt3A_1045 = vector.broadcast %gt3A_1044 : f32 to vector<112x128xf32>
    %gt3A_1046 = arith.cmpf ogt, %add3A_1043, %gt3A_1045 : vector<112x128xf32>
    %mul3A_1047 = vector.broadcast %get3A_24 : f32 to vector<112x128xf32>
    %mul3A_1048 = arith.mulf %mul3A_1047, %add3A_1043 : vector<112x128xf32>
    %select_n3A_1049 = arith.select %gt3A_1046, %add3A_1043, %mul3A_1048 : vector<112x128xi1>, vector<112x128xf32>
    %get3A_1050 = arith.constant 18 : index
    %get3A_1051 = memref.load %arg7[%get3A_1050] : memref<32xf32, #tpu.memory_space<smem>>
    %mul3A_1052 = vector.broadcast %get3A_1051 : f32 to vector<112x128xf32>
    %mul3A_1053 = arith.mulf %select_n3A_1049, %mul3A_1052 : vector<112x128xf32>
    %add3A_1054 = arith.addf %add3A_1000, %mul3A_1053 : vector<112x128xf32>
    %get3A_1055 = arith.constant 18 : index
    %get3A_1056 = memref.load %arg8[%get3A_1055] : memref<32xf32, #tpu.memory_space<smem>>
    %mul3A_1057 = vector.broadcast %get3A_1056 : f32 to vector<112x128xf32>
    %mul3A_1058 = arith.mulf %select_n3A_1049, %mul3A_1057 : vector<112x128xf32>
    %add3A_1059 = arith.addf %add3A_1005, %mul3A_1058 : vector<112x128xf32>
    %get3A_1060 = arith.constant 0 : index
    %get3A_1061 = arith.constant 19 : index
    %get3A_1062 = memref.load %arg4[%get3A_1060, %get3A_1061] : memref<2x32xf32, #tpu.memory_space<smem>>
    %get3A_1063 = arith.constant 1 : index
    %get3A_1064 = arith.constant 19 : index
    %get3A_1065 = memref.load %arg4[%get3A_1063, %get3A_1064] : memref<2x32xf32, #tpu.memory_space<smem>>
    %mul3A_1066 = arith.mulf %sub3A, %get3A_1062 : f32
    %mul3A_1067 = arith.mulf %mul3A_1066, %get3A_1062 : f32
    %mul3A_1068 = arith.constant 2.000000e+00 : f32
    %mul3A_1069 = arith.mulf %mul3A_1068, %sub3A_22 : f32
    %mul3A_1070 = arith.mulf %mul3A_1069, %get3A_1062 : f32
    %mul3A_1071 = arith.mulf %mul3A_1070, %get3A_1065 : f32
    %add3A_1072 = arith.addf %mul3A_1067, %mul3A_1071 : f32
    %mul3A_1073 = arith.mulf %sub3A_16, %get3A_1065 : f32
    %mul3A_1074 = arith.mulf %mul3A_1073, %get3A_1065 : f32
    %add3A_1075 = arith.addf %add3A_1072, %mul3A_1074 : f32
    %get3A_1076 = arith.constant 19 : index
    %get3A_1077 = memref.load %arg5[%get3A_1076] : memref<32xf32, #tpu.memory_space<smem>>
    %add3A_1078 = arith.constant 9.99999974E-6 : f32
    %add3A_1079 = arith.addf %add3A_1075, %add3A_1078 : f32
    %rsqrt3A_1080 = math.rsqrt %add3A_1079 : f32
    %mul3A_1081 = arith.mulf %get3A_1077, %rsqrt3A_1080 : f32
    %get3A_1082 = arith.constant 19 : index
    %get3A_1083 = memref.load %arg6[%get3A_1082] : memref<32xf32, #tpu.memory_space<smem>>
    %mul3A_1084 = arith.mulf %mul3A_1, %get3A_1062 : f32
    %mul3A_1085 = arith.mulf %mul3A_5, %get3A_1065 : f32
    %add3A_1086 = arith.addf %mul3A_1084, %mul3A_1085 : f32
    %mul3A_1087 = arith.mulf %add3A_1086, %mul3A_1081 : f32
    %sub3A_1088 = arith.subf %get3A_1083, %mul3A_1087 : f32
    %mul3A_1089 = vector.broadcast %get3A_1062 : f32 to vector<112x128xf32>
    %mul3A_1090 = arith.mulf %get3A_29, %mul3A_1089 : vector<112x128xf32>
    %mul3A_1091 = vector.broadcast %get3A_1065 : f32 to vector<112x128xf32>
    %mul3A_1092 = arith.mulf %get3A_34, %mul3A_1091 : vector<112x128xf32>
    %add3A_1093 = arith.addf %mul3A_1090, %mul3A_1092 : vector<112x128xf32>
    %mul3A_1094 = vector.broadcast %mul3A_1081 : f32 to vector<112x128xf32>
    %mul3A_1095 = arith.mulf %add3A_1093, %mul3A_1094 : vector<112x128xf32>
    %add3A_1096 = vector.broadcast %sub3A_1088 : f32 to vector<112x128xf32>
    %add3A_1097 = arith.addf %mul3A_1095, %add3A_1096 : vector<112x128xf32>
    %gt3A_1098 = arith.constant 0.000000e+00 : f32
    %gt3A_1099 = vector.broadcast %gt3A_1098 : f32 to vector<112x128xf32>
    %gt3A_1100 = arith.cmpf ogt, %add3A_1097, %gt3A_1099 : vector<112x128xf32>
    %mul3A_1101 = vector.broadcast %get3A_24 : f32 to vector<112x128xf32>
    %mul3A_1102 = arith.mulf %mul3A_1101, %add3A_1097 : vector<112x128xf32>
    %select_n3A_1103 = arith.select %gt3A_1100, %add3A_1097, %mul3A_1102 : vector<112x128xi1>, vector<112x128xf32>
    %get3A_1104 = arith.constant 19 : index
    %get3A_1105 = memref.load %arg7[%get3A_1104] : memref<32xf32, #tpu.memory_space<smem>>
    %mul3A_1106 = vector.broadcast %get3A_1105 : f32 to vector<112x128xf32>
    %mul3A_1107 = arith.mulf %select_n3A_1103, %mul3A_1106 : vector<112x128xf32>
    %add3A_1108 = arith.addf %add3A_1054, %mul3A_1107 : vector<112x128xf32>
    %get3A_1109 = arith.constant 19 : index
    %get3A_1110 = memref.load %arg8[%get3A_1109] : memref<32xf32, #tpu.memory_space<smem>>
    %mul3A_1111 = vector.broadcast %get3A_1110 : f32 to vector<112x128xf32>
    %mul3A_1112 = arith.mulf %select_n3A_1103, %mul3A_1111 : vector<112x128xf32>
    %add3A_1113 = arith.addf %add3A_1059, %mul3A_1112 : vector<112x128xf32>
    %get3A_1114 = arith.constant 0 : index
    %get3A_1115 = arith.constant 20 : index
    %get3A_1116 = memref.load %arg4[%get3A_1114, %get3A_1115] : memref<2x32xf32, #tpu.memory_space<smem>>
    %get3A_1117 = arith.constant 1 : index
    %get3A_1118 = arith.constant 20 : index
    %get3A_1119 = memref.load %arg4[%get3A_1117, %get3A_1118] : memref<2x32xf32, #tpu.memory_space<smem>>
    %mul3A_1120 = arith.mulf %sub3A, %get3A_1116 : f32
    %mul3A_1121 = arith.mulf %mul3A_1120, %get3A_1116 : f32
    %mul3A_1122 = arith.constant 2.000000e+00 : f32
    %mul3A_1123 = arith.mulf %mul3A_1122, %sub3A_22 : f32
    %mul3A_1124 = arith.mulf %mul3A_1123, %get3A_1116 : f32
    %mul3A_1125 = arith.mulf %mul3A_1124, %get3A_1119 : f32
    %add3A_1126 = arith.addf %mul3A_1121, %mul3A_1125 : f32
    %mul3A_1127 = arith.mulf %sub3A_16, %get3A_1119 : f32
    %mul3A_1128 = arith.mulf %mul3A_1127, %get3A_1119 : f32
    %add3A_1129 = arith.addf %add3A_1126, %mul3A_1128 : f32
    %get3A_1130 = arith.constant 20 : index
    %get3A_1131 = memref.load %arg5[%get3A_1130] : memref<32xf32, #tpu.memory_space<smem>>
    %add3A_1132 = arith.constant 9.99999974E-6 : f32
    %add3A_1133 = arith.addf %add3A_1129, %add3A_1132 : f32
    %rsqrt3A_1134 = math.rsqrt %add3A_1133 : f32
    %mul3A_1135 = arith.mulf %get3A_1131, %rsqrt3A_1134 : f32
    %get3A_1136 = arith.constant 20 : index
    %get3A_1137 = memref.load %arg6[%get3A_1136] : memref<32xf32, #tpu.memory_space<smem>>
    %mul3A_1138 = arith.mulf %mul3A_1, %get3A_1116 : f32
    %mul3A_1139 = arith.mulf %mul3A_5, %get3A_1119 : f32
    %add3A_1140 = arith.addf %mul3A_1138, %mul3A_1139 : f32
    %mul3A_1141 = arith.mulf %add3A_1140, %mul3A_1135 : f32
    %sub3A_1142 = arith.subf %get3A_1137, %mul3A_1141 : f32
    %mul3A_1143 = vector.broadcast %get3A_1116 : f32 to vector<112x128xf32>
    %mul3A_1144 = arith.mulf %get3A_29, %mul3A_1143 : vector<112x128xf32>
    %mul3A_1145 = vector.broadcast %get3A_1119 : f32 to vector<112x128xf32>
    %mul3A_1146 = arith.mulf %get3A_34, %mul3A_1145 : vector<112x128xf32>
    %add3A_1147 = arith.addf %mul3A_1144, %mul3A_1146 : vector<112x128xf32>
    %mul3A_1148 = vector.broadcast %mul3A_1135 : f32 to vector<112x128xf32>
    %mul3A_1149 = arith.mulf %add3A_1147, %mul3A_1148 : vector<112x128xf32>
    %add3A_1150 = vector.broadcast %sub3A_1142 : f32 to vector<112x128xf32>
    %add3A_1151 = arith.addf %mul3A_1149, %add3A_1150 : vector<112x128xf32>
    %gt3A_1152 = arith.constant 0.000000e+00 : f32
    %gt3A_1153 = vector.broadcast %gt3A_1152 : f32 to vector<112x128xf32>
    %gt3A_1154 = arith.cmpf ogt, %add3A_1151, %gt3A_1153 : vector<112x128xf32>
    %mul3A_1155 = vector.broadcast %get3A_24 : f32 to vector<112x128xf32>
    %mul3A_1156 = arith.mulf %mul3A_1155, %add3A_1151 : vector<112x128xf32>
    %select_n3A_1157 = arith.select %gt3A_1154, %add3A_1151, %mul3A_1156 : vector<112x128xi1>, vector<112x128xf32>
    %get3A_1158 = arith.constant 20 : index
    %get3A_1159 = memref.load %arg7[%get3A_1158] : memref<32xf32, #tpu.memory_space<smem>>
    %mul3A_1160 = vector.broadcast %get3A_1159 : f32 to vector<112x128xf32>
    %mul3A_1161 = arith.mulf %select_n3A_1157, %mul3A_1160 : vector<112x128xf32>
    %add3A_1162 = arith.addf %add3A_1108, %mul3A_1161 : vector<112x128xf32>
    %get3A_1163 = arith.constant 20 : index
    %get3A_1164 = memref.load %arg8[%get3A_1163] : memref<32xf32, #tpu.memory_space<smem>>
    %mul3A_1165 = vector.broadcast %get3A_1164 : f32 to vector<112x128xf32>
    %mul3A_1166 = arith.mulf %select_n3A_1157, %mul3A_1165 : vector<112x128xf32>
    %add3A_1167 = arith.addf %add3A_1113, %mul3A_1166 : vector<112x128xf32>
    %get3A_1168 = arith.constant 0 : index
    %get3A_1169 = arith.constant 21 : index
    %get3A_1170 = memref.load %arg4[%get3A_1168, %get3A_1169] : memref<2x32xf32, #tpu.memory_space<smem>>
    %get3A_1171 = arith.constant 1 : index
    %get3A_1172 = arith.constant 21 : index
    %get3A_1173 = memref.load %arg4[%get3A_1171, %get3A_1172] : memref<2x32xf32, #tpu.memory_space<smem>>
    %mul3A_1174 = arith.mulf %sub3A, %get3A_1170 : f32
    %mul3A_1175 = arith.mulf %mul3A_1174, %get3A_1170 : f32
    %mul3A_1176 = arith.constant 2.000000e+00 : f32
    %mul3A_1177 = arith.mulf %mul3A_1176, %sub3A_22 : f32
    %mul3A_1178 = arith.mulf %mul3A_1177, %get3A_1170 : f32
    %mul3A_1179 = arith.mulf %mul3A_1178, %get3A_1173 : f32
    %add3A_1180 = arith.addf %mul3A_1175, %mul3A_1179 : f32
    %mul3A_1181 = arith.mulf %sub3A_16, %get3A_1173 : f32
    %mul3A_1182 = arith.mulf %mul3A_1181, %get3A_1173 : f32
    %add3A_1183 = arith.addf %add3A_1180, %mul3A_1182 : f32
    %get3A_1184 = arith.constant 21 : index
    %get3A_1185 = memref.load %arg5[%get3A_1184] : memref<32xf32, #tpu.memory_space<smem>>
    %add3A_1186 = arith.constant 9.99999974E-6 : f32
    %add3A_1187 = arith.addf %add3A_1183, %add3A_1186 : f32
    %rsqrt3A_1188 = math.rsqrt %add3A_1187 : f32
    %mul3A_1189 = arith.mulf %get3A_1185, %rsqrt3A_1188 : f32
    %get3A_1190 = arith.constant 21 : index
    %get3A_1191 = memref.load %arg6[%get3A_1190] : memref<32xf32, #tpu.memory_space<smem>>
    %mul3A_1192 = arith.mulf %mul3A_1, %get3A_1170 : f32
    %mul3A_1193 = arith.mulf %mul3A_5, %get3A_1173 : f32
    %add3A_1194 = arith.addf %mul3A_1192, %mul3A_1193 : f32
    %mul3A_1195 = arith.mulf %add3A_1194, %mul3A_1189 : f32
    %sub3A_1196 = arith.subf %get3A_1191, %mul3A_1195 : f32
    %mul3A_1197 = vector.broadcast %get3A_1170 : f32 to vector<112x128xf32>
    %mul3A_1198 = arith.mulf %get3A_29, %mul3A_1197 : vector<112x128xf32>
    %mul3A_1199 = vector.broadcast %get3A_1173 : f32 to vector<112x128xf32>
    %mul3A_1200 = arith.mulf %get3A_34, %mul3A_1199 : vector<112x128xf32>
    %add3A_1201 = arith.addf %mul3A_1198, %mul3A_1200 : vector<112x128xf32>
    %mul3A_1202 = vector.broadcast %mul3A_1189 : f32 to vector<112x128xf32>
    %mul3A_1203 = arith.mulf %add3A_1201, %mul3A_1202 : vector<112x128xf32>
    %add3A_1204 = vector.broadcast %sub3A_1196 : f32 to vector<112x128xf32>
    %add3A_1205 = arith.addf %mul3A_1203, %add3A_1204 : vector<112x128xf32>
    %gt3A_1206 = arith.constant 0.000000e+00 : f32
    %gt3A_1207 = vector.broadcast %gt3A_1206 : f32 to vector<112x128xf32>
    %gt3A_1208 = arith.cmpf ogt, %add3A_1205, %gt3A_1207 : vector<112x128xf32>
    %mul3A_1209 = vector.broadcast %get3A_24 : f32 to vector<112x128xf32>
    %mul3A_1210 = arith.mulf %mul3A_1209, %add3A_1205 : vector<112x128xf32>
    %select_n3A_1211 = arith.select %gt3A_1208, %add3A_1205, %mul3A_1210 : vector<112x128xi1>, vector<112x128xf32>
    %get3A_1212 = arith.constant 21 : index
    %get3A_1213 = memref.load %arg7[%get3A_1212] : memref<32xf32, #tpu.memory_space<smem>>
    %mul3A_1214 = vector.broadcast %get3A_1213 : f32 to vector<112x128xf32>
    %mul3A_1215 = arith.mulf %select_n3A_1211, %mul3A_1214 : vector<112x128xf32>
    %add3A_1216 = arith.addf %add3A_1162, %mul3A_1215 : vector<112x128xf32>
    %get3A_1217 = arith.constant 21 : index
    %get3A_1218 = memref.load %arg8[%get3A_1217] : memref<32xf32, #tpu.memory_space<smem>>
    %mul3A_1219 = vector.broadcast %get3A_1218 : f32 to vector<112x128xf32>
    %mul3A_1220 = arith.mulf %select_n3A_1211, %mul3A_1219 : vector<112x128xf32>
    %add3A_1221 = arith.addf %add3A_1167, %mul3A_1220 : vector<112x128xf32>
    %get3A_1222 = arith.constant 0 : index
    %get3A_1223 = arith.constant 22 : index
    %get3A_1224 = memref.load %arg4[%get3A_1222, %get3A_1223] : memref<2x32xf32, #tpu.memory_space<smem>>
    %get3A_1225 = arith.constant 1 : index
    %get3A_1226 = arith.constant 22 : index
    %get3A_1227 = memref.load %arg4[%get3A_1225, %get3A_1226] : memref<2x32xf32, #tpu.memory_space<smem>>
    %mul3A_1228 = arith.mulf %sub3A, %get3A_1224 : f32
    %mul3A_1229 = arith.mulf %mul3A_1228, %get3A_1224 : f32
    %mul3A_1230 = arith.constant 2.000000e+00 : f32
    %mul3A_1231 = arith.mulf %mul3A_1230, %sub3A_22 : f32
    %mul3A_1232 = arith.mulf %mul3A_1231, %get3A_1224 : f32
    %mul3A_1233 = arith.mulf %mul3A_1232, %get3A_1227 : f32
    %add3A_1234 = arith.addf %mul3A_1229, %mul3A_1233 : f32
    %mul3A_1235 = arith.mulf %sub3A_16, %get3A_1227 : f32
    %mul3A_1236 = arith.mulf %mul3A_1235, %get3A_1227 : f32
    %add3A_1237 = arith.addf %add3A_1234, %mul3A_1236 : f32
    %get3A_1238 = arith.constant 22 : index
    %get3A_1239 = memref.load %arg5[%get3A_1238] : memref<32xf32, #tpu.memory_space<smem>>
    %add3A_1240 = arith.constant 9.99999974E-6 : f32
    %add3A_1241 = arith.addf %add3A_1237, %add3A_1240 : f32
    %rsqrt3A_1242 = math.rsqrt %add3A_1241 : f32
    %mul3A_1243 = arith.mulf %get3A_1239, %rsqrt3A_1242 : f32
    %get3A_1244 = arith.constant 22 : index
    %get3A_1245 = memref.load %arg6[%get3A_1244] : memref<32xf32, #tpu.memory_space<smem>>
    %mul3A_1246 = arith.mulf %mul3A_1, %get3A_1224 : f32
    %mul3A_1247 = arith.mulf %mul3A_5, %get3A_1227 : f32
    %add3A_1248 = arith.addf %mul3A_1246, %mul3A_1247 : f32
    %mul3A_1249 = arith.mulf %add3A_1248, %mul3A_1243 : f32
    %sub3A_1250 = arith.subf %get3A_1245, %mul3A_1249 : f32
    %mul3A_1251 = vector.broadcast %get3A_1224 : f32 to vector<112x128xf32>
    %mul3A_1252 = arith.mulf %get3A_29, %mul3A_1251 : vector<112x128xf32>
    %mul3A_1253 = vector.broadcast %get3A_1227 : f32 to vector<112x128xf32>
    %mul3A_1254 = arith.mulf %get3A_34, %mul3A_1253 : vector<112x128xf32>
    %add3A_1255 = arith.addf %mul3A_1252, %mul3A_1254 : vector<112x128xf32>
    %mul3A_1256 = vector.broadcast %mul3A_1243 : f32 to vector<112x128xf32>
    %mul3A_1257 = arith.mulf %add3A_1255, %mul3A_1256 : vector<112x128xf32>
    %add3A_1258 = vector.broadcast %sub3A_1250 : f32 to vector<112x128xf32>
    %add3A_1259 = arith.addf %mul3A_1257, %add3A_1258 : vector<112x128xf32>
    %gt3A_1260 = arith.constant 0.000000e+00 : f32
    %gt3A_1261 = vector.broadcast %gt3A_1260 : f32 to vector<112x128xf32>
    %gt3A_1262 = arith.cmpf ogt, %add3A_1259, %gt3A_1261 : vector<112x128xf32>
    %mul3A_1263 = vector.broadcast %get3A_24 : f32 to vector<112x128xf32>
    %mul3A_1264 = arith.mulf %mul3A_1263, %add3A_1259 : vector<112x128xf32>
    %select_n3A_1265 = arith.select %gt3A_1262, %add3A_1259, %mul3A_1264 : vector<112x128xi1>, vector<112x128xf32>
    %get3A_1266 = arith.constant 22 : index
    %get3A_1267 = memref.load %arg7[%get3A_1266] : memref<32xf32, #tpu.memory_space<smem>>
    %mul3A_1268 = vector.broadcast %get3A_1267 : f32 to vector<112x128xf32>
    %mul3A_1269 = arith.mulf %select_n3A_1265, %mul3A_1268 : vector<112x128xf32>
    %add3A_1270 = arith.addf %add3A_1216, %mul3A_1269 : vector<112x128xf32>
    %get3A_1271 = arith.constant 22 : index
    %get3A_1272 = memref.load %arg8[%get3A_1271] : memref<32xf32, #tpu.memory_space<smem>>
    %mul3A_1273 = vector.broadcast %get3A_1272 : f32 to vector<112x128xf32>
    %mul3A_1274 = arith.mulf %select_n3A_1265, %mul3A_1273 : vector<112x128xf32>
    %add3A_1275 = arith.addf %add3A_1221, %mul3A_1274 : vector<112x128xf32>
    %get3A_1276 = arith.constant 0 : index
    %get3A_1277 = arith.constant 23 : index
    %get3A_1278 = memref.load %arg4[%get3A_1276, %get3A_1277] : memref<2x32xf32, #tpu.memory_space<smem>>
    %get3A_1279 = arith.constant 1 : index
    %get3A_1280 = arith.constant 23 : index
    %get3A_1281 = memref.load %arg4[%get3A_1279, %get3A_1280] : memref<2x32xf32, #tpu.memory_space<smem>>
    %mul3A_1282 = arith.mulf %sub3A, %get3A_1278 : f32
    %mul3A_1283 = arith.mulf %mul3A_1282, %get3A_1278 : f32
    %mul3A_1284 = arith.constant 2.000000e+00 : f32
    %mul3A_1285 = arith.mulf %mul3A_1284, %sub3A_22 : f32
    %mul3A_1286 = arith.mulf %mul3A_1285, %get3A_1278 : f32
    %mul3A_1287 = arith.mulf %mul3A_1286, %get3A_1281 : f32
    %add3A_1288 = arith.addf %mul3A_1283, %mul3A_1287 : f32
    %mul3A_1289 = arith.mulf %sub3A_16, %get3A_1281 : f32
    %mul3A_1290 = arith.mulf %mul3A_1289, %get3A_1281 : f32
    %add3A_1291 = arith.addf %add3A_1288, %mul3A_1290 : f32
    %get3A_1292 = arith.constant 23 : index
    %get3A_1293 = memref.load %arg5[%get3A_1292] : memref<32xf32, #tpu.memory_space<smem>>
    %add3A_1294 = arith.constant 9.99999974E-6 : f32
    %add3A_1295 = arith.addf %add3A_1291, %add3A_1294 : f32
    %rsqrt3A_1296 = math.rsqrt %add3A_1295 : f32
    %mul3A_1297 = arith.mulf %get3A_1293, %rsqrt3A_1296 : f32
    %get3A_1298 = arith.constant 23 : index
    %get3A_1299 = memref.load %arg6[%get3A_1298] : memref<32xf32, #tpu.memory_space<smem>>
    %mul3A_1300 = arith.mulf %mul3A_1, %get3A_1278 : f32
    %mul3A_1301 = arith.mulf %mul3A_5, %get3A_1281 : f32
    %add3A_1302 = arith.addf %mul3A_1300, %mul3A_1301 : f32
    %mul3A_1303 = arith.mulf %add3A_1302, %mul3A_1297 : f32
    %sub3A_1304 = arith.subf %get3A_1299, %mul3A_1303 : f32
    %mul3A_1305 = vector.broadcast %get3A_1278 : f32 to vector<112x128xf32>
    %mul3A_1306 = arith.mulf %get3A_29, %mul3A_1305 : vector<112x128xf32>
    %mul3A_1307 = vector.broadcast %get3A_1281 : f32 to vector<112x128xf32>
    %mul3A_1308 = arith.mulf %get3A_34, %mul3A_1307 : vector<112x128xf32>
    %add3A_1309 = arith.addf %mul3A_1306, %mul3A_1308 : vector<112x128xf32>
    %mul3A_1310 = vector.broadcast %mul3A_1297 : f32 to vector<112x128xf32>
    %mul3A_1311 = arith.mulf %add3A_1309, %mul3A_1310 : vector<112x128xf32>
    %add3A_1312 = vector.broadcast %sub3A_1304 : f32 to vector<112x128xf32>
    %add3A_1313 = arith.addf %mul3A_1311, %add3A_1312 : vector<112x128xf32>
    %gt3A_1314 = arith.constant 0.000000e+00 : f32
    %gt3A_1315 = vector.broadcast %gt3A_1314 : f32 to vector<112x128xf32>
    %gt3A_1316 = arith.cmpf ogt, %add3A_1313, %gt3A_1315 : vector<112x128xf32>
    %mul3A_1317 = vector.broadcast %get3A_24 : f32 to vector<112x128xf32>
    %mul3A_1318 = arith.mulf %mul3A_1317, %add3A_1313 : vector<112x128xf32>
    %select_n3A_1319 = arith.select %gt3A_1316, %add3A_1313, %mul3A_1318 : vector<112x128xi1>, vector<112x128xf32>
    %get3A_1320 = arith.constant 23 : index
    %get3A_1321 = memref.load %arg7[%get3A_1320] : memref<32xf32, #tpu.memory_space<smem>>
    %mul3A_1322 = vector.broadcast %get3A_1321 : f32 to vector<112x128xf32>
    %mul3A_1323 = arith.mulf %select_n3A_1319, %mul3A_1322 : vector<112x128xf32>
    %add3A_1324 = arith.addf %add3A_1270, %mul3A_1323 : vector<112x128xf32>
    %get3A_1325 = arith.constant 23 : index
    %get3A_1326 = memref.load %arg8[%get3A_1325] : memref<32xf32, #tpu.memory_space<smem>>
    %mul3A_1327 = vector.broadcast %get3A_1326 : f32 to vector<112x128xf32>
    %mul3A_1328 = arith.mulf %select_n3A_1319, %mul3A_1327 : vector<112x128xf32>
    %add3A_1329 = arith.addf %add3A_1275, %mul3A_1328 : vector<112x128xf32>
    %get3A_1330 = arith.constant 0 : index
    %get3A_1331 = arith.constant 24 : index
    %get3A_1332 = memref.load %arg4[%get3A_1330, %get3A_1331] : memref<2x32xf32, #tpu.memory_space<smem>>
    %get3A_1333 = arith.constant 1 : index
    %get3A_1334 = arith.constant 24 : index
    %get3A_1335 = memref.load %arg4[%get3A_1333, %get3A_1334] : memref<2x32xf32, #tpu.memory_space<smem>>
    %mul3A_1336 = arith.mulf %sub3A, %get3A_1332 : f32
    %mul3A_1337 = arith.mulf %mul3A_1336, %get3A_1332 : f32
    %mul3A_1338 = arith.constant 2.000000e+00 : f32
    %mul3A_1339 = arith.mulf %mul3A_1338, %sub3A_22 : f32
    %mul3A_1340 = arith.mulf %mul3A_1339, %get3A_1332 : f32
    %mul3A_1341 = arith.mulf %mul3A_1340, %get3A_1335 : f32
    %add3A_1342 = arith.addf %mul3A_1337, %mul3A_1341 : f32
    %mul3A_1343 = arith.mulf %sub3A_16, %get3A_1335 : f32
    %mul3A_1344 = arith.mulf %mul3A_1343, %get3A_1335 : f32
    %add3A_1345 = arith.addf %add3A_1342, %mul3A_1344 : f32
    %get3A_1346 = arith.constant 24 : index
    %get3A_1347 = memref.load %arg5[%get3A_1346] : memref<32xf32, #tpu.memory_space<smem>>
    %add3A_1348 = arith.constant 9.99999974E-6 : f32
    %add3A_1349 = arith.addf %add3A_1345, %add3A_1348 : f32
    %rsqrt3A_1350 = math.rsqrt %add3A_1349 : f32
    %mul3A_1351 = arith.mulf %get3A_1347, %rsqrt3A_1350 : f32
    %get3A_1352 = arith.constant 24 : index
    %get3A_1353 = memref.load %arg6[%get3A_1352] : memref<32xf32, #tpu.memory_space<smem>>
    %mul3A_1354 = arith.mulf %mul3A_1, %get3A_1332 : f32
    %mul3A_1355 = arith.mulf %mul3A_5, %get3A_1335 : f32
    %add3A_1356 = arith.addf %mul3A_1354, %mul3A_1355 : f32
    %mul3A_1357 = arith.mulf %add3A_1356, %mul3A_1351 : f32
    %sub3A_1358 = arith.subf %get3A_1353, %mul3A_1357 : f32
    %mul3A_1359 = vector.broadcast %get3A_1332 : f32 to vector<112x128xf32>
    %mul3A_1360 = arith.mulf %get3A_29, %mul3A_1359 : vector<112x128xf32>
    %mul3A_1361 = vector.broadcast %get3A_1335 : f32 to vector<112x128xf32>
    %mul3A_1362 = arith.mulf %get3A_34, %mul3A_1361 : vector<112x128xf32>
    %add3A_1363 = arith.addf %mul3A_1360, %mul3A_1362 : vector<112x128xf32>
    %mul3A_1364 = vector.broadcast %mul3A_1351 : f32 to vector<112x128xf32>
    %mul3A_1365 = arith.mulf %add3A_1363, %mul3A_1364 : vector<112x128xf32>
    %add3A_1366 = vector.broadcast %sub3A_1358 : f32 to vector<112x128xf32>
    %add3A_1367 = arith.addf %mul3A_1365, %add3A_1366 : vector<112x128xf32>
    %gt3A_1368 = arith.constant 0.000000e+00 : f32
    %gt3A_1369 = vector.broadcast %gt3A_1368 : f32 to vector<112x128xf32>
    %gt3A_1370 = arith.cmpf ogt, %add3A_1367, %gt3A_1369 : vector<112x128xf32>
    %mul3A_1371 = vector.broadcast %get3A_24 : f32 to vector<112x128xf32>
    %mul3A_1372 = arith.mulf %mul3A_1371, %add3A_1367 : vector<112x128xf32>
    %select_n3A_1373 = arith.select %gt3A_1370, %add3A_1367, %mul3A_1372 : vector<112x128xi1>, vector<112x128xf32>
    %get3A_1374 = arith.constant 24 : index
    %get3A_1375 = memref.load %arg7[%get3A_1374] : memref<32xf32, #tpu.memory_space<smem>>
    %mul3A_1376 = vector.broadcast %get3A_1375 : f32 to vector<112x128xf32>
    %mul3A_1377 = arith.mulf %select_n3A_1373, %mul3A_1376 : vector<112x128xf32>
    %add3A_1378 = arith.addf %add3A_1324, %mul3A_1377 : vector<112x128xf32>
    %get3A_1379 = arith.constant 24 : index
    %get3A_1380 = memref.load %arg8[%get3A_1379] : memref<32xf32, #tpu.memory_space<smem>>
    %mul3A_1381 = vector.broadcast %get3A_1380 : f32 to vector<112x128xf32>
    %mul3A_1382 = arith.mulf %select_n3A_1373, %mul3A_1381 : vector<112x128xf32>
    %add3A_1383 = arith.addf %add3A_1329, %mul3A_1382 : vector<112x128xf32>
    %get3A_1384 = arith.constant 0 : index
    %get3A_1385 = arith.constant 25 : index
    %get3A_1386 = memref.load %arg4[%get3A_1384, %get3A_1385] : memref<2x32xf32, #tpu.memory_space<smem>>
    %get3A_1387 = arith.constant 1 : index
    %get3A_1388 = arith.constant 25 : index
    %get3A_1389 = memref.load %arg4[%get3A_1387, %get3A_1388] : memref<2x32xf32, #tpu.memory_space<smem>>
    %mul3A_1390 = arith.mulf %sub3A, %get3A_1386 : f32
    %mul3A_1391 = arith.mulf %mul3A_1390, %get3A_1386 : f32
    %mul3A_1392 = arith.constant 2.000000e+00 : f32
    %mul3A_1393 = arith.mulf %mul3A_1392, %sub3A_22 : f32
    %mul3A_1394 = arith.mulf %mul3A_1393, %get3A_1386 : f32
    %mul3A_1395 = arith.mulf %mul3A_1394, %get3A_1389 : f32
    %add3A_1396 = arith.addf %mul3A_1391, %mul3A_1395 : f32
    %mul3A_1397 = arith.mulf %sub3A_16, %get3A_1389 : f32
    %mul3A_1398 = arith.mulf %mul3A_1397, %get3A_1389 : f32
    %add3A_1399 = arith.addf %add3A_1396, %mul3A_1398 : f32
    %get3A_1400 = arith.constant 25 : index
    %get3A_1401 = memref.load %arg5[%get3A_1400] : memref<32xf32, #tpu.memory_space<smem>>
    %add3A_1402 = arith.constant 9.99999974E-6 : f32
    %add3A_1403 = arith.addf %add3A_1399, %add3A_1402 : f32
    %rsqrt3A_1404 = math.rsqrt %add3A_1403 : f32
    %mul3A_1405 = arith.mulf %get3A_1401, %rsqrt3A_1404 : f32
    %get3A_1406 = arith.constant 25 : index
    %get3A_1407 = memref.load %arg6[%get3A_1406] : memref<32xf32, #tpu.memory_space<smem>>
    %mul3A_1408 = arith.mulf %mul3A_1, %get3A_1386 : f32
    %mul3A_1409 = arith.mulf %mul3A_5, %get3A_1389 : f32
    %add3A_1410 = arith.addf %mul3A_1408, %mul3A_1409 : f32
    %mul3A_1411 = arith.mulf %add3A_1410, %mul3A_1405 : f32
    %sub3A_1412 = arith.subf %get3A_1407, %mul3A_1411 : f32
    %mul3A_1413 = vector.broadcast %get3A_1386 : f32 to vector<112x128xf32>
    %mul3A_1414 = arith.mulf %get3A_29, %mul3A_1413 : vector<112x128xf32>
    %mul3A_1415 = vector.broadcast %get3A_1389 : f32 to vector<112x128xf32>
    %mul3A_1416 = arith.mulf %get3A_34, %mul3A_1415 : vector<112x128xf32>
    %add3A_1417 = arith.addf %mul3A_1414, %mul3A_1416 : vector<112x128xf32>
    %mul3A_1418 = vector.broadcast %mul3A_1405 : f32 to vector<112x128xf32>
    %mul3A_1419 = arith.mulf %add3A_1417, %mul3A_1418 : vector<112x128xf32>
    %add3A_1420 = vector.broadcast %sub3A_1412 : f32 to vector<112x128xf32>
    %add3A_1421 = arith.addf %mul3A_1419, %add3A_1420 : vector<112x128xf32>
    %gt3A_1422 = arith.constant 0.000000e+00 : f32
    %gt3A_1423 = vector.broadcast %gt3A_1422 : f32 to vector<112x128xf32>
    %gt3A_1424 = arith.cmpf ogt, %add3A_1421, %gt3A_1423 : vector<112x128xf32>
    %mul3A_1425 = vector.broadcast %get3A_24 : f32 to vector<112x128xf32>
    %mul3A_1426 = arith.mulf %mul3A_1425, %add3A_1421 : vector<112x128xf32>
    %select_n3A_1427 = arith.select %gt3A_1424, %add3A_1421, %mul3A_1426 : vector<112x128xi1>, vector<112x128xf32>
    %get3A_1428 = arith.constant 25 : index
    %get3A_1429 = memref.load %arg7[%get3A_1428] : memref<32xf32, #tpu.memory_space<smem>>
    %mul3A_1430 = vector.broadcast %get3A_1429 : f32 to vector<112x128xf32>
    %mul3A_1431 = arith.mulf %select_n3A_1427, %mul3A_1430 : vector<112x128xf32>
    %add3A_1432 = arith.addf %add3A_1378, %mul3A_1431 : vector<112x128xf32>
    %get3A_1433 = arith.constant 25 : index
    %get3A_1434 = memref.load %arg8[%get3A_1433] : memref<32xf32, #tpu.memory_space<smem>>
    %mul3A_1435 = vector.broadcast %get3A_1434 : f32 to vector<112x128xf32>
    %mul3A_1436 = arith.mulf %select_n3A_1427, %mul3A_1435 : vector<112x128xf32>
    %add3A_1437 = arith.addf %add3A_1383, %mul3A_1436 : vector<112x128xf32>
    %get3A_1438 = arith.constant 0 : index
    %get3A_1439 = arith.constant 26 : index
    %get3A_1440 = memref.load %arg4[%get3A_1438, %get3A_1439] : memref<2x32xf32, #tpu.memory_space<smem>>
    %get3A_1441 = arith.constant 1 : index
    %get3A_1442 = arith.constant 26 : index
    %get3A_1443 = memref.load %arg4[%get3A_1441, %get3A_1442] : memref<2x32xf32, #tpu.memory_space<smem>>
    %mul3A_1444 = arith.mulf %sub3A, %get3A_1440 : f32
    %mul3A_1445 = arith.mulf %mul3A_1444, %get3A_1440 : f32
    %mul3A_1446 = arith.constant 2.000000e+00 : f32
    %mul3A_1447 = arith.mulf %mul3A_1446, %sub3A_22 : f32
    %mul3A_1448 = arith.mulf %mul3A_1447, %get3A_1440 : f32
    %mul3A_1449 = arith.mulf %mul3A_1448, %get3A_1443 : f32
    %add3A_1450 = arith.addf %mul3A_1445, %mul3A_1449 : f32
    %mul3A_1451 = arith.mulf %sub3A_16, %get3A_1443 : f32
    %mul3A_1452 = arith.mulf %mul3A_1451, %get3A_1443 : f32
    %add3A_1453 = arith.addf %add3A_1450, %mul3A_1452 : f32
    %get3A_1454 = arith.constant 26 : index
    %get3A_1455 = memref.load %arg5[%get3A_1454] : memref<32xf32, #tpu.memory_space<smem>>
    %add3A_1456 = arith.constant 9.99999974E-6 : f32
    %add3A_1457 = arith.addf %add3A_1453, %add3A_1456 : f32
    %rsqrt3A_1458 = math.rsqrt %add3A_1457 : f32
    %mul3A_1459 = arith.mulf %get3A_1455, %rsqrt3A_1458 : f32
    %get3A_1460 = arith.constant 26 : index
    %get3A_1461 = memref.load %arg6[%get3A_1460] : memref<32xf32, #tpu.memory_space<smem>>
    %mul3A_1462 = arith.mulf %mul3A_1, %get3A_1440 : f32
    %mul3A_1463 = arith.mulf %mul3A_5, %get3A_1443 : f32
    %add3A_1464 = arith.addf %mul3A_1462, %mul3A_1463 : f32
    %mul3A_1465 = arith.mulf %add3A_1464, %mul3A_1459 : f32
    %sub3A_1466 = arith.subf %get3A_1461, %mul3A_1465 : f32
    %mul3A_1467 = vector.broadcast %get3A_1440 : f32 to vector<112x128xf32>
    %mul3A_1468 = arith.mulf %get3A_29, %mul3A_1467 : vector<112x128xf32>
    %mul3A_1469 = vector.broadcast %get3A_1443 : f32 to vector<112x128xf32>
    %mul3A_1470 = arith.mulf %get3A_34, %mul3A_1469 : vector<112x128xf32>
    %add3A_1471 = arith.addf %mul3A_1468, %mul3A_1470 : vector<112x128xf32>
    %mul3A_1472 = vector.broadcast %mul3A_1459 : f32 to vector<112x128xf32>
    %mul3A_1473 = arith.mulf %add3A_1471, %mul3A_1472 : vector<112x128xf32>
    %add3A_1474 = vector.broadcast %sub3A_1466 : f32 to vector<112x128xf32>
    %add3A_1475 = arith.addf %mul3A_1473, %add3A_1474 : vector<112x128xf32>
    %gt3A_1476 = arith.constant 0.000000e+00 : f32
    %gt3A_1477 = vector.broadcast %gt3A_1476 : f32 to vector<112x128xf32>
    %gt3A_1478 = arith.cmpf ogt, %add3A_1475, %gt3A_1477 : vector<112x128xf32>
    %mul3A_1479 = vector.broadcast %get3A_24 : f32 to vector<112x128xf32>
    %mul3A_1480 = arith.mulf %mul3A_1479, %add3A_1475 : vector<112x128xf32>
    %select_n3A_1481 = arith.select %gt3A_1478, %add3A_1475, %mul3A_1480 : vector<112x128xi1>, vector<112x128xf32>
    %get3A_1482 = arith.constant 26 : index
    %get3A_1483 = memref.load %arg7[%get3A_1482] : memref<32xf32, #tpu.memory_space<smem>>
    %mul3A_1484 = vector.broadcast %get3A_1483 : f32 to vector<112x128xf32>
    %mul3A_1485 = arith.mulf %select_n3A_1481, %mul3A_1484 : vector<112x128xf32>
    %add3A_1486 = arith.addf %add3A_1432, %mul3A_1485 : vector<112x128xf32>
    %get3A_1487 = arith.constant 26 : index
    %get3A_1488 = memref.load %arg8[%get3A_1487] : memref<32xf32, #tpu.memory_space<smem>>
    %mul3A_1489 = vector.broadcast %get3A_1488 : f32 to vector<112x128xf32>
    %mul3A_1490 = arith.mulf %select_n3A_1481, %mul3A_1489 : vector<112x128xf32>
    %add3A_1491 = arith.addf %add3A_1437, %mul3A_1490 : vector<112x128xf32>
    %get3A_1492 = arith.constant 0 : index
    %get3A_1493 = arith.constant 27 : index
    %get3A_1494 = memref.load %arg4[%get3A_1492, %get3A_1493] : memref<2x32xf32, #tpu.memory_space<smem>>
    %get3A_1495 = arith.constant 1 : index
    %get3A_1496 = arith.constant 27 : index
    %get3A_1497 = memref.load %arg4[%get3A_1495, %get3A_1496] : memref<2x32xf32, #tpu.memory_space<smem>>
    %mul3A_1498 = arith.mulf %sub3A, %get3A_1494 : f32
    %mul3A_1499 = arith.mulf %mul3A_1498, %get3A_1494 : f32
    %mul3A_1500 = arith.constant 2.000000e+00 : f32
    %mul3A_1501 = arith.mulf %mul3A_1500, %sub3A_22 : f32
    %mul3A_1502 = arith.mulf %mul3A_1501, %get3A_1494 : f32
    %mul3A_1503 = arith.mulf %mul3A_1502, %get3A_1497 : f32
    %add3A_1504 = arith.addf %mul3A_1499, %mul3A_1503 : f32
    %mul3A_1505 = arith.mulf %sub3A_16, %get3A_1497 : f32
    %mul3A_1506 = arith.mulf %mul3A_1505, %get3A_1497 : f32
    %add3A_1507 = arith.addf %add3A_1504, %mul3A_1506 : f32
    %get3A_1508 = arith.constant 27 : index
    %get3A_1509 = memref.load %arg5[%get3A_1508] : memref<32xf32, #tpu.memory_space<smem>>
    %add3A_1510 = arith.constant 9.99999974E-6 : f32
    %add3A_1511 = arith.addf %add3A_1507, %add3A_1510 : f32
    %rsqrt3A_1512 = math.rsqrt %add3A_1511 : f32
    %mul3A_1513 = arith.mulf %get3A_1509, %rsqrt3A_1512 : f32
    %get3A_1514 = arith.constant 27 : index
    %get3A_1515 = memref.load %arg6[%get3A_1514] : memref<32xf32, #tpu.memory_space<smem>>
    %mul3A_1516 = arith.mulf %mul3A_1, %get3A_1494 : f32
    %mul3A_1517 = arith.mulf %mul3A_5, %get3A_1497 : f32
    %add3A_1518 = arith.addf %mul3A_1516, %mul3A_1517 : f32
    %mul3A_1519 = arith.mulf %add3A_1518, %mul3A_1513 : f32
    %sub3A_1520 = arith.subf %get3A_1515, %mul3A_1519 : f32
    %mul3A_1521 = vector.broadcast %get3A_1494 : f32 to vector<112x128xf32>
    %mul3A_1522 = arith.mulf %get3A_29, %mul3A_1521 : vector<112x128xf32>
    %mul3A_1523 = vector.broadcast %get3A_1497 : f32 to vector<112x128xf32>
    %mul3A_1524 = arith.mulf %get3A_34, %mul3A_1523 : vector<112x128xf32>
    %add3A_1525 = arith.addf %mul3A_1522, %mul3A_1524 : vector<112x128xf32>
    %mul3A_1526 = vector.broadcast %mul3A_1513 : f32 to vector<112x128xf32>
    %mul3A_1527 = arith.mulf %add3A_1525, %mul3A_1526 : vector<112x128xf32>
    %add3A_1528 = vector.broadcast %sub3A_1520 : f32 to vector<112x128xf32>
    %add3A_1529 = arith.addf %mul3A_1527, %add3A_1528 : vector<112x128xf32>
    %gt3A_1530 = arith.constant 0.000000e+00 : f32
    %gt3A_1531 = vector.broadcast %gt3A_1530 : f32 to vector<112x128xf32>
    %gt3A_1532 = arith.cmpf ogt, %add3A_1529, %gt3A_1531 : vector<112x128xf32>
    %mul3A_1533 = vector.broadcast %get3A_24 : f32 to vector<112x128xf32>
    %mul3A_1534 = arith.mulf %mul3A_1533, %add3A_1529 : vector<112x128xf32>
    %select_n3A_1535 = arith.select %gt3A_1532, %add3A_1529, %mul3A_1534 : vector<112x128xi1>, vector<112x128xf32>
    %get3A_1536 = arith.constant 27 : index
    %get3A_1537 = memref.load %arg7[%get3A_1536] : memref<32xf32, #tpu.memory_space<smem>>
    %mul3A_1538 = vector.broadcast %get3A_1537 : f32 to vector<112x128xf32>
    %mul3A_1539 = arith.mulf %select_n3A_1535, %mul3A_1538 : vector<112x128xf32>
    %add3A_1540 = arith.addf %add3A_1486, %mul3A_1539 : vector<112x128xf32>
    %get3A_1541 = arith.constant 27 : index
    %get3A_1542 = memref.load %arg8[%get3A_1541] : memref<32xf32, #tpu.memory_space<smem>>
    %mul3A_1543 = vector.broadcast %get3A_1542 : f32 to vector<112x128xf32>
    %mul3A_1544 = arith.mulf %select_n3A_1535, %mul3A_1543 : vector<112x128xf32>
    %add3A_1545 = arith.addf %add3A_1491, %mul3A_1544 : vector<112x128xf32>
    %get3A_1546 = arith.constant 0 : index
    %get3A_1547 = arith.constant 28 : index
    %get3A_1548 = memref.load %arg4[%get3A_1546, %get3A_1547] : memref<2x32xf32, #tpu.memory_space<smem>>
    %get3A_1549 = arith.constant 1 : index
    %get3A_1550 = arith.constant 28 : index
    %get3A_1551 = memref.load %arg4[%get3A_1549, %get3A_1550] : memref<2x32xf32, #tpu.memory_space<smem>>
    %mul3A_1552 = arith.mulf %sub3A, %get3A_1548 : f32
    %mul3A_1553 = arith.mulf %mul3A_1552, %get3A_1548 : f32
    %mul3A_1554 = arith.constant 2.000000e+00 : f32
    %mul3A_1555 = arith.mulf %mul3A_1554, %sub3A_22 : f32
    %mul3A_1556 = arith.mulf %mul3A_1555, %get3A_1548 : f32
    %mul3A_1557 = arith.mulf %mul3A_1556, %get3A_1551 : f32
    %add3A_1558 = arith.addf %mul3A_1553, %mul3A_1557 : f32
    %mul3A_1559 = arith.mulf %sub3A_16, %get3A_1551 : f32
    %mul3A_1560 = arith.mulf %mul3A_1559, %get3A_1551 : f32
    %add3A_1561 = arith.addf %add3A_1558, %mul3A_1560 : f32
    %get3A_1562 = arith.constant 28 : index
    %get3A_1563 = memref.load %arg5[%get3A_1562] : memref<32xf32, #tpu.memory_space<smem>>
    %add3A_1564 = arith.constant 9.99999974E-6 : f32
    %add3A_1565 = arith.addf %add3A_1561, %add3A_1564 : f32
    %rsqrt3A_1566 = math.rsqrt %add3A_1565 : f32
    %mul3A_1567 = arith.mulf %get3A_1563, %rsqrt3A_1566 : f32
    %get3A_1568 = arith.constant 28 : index
    %get3A_1569 = memref.load %arg6[%get3A_1568] : memref<32xf32, #tpu.memory_space<smem>>
    %mul3A_1570 = arith.mulf %mul3A_1, %get3A_1548 : f32
    %mul3A_1571 = arith.mulf %mul3A_5, %get3A_1551 : f32
    %add3A_1572 = arith.addf %mul3A_1570, %mul3A_1571 : f32
    %mul3A_1573 = arith.mulf %add3A_1572, %mul3A_1567 : f32
    %sub3A_1574 = arith.subf %get3A_1569, %mul3A_1573 : f32
    %mul3A_1575 = vector.broadcast %get3A_1548 : f32 to vector<112x128xf32>
    %mul3A_1576 = arith.mulf %get3A_29, %mul3A_1575 : vector<112x128xf32>
    %mul3A_1577 = vector.broadcast %get3A_1551 : f32 to vector<112x128xf32>
    %mul3A_1578 = arith.mulf %get3A_34, %mul3A_1577 : vector<112x128xf32>
    %add3A_1579 = arith.addf %mul3A_1576, %mul3A_1578 : vector<112x128xf32>
    %mul3A_1580 = vector.broadcast %mul3A_1567 : f32 to vector<112x128xf32>
    %mul3A_1581 = arith.mulf %add3A_1579, %mul3A_1580 : vector<112x128xf32>
    %add3A_1582 = vector.broadcast %sub3A_1574 : f32 to vector<112x128xf32>
    %add3A_1583 = arith.addf %mul3A_1581, %add3A_1582 : vector<112x128xf32>
    %gt3A_1584 = arith.constant 0.000000e+00 : f32
    %gt3A_1585 = vector.broadcast %gt3A_1584 : f32 to vector<112x128xf32>
    %gt3A_1586 = arith.cmpf ogt, %add3A_1583, %gt3A_1585 : vector<112x128xf32>
    %mul3A_1587 = vector.broadcast %get3A_24 : f32 to vector<112x128xf32>
    %mul3A_1588 = arith.mulf %mul3A_1587, %add3A_1583 : vector<112x128xf32>
    %select_n3A_1589 = arith.select %gt3A_1586, %add3A_1583, %mul3A_1588 : vector<112x128xi1>, vector<112x128xf32>
    %get3A_1590 = arith.constant 28 : index
    %get3A_1591 = memref.load %arg7[%get3A_1590] : memref<32xf32, #tpu.memory_space<smem>>
    %mul3A_1592 = vector.broadcast %get3A_1591 : f32 to vector<112x128xf32>
    %mul3A_1593 = arith.mulf %select_n3A_1589, %mul3A_1592 : vector<112x128xf32>
    %add3A_1594 = arith.addf %add3A_1540, %mul3A_1593 : vector<112x128xf32>
    %get3A_1595 = arith.constant 28 : index
    %get3A_1596 = memref.load %arg8[%get3A_1595] : memref<32xf32, #tpu.memory_space<smem>>
    %mul3A_1597 = vector.broadcast %get3A_1596 : f32 to vector<112x128xf32>
    %mul3A_1598 = arith.mulf %select_n3A_1589, %mul3A_1597 : vector<112x128xf32>
    %add3A_1599 = arith.addf %add3A_1545, %mul3A_1598 : vector<112x128xf32>
    %get3A_1600 = arith.constant 0 : index
    %get3A_1601 = arith.constant 29 : index
    %get3A_1602 = memref.load %arg4[%get3A_1600, %get3A_1601] : memref<2x32xf32, #tpu.memory_space<smem>>
    %get3A_1603 = arith.constant 1 : index
    %get3A_1604 = arith.constant 29 : index
    %get3A_1605 = memref.load %arg4[%get3A_1603, %get3A_1604] : memref<2x32xf32, #tpu.memory_space<smem>>
    %mul3A_1606 = arith.mulf %sub3A, %get3A_1602 : f32
    %mul3A_1607 = arith.mulf %mul3A_1606, %get3A_1602 : f32
    %mul3A_1608 = arith.constant 2.000000e+00 : f32
    %mul3A_1609 = arith.mulf %mul3A_1608, %sub3A_22 : f32
    %mul3A_1610 = arith.mulf %mul3A_1609, %get3A_1602 : f32
    %mul3A_1611 = arith.mulf %mul3A_1610, %get3A_1605 : f32
    %add3A_1612 = arith.addf %mul3A_1607, %mul3A_1611 : f32
    %mul3A_1613 = arith.mulf %sub3A_16, %get3A_1605 : f32
    %mul3A_1614 = arith.mulf %mul3A_1613, %get3A_1605 : f32
    %add3A_1615 = arith.addf %add3A_1612, %mul3A_1614 : f32
    %get3A_1616 = arith.constant 29 : index
    %get3A_1617 = memref.load %arg5[%get3A_1616] : memref<32xf32, #tpu.memory_space<smem>>
    %add3A_1618 = arith.constant 9.99999974E-6 : f32
    %add3A_1619 = arith.addf %add3A_1615, %add3A_1618 : f32
    %rsqrt3A_1620 = math.rsqrt %add3A_1619 : f32
    %mul3A_1621 = arith.mulf %get3A_1617, %rsqrt3A_1620 : f32
    %get3A_1622 = arith.constant 29 : index
    %get3A_1623 = memref.load %arg6[%get3A_1622] : memref<32xf32, #tpu.memory_space<smem>>
    %mul3A_1624 = arith.mulf %mul3A_1, %get3A_1602 : f32
    %mul3A_1625 = arith.mulf %mul3A_5, %get3A_1605 : f32
    %add3A_1626 = arith.addf %mul3A_1624, %mul3A_1625 : f32
    %mul3A_1627 = arith.mulf %add3A_1626, %mul3A_1621 : f32
    %sub3A_1628 = arith.subf %get3A_1623, %mul3A_1627 : f32
    %mul3A_1629 = vector.broadcast %get3A_1602 : f32 to vector<112x128xf32>
    %mul3A_1630 = arith.mulf %get3A_29, %mul3A_1629 : vector<112x128xf32>
    %mul3A_1631 = vector.broadcast %get3A_1605 : f32 to vector<112x128xf32>
    %mul3A_1632 = arith.mulf %get3A_34, %mul3A_1631 : vector<112x128xf32>
    %add3A_1633 = arith.addf %mul3A_1630, %mul3A_1632 : vector<112x128xf32>
    %mul3A_1634 = vector.broadcast %mul3A_1621 : f32 to vector<112x128xf32>
    %mul3A_1635 = arith.mulf %add3A_1633, %mul3A_1634 : vector<112x128xf32>
    %add3A_1636 = vector.broadcast %sub3A_1628 : f32 to vector<112x128xf32>
    %add3A_1637 = arith.addf %mul3A_1635, %add3A_1636 : vector<112x128xf32>
    %gt3A_1638 = arith.constant 0.000000e+00 : f32
    %gt3A_1639 = vector.broadcast %gt3A_1638 : f32 to vector<112x128xf32>
    %gt3A_1640 = arith.cmpf ogt, %add3A_1637, %gt3A_1639 : vector<112x128xf32>
    %mul3A_1641 = vector.broadcast %get3A_24 : f32 to vector<112x128xf32>
    %mul3A_1642 = arith.mulf %mul3A_1641, %add3A_1637 : vector<112x128xf32>
    %select_n3A_1643 = arith.select %gt3A_1640, %add3A_1637, %mul3A_1642 : vector<112x128xi1>, vector<112x128xf32>
    %get3A_1644 = arith.constant 29 : index
    %get3A_1645 = memref.load %arg7[%get3A_1644] : memref<32xf32, #tpu.memory_space<smem>>
    %mul3A_1646 = vector.broadcast %get3A_1645 : f32 to vector<112x128xf32>
    %mul3A_1647 = arith.mulf %select_n3A_1643, %mul3A_1646 : vector<112x128xf32>
    %add3A_1648 = arith.addf %add3A_1594, %mul3A_1647 : vector<112x128xf32>
    %get3A_1649 = arith.constant 29 : index
    %get3A_1650 = memref.load %arg8[%get3A_1649] : memref<32xf32, #tpu.memory_space<smem>>
    %mul3A_1651 = vector.broadcast %get3A_1650 : f32 to vector<112x128xf32>
    %mul3A_1652 = arith.mulf %select_n3A_1643, %mul3A_1651 : vector<112x128xf32>
    %add3A_1653 = arith.addf %add3A_1599, %mul3A_1652 : vector<112x128xf32>
    %get3A_1654 = arith.constant 0 : index
    %get3A_1655 = arith.constant 30 : index
    %get3A_1656 = memref.load %arg4[%get3A_1654, %get3A_1655] : memref<2x32xf32, #tpu.memory_space<smem>>
    %get3A_1657 = arith.constant 1 : index
    %get3A_1658 = arith.constant 30 : index
    %get3A_1659 = memref.load %arg4[%get3A_1657, %get3A_1658] : memref<2x32xf32, #tpu.memory_space<smem>>
    %mul3A_1660 = arith.mulf %sub3A, %get3A_1656 : f32
    %mul3A_1661 = arith.mulf %mul3A_1660, %get3A_1656 : f32
    %mul3A_1662 = arith.constant 2.000000e+00 : f32
    %mul3A_1663 = arith.mulf %mul3A_1662, %sub3A_22 : f32
    %mul3A_1664 = arith.mulf %mul3A_1663, %get3A_1656 : f32
    %mul3A_1665 = arith.mulf %mul3A_1664, %get3A_1659 : f32
    %add3A_1666 = arith.addf %mul3A_1661, %mul3A_1665 : f32
    %mul3A_1667 = arith.mulf %sub3A_16, %get3A_1659 : f32
    %mul3A_1668 = arith.mulf %mul3A_1667, %get3A_1659 : f32
    %add3A_1669 = arith.addf %add3A_1666, %mul3A_1668 : f32
    %get3A_1670 = arith.constant 30 : index
    %get3A_1671 = memref.load %arg5[%get3A_1670] : memref<32xf32, #tpu.memory_space<smem>>
    %add3A_1672 = arith.constant 9.99999974E-6 : f32
    %add3A_1673 = arith.addf %add3A_1669, %add3A_1672 : f32
    %rsqrt3A_1674 = math.rsqrt %add3A_1673 : f32
    %mul3A_1675 = arith.mulf %get3A_1671, %rsqrt3A_1674 : f32
    %get3A_1676 = arith.constant 30 : index
    %get3A_1677 = memref.load %arg6[%get3A_1676] : memref<32xf32, #tpu.memory_space<smem>>
    %mul3A_1678 = arith.mulf %mul3A_1, %get3A_1656 : f32
    %mul3A_1679 = arith.mulf %mul3A_5, %get3A_1659 : f32
    %add3A_1680 = arith.addf %mul3A_1678, %mul3A_1679 : f32
    %mul3A_1681 = arith.mulf %add3A_1680, %mul3A_1675 : f32
    %sub3A_1682 = arith.subf %get3A_1677, %mul3A_1681 : f32
    %mul3A_1683 = vector.broadcast %get3A_1656 : f32 to vector<112x128xf32>
    %mul3A_1684 = arith.mulf %get3A_29, %mul3A_1683 : vector<112x128xf32>
    %mul3A_1685 = vector.broadcast %get3A_1659 : f32 to vector<112x128xf32>
    %mul3A_1686 = arith.mulf %get3A_34, %mul3A_1685 : vector<112x128xf32>
    %add3A_1687 = arith.addf %mul3A_1684, %mul3A_1686 : vector<112x128xf32>
    %mul3A_1688 = vector.broadcast %mul3A_1675 : f32 to vector<112x128xf32>
    %mul3A_1689 = arith.mulf %add3A_1687, %mul3A_1688 : vector<112x128xf32>
    %add3A_1690 = vector.broadcast %sub3A_1682 : f32 to vector<112x128xf32>
    %add3A_1691 = arith.addf %mul3A_1689, %add3A_1690 : vector<112x128xf32>
    %gt3A_1692 = arith.constant 0.000000e+00 : f32
    %gt3A_1693 = vector.broadcast %gt3A_1692 : f32 to vector<112x128xf32>
    %gt3A_1694 = arith.cmpf ogt, %add3A_1691, %gt3A_1693 : vector<112x128xf32>
    %mul3A_1695 = vector.broadcast %get3A_24 : f32 to vector<112x128xf32>
    %mul3A_1696 = arith.mulf %mul3A_1695, %add3A_1691 : vector<112x128xf32>
    %select_n3A_1697 = arith.select %gt3A_1694, %add3A_1691, %mul3A_1696 : vector<112x128xi1>, vector<112x128xf32>
    %get3A_1698 = arith.constant 30 : index
    %get3A_1699 = memref.load %arg7[%get3A_1698] : memref<32xf32, #tpu.memory_space<smem>>
    %mul3A_1700 = vector.broadcast %get3A_1699 : f32 to vector<112x128xf32>
    %mul3A_1701 = arith.mulf %select_n3A_1697, %mul3A_1700 : vector<112x128xf32>
    %add3A_1702 = arith.addf %add3A_1648, %mul3A_1701 : vector<112x128xf32>
    %get3A_1703 = arith.constant 30 : index
    %get3A_1704 = memref.load %arg8[%get3A_1703] : memref<32xf32, #tpu.memory_space<smem>>
    %mul3A_1705 = vector.broadcast %get3A_1704 : f32 to vector<112x128xf32>
    %mul3A_1706 = arith.mulf %select_n3A_1697, %mul3A_1705 : vector<112x128xf32>
    %add3A_1707 = arith.addf %add3A_1653, %mul3A_1706 : vector<112x128xf32>
    %get3A_1708 = arith.constant 0 : index
    %get3A_1709 = arith.constant 31 : index
    %get3A_1710 = memref.load %arg4[%get3A_1708, %get3A_1709] : memref<2x32xf32, #tpu.memory_space<smem>>
    %get3A_1711 = arith.constant 1 : index
    %get3A_1712 = arith.constant 31 : index
    %get3A_1713 = memref.load %arg4[%get3A_1711, %get3A_1712] : memref<2x32xf32, #tpu.memory_space<smem>>
    %mul3A_1714 = arith.mulf %sub3A, %get3A_1710 : f32
    %mul3A_1715 = arith.mulf %mul3A_1714, %get3A_1710 : f32
    %mul3A_1716 = arith.constant 2.000000e+00 : f32
    %mul3A_1717 = arith.mulf %mul3A_1716, %sub3A_22 : f32
    %mul3A_1718 = arith.mulf %mul3A_1717, %get3A_1710 : f32
    %mul3A_1719 = arith.mulf %mul3A_1718, %get3A_1713 : f32
    %add3A_1720 = arith.addf %mul3A_1715, %mul3A_1719 : f32
    %mul3A_1721 = arith.mulf %sub3A_16, %get3A_1713 : f32
    %mul3A_1722 = arith.mulf %mul3A_1721, %get3A_1713 : f32
    %add3A_1723 = arith.addf %add3A_1720, %mul3A_1722 : f32
    %get3A_1724 = arith.constant 31 : index
    %get3A_1725 = memref.load %arg5[%get3A_1724] : memref<32xf32, #tpu.memory_space<smem>>
    %add3A_1726 = arith.constant 9.99999974E-6 : f32
    %add3A_1727 = arith.addf %add3A_1723, %add3A_1726 : f32
    %rsqrt3A_1728 = math.rsqrt %add3A_1727 : f32
    %mul3A_1729 = arith.mulf %get3A_1725, %rsqrt3A_1728 : f32
    %get3A_1730 = arith.constant 31 : index
    %get3A_1731 = memref.load %arg6[%get3A_1730] : memref<32xf32, #tpu.memory_space<smem>>
    %mul3A_1732 = arith.mulf %mul3A_1, %get3A_1710 : f32
    %mul3A_1733 = arith.mulf %mul3A_5, %get3A_1713 : f32
    %add3A_1734 = arith.addf %mul3A_1732, %mul3A_1733 : f32
    %mul3A_1735 = arith.mulf %add3A_1734, %mul3A_1729 : f32
    %sub3A_1736 = arith.subf %get3A_1731, %mul3A_1735 : f32
    %mul3A_1737 = vector.broadcast %get3A_1710 : f32 to vector<112x128xf32>
    %mul3A_1738 = arith.mulf %get3A_29, %mul3A_1737 : vector<112x128xf32>
    %mul3A_1739 = vector.broadcast %get3A_1713 : f32 to vector<112x128xf32>
    %mul3A_1740 = arith.mulf %get3A_34, %mul3A_1739 : vector<112x128xf32>
    %add3A_1741 = arith.addf %mul3A_1738, %mul3A_1740 : vector<112x128xf32>
    %mul3A_1742 = vector.broadcast %mul3A_1729 : f32 to vector<112x128xf32>
    %mul3A_1743 = arith.mulf %add3A_1741, %mul3A_1742 : vector<112x128xf32>
    %add3A_1744 = vector.broadcast %sub3A_1736 : f32 to vector<112x128xf32>
    %add3A_1745 = arith.addf %mul3A_1743, %add3A_1744 : vector<112x128xf32>
    %gt3A_1746 = arith.constant 0.000000e+00 : f32
    %gt3A_1747 = vector.broadcast %gt3A_1746 : f32 to vector<112x128xf32>
    %gt3A_1748 = arith.cmpf ogt, %add3A_1745, %gt3A_1747 : vector<112x128xf32>
    %mul3A_1749 = vector.broadcast %get3A_24 : f32 to vector<112x128xf32>
    %mul3A_1750 = arith.mulf %mul3A_1749, %add3A_1745 : vector<112x128xf32>
    %select_n3A_1751 = arith.select %gt3A_1748, %add3A_1745, %mul3A_1750 : vector<112x128xi1>, vector<112x128xf32>
    %get3A_1752 = arith.constant 31 : index
    %get3A_1753 = memref.load %arg7[%get3A_1752] : memref<32xf32, #tpu.memory_space<smem>>
    %mul3A_1754 = vector.broadcast %get3A_1753 : f32 to vector<112x128xf32>
    %mul3A_1755 = arith.mulf %select_n3A_1751, %mul3A_1754 : vector<112x128xf32>
    %add3A_1756 = arith.addf %add3A_1702, %mul3A_1755 : vector<112x128xf32>
    %get3A_1757 = arith.constant 31 : index
    %get3A_1758 = memref.load %arg8[%get3A_1757] : memref<32xf32, #tpu.memory_space<smem>>
    %mul3A_1759 = vector.broadcast %get3A_1758 : f32 to vector<112x128xf32>
    %mul3A_1760 = arith.mulf %select_n3A_1751, %mul3A_1759 : vector<112x128xf32>
    %add3A_1761 = arith.addf %add3A_1707, %mul3A_1760 : vector<112x128xf32>
    %iota3A = tpu.iota {dimensions = array<i32: 0>} : vector<112x128xi32>
    %mul3A_1762 = arith.constant 128 : i32
    %mul3A_1763 = vector.broadcast %mul3A_1762 : i32 to vector<112x128xi32>
    %mul3A_1764 = arith.muli %iota3A, %mul3A_1763 : vector<112x128xi32>
    %iota3A_1765 = tpu.iota {dimensions = array<i32: 1>} : vector<112x128xi32>
    %add3A_1766 = arith.addi %mul3A_1764, %iota3A_1765 : vector<112x128xi32>
    %mul3A_1767 = arith.constant 14336 : i32
    %mul3A_1768 = arith.muli %arg0, %mul3A_1767 : i32
    %add3A_1769 = vector.broadcast %mul3A_1768 : i32 to vector<112x128xi32>
    %add3A_1770 = arith.addi %add3A_1766, %add3A_1769 : vector<112x128xi32>
    %lt3A = arith.constant 100000 : i32
    %lt3A_1771 = vector.broadcast %lt3A : i32 to vector<112x128xi32>
    %lt3A_1772 = arith.cmpi slt, %add3A_1770, %lt3A_1771 : vector<112x128xi32>
    %get3A_1773 = arith.constant 0 : index
    %get3A_1774 = memref.load %arg9[%get3A_1773] : memref<3xf32, #tpu.memory_space<smem>>
    %add3A_1775 = vector.broadcast %get3A_1774 : f32 to vector<112x128xf32>
    %add3A_1776 = arith.addf %add3A_1756, %add3A_1775 : vector<112x128xf32>
    %jit3A = arith.constant 0.000000e+00 : f32
    %broadcast_in_dim3A_1777 = vector.broadcast %jit3A : f32 to vector<112x128xf32>
    %select_n3A_1778 = arith.select %lt3A_1772, %add3A_1776, %broadcast_in_dim3A_1777 : vector<112x128xi1>, vector<112x128xf32>
    %swap3A = arith.constant 0 : index
    %swap3A_1779 = arith.constant 0 : index
    %swap3A_1780 = arith.constant 0 : index
    %swap3A_1781 = vector.load %arg10[%swap3A, %swap3A_1779, %swap3A_1780] : memref<1x112x128xf32, #tpu.memory_space<vmem>>, vector<1x112x128xf32>
    %swap3A_1782 = vector.shape_cast %swap3A_1781 : vector<1x112x128xf32> to vector<112x128xf32>
    %swap3A_1783 = vector.shape_cast %select_n3A_1778 : vector<112x128xf32> to vector<1x112x128xf32>
    tpu.vector_store %arg10[%swap3A, %swap3A_1779, %swap3A_1780], %swap3A_1783 {strides = array<i32>} : memref<1x112x128xf32, #tpu.memory_space<vmem>>, vector<1x112x128xf32>,
    %get3A_1784 = arith.constant 1 : index
    %get3A_1785 = memref.load %arg9[%get3A_1784] : memref<3xf32, #tpu.memory_space<smem>>
    %add3A_1786 = vector.broadcast %get3A_1785 : f32 to vector<112x128xf32>
    %add3A_1787 = arith.addf %add3A_1761, %add3A_1786 : vector<112x128xf32>
    %swap3A_1788 = arith.constant 0 : index
    %swap3A_1789 = arith.constant 0 : index
    %swap3A_1790 = arith.constant 0 : index
    %swap3A_1791 = vector.load %arg11[%swap3A_1788, %swap3A_1789, %swap3A_1790] : memref<1x112x128xf32, #tpu.memory_space<vmem>>, vector<1x112x128xf32>
    %swap3A_1792 = vector.shape_cast %swap3A_1791 : vector<1x112x128xf32> to vector<112x128xf32>
    %swap3A_1793 = vector.shape_cast %add3A_1787 : vector<112x128xf32> to vector<1x112x128xf32>
    tpu.vector_store %arg11[%swap3A_1788, %swap3A_1789, %swap3A_1790], %swap3A_1793 {strides = array<i32>} : memref<1x112x128xf32, #tpu.memory_space<vmem>>, vector<1x112x128xf32>,
    return
  }
  func.func @transform_0(%arg0: i32) -> (i32, i32, i32) {
    %c0_i32 = arith.constant 0 : i32
    %c0_i32_0 = arith.constant 0 : i32
    %c0_i32_1 = arith.constant 0 : i32
    return %arg0, %c0_i32, %c0_i32_0 : i32, i32, i32
  }
  func.func @transform_1(%arg0: i32) -> (i32, i32, i32) {
    %c0_i32 = arith.constant 0 : i32
    %c0_i32_0 = arith.constant 0 : i32
    %c0_i32_1 = arith.constant 0 : i32
    return %arg0, %c0_i32, %c0_i32_0 : i32, i32, i32
  }
  func.func @transform_2(%arg0: i32) -> i32 {
    %c0_i32 = arith.constant 0 : i32
    %c0_i32_0 = arith.constant 0 : i32
    return %c0_i32 : i32
  }
  func.func @transform_3(%arg0: i32) -> (i32, i32) {
    %c0_i32 = arith.constant 0 : i32
    %c0_i32_0 = arith.constant 0 : i32
    %c0_i32_1 = arith.constant 0 : i32
    return %c0_i32, %c0_i32_0 : i32, i32
  }
  func.func @transform_4(%arg0: i32) -> i32 {
    %c0_i32 = arith.constant 0 : i32
    %c0_i32_0 = arith.constant 0 : i32
    return %c0_i32 : i32
  }
  func.func @transform_5(%arg0: i32) -> i32 {
    %c0_i32 = arith.constant 0 : i32
    %c0_i32_0 = arith.constant 0 : i32
    return %c0_i32 : i32
  }
  func.func @transform_6(%arg0: i32) -> i32 {
    %c0_i32 = arith.constant 0 : i32
    %c0_i32_0 = arith.constant 0 : i32
    return %c0_i32 : i32
  }
  func.func @transform_7(%arg0: i32) -> i32 {
    %c0_i32 = arith.constant 0 : i32
    %c0_i32_0 = arith.constant 0 : i32
    return %c0_i32 : i32
  }
  func.func @transform_8(%arg0: i32) -> i32 {
    %c0_i32 = arith.constant 0 : i32
    %c0_i32_0 = arith.constant 0 : i32
    return %c0_i32 : i32
  }
  func.func @transform_9(%arg0: i32) -> (i32, i32, i32) {
    %c0_i32 = arith.constant 0 : i32
    %c0_i32_0 = arith.constant 0 : i32
    %c0_i32_1 = arith.constant 0 : i32
    return %arg0, %c0_i32, %c0_i32_0 : i32, i32, i32
  }
  func.func @transform_10(%arg0: i32) -> (i32, i32, i32) {
    %c0_i32 = arith.constant 0 : i32
    %c0_i32_0 = arith.constant 0 : i32
    %c0_i32_1 = arith.constant 0 : i32
    return %arg0, %c0_i32, %c0_i32_0 : i32, i32, i32
  }
}

module attributes {stable_mosaic.version = 14 : i64} {
  func.func @_dinv_body(%arg0: i32, %arg1: memref<112x128xf32, #tpu.memory_space<vmem>>, %arg2: memref<112x128xf32, #tpu.memory_space<vmem>>, %arg3: memref<112x128xf32, #tpu.memory_space<vmem>>, %arg4: memref<112x128xf32, #tpu.memory_space<vmem>>, %arg5: memref<112x128xf32, #tpu.memory_space<vmem>>) attributes {dimension_semantics = [#tpu.dimension_semantics<arbitrary>], iteration_bounds = array<i64: 7>, scalar_prefetch = 0 : i64, scratch_operands = 0 : i64, tpu.core_type = #tpu.core_type<tc>, window_params = [{transform_indices = @transform_0, window_bounds = array<i64: 112, 128>}, {transform_indices = @transform_1, window_bounds = array<i64: 112, 128>}, {transform_indices = @transform_2, window_bounds = array<i64: 112, 128>}, {transform_indices = @transform_3, window_bounds = array<i64: 112, 128>}, {transform_indices = @transform_4, window_bounds = array<i64: 112, 128>}]} {
    %get3A = arith.constant 0 : index
    %get3A_0 = arith.constant 0 : index
    %get3A_1 = vector.load %arg1[%get3A, %get3A_0] : memref<112x128xf32, #tpu.memory_space<vmem>>, vector<112x128xf32>
    %get3A_2 = arith.constant 0 : index
    %get3A_3 = arith.constant 0 : index
    %get3A_4 = vector.load %arg2[%get3A_2, %get3A_3] : memref<112x128xf32, #tpu.memory_space<vmem>>, vector<112x128xf32>
    %add3A = arith.addf %get3A_1, %get3A_4 : vector<112x128xf32>
    %add3A_5 = arith.constant 1.000000e+00 : f32
    %add3A_6 = vector.broadcast %add3A_5 : f32 to vector<112x128xf32>
    %add3A_7 = arith.addf %add3A, %add3A_6 : vector<112x128xf32>
    %rsqrt3A = math.rsqrt %add3A_7 : vector<112x128xf32>
    %swap3A = arith.constant 0 : index
    %swap3A_8 = arith.constant 0 : index
    %swap3A_9 = vector.load %arg5[%swap3A, %swap3A_8] : memref<112x128xf32, #tpu.memory_space<vmem>>, vector<112x128xf32>
    tpu.vector_store %arg5[%swap3A, %swap3A_8], %rsqrt3A {strides = array<i32>} : memref<112x128xf32, #tpu.memory_space<vmem>>, vector<112x128xf32>,
    %get3A_10 = arith.constant 0 : index
    %get3A_11 = arith.constant 0 : index
    %get3A_12 = vector.load %arg3[%get3A_10, %get3A_11] : memref<112x128xf32, #tpu.memory_space<vmem>>, vector<112x128xf32>
    %mul3A = arith.mulf %rsqrt3A, %get3A_12 : vector<112x128xf32>
    %swap3A_13 = arith.constant 0 : index
    %swap3A_14 = arith.constant 0 : index
    %swap3A_15 = vector.load %arg4[%swap3A_13, %swap3A_14] : memref<112x128xf32, #tpu.memory_space<vmem>>, vector<112x128xf32>
    tpu.vector_store %arg4[%swap3A_13, %swap3A_14], %mul3A {strides = array<i32>} : memref<112x128xf32, #tpu.memory_space<vmem>>, vector<112x128xf32>,
    return
  }
  func.func @transform_0(%arg0: i32) -> (i32, i32) {
    %c0_i32 = arith.constant 0 : i32
    %c0_i32_0 = arith.constant 0 : i32
    return %arg0, %c0_i32 : i32, i32
  }
  func.func @transform_1(%arg0: i32) -> (i32, i32) {
    %c0_i32 = arith.constant 0 : i32
    %c0_i32_0 = arith.constant 0 : i32
    return %arg0, %c0_i32 : i32, i32
  }
  func.func @transform_2(%arg0: i32) -> (i32, i32) {
    %c0_i32 = arith.constant 0 : i32
    %c0_i32_0 = arith.constant 0 : i32
    return %arg0, %c0_i32 : i32, i32
  }
  func.func @transform_3(%arg0: i32) -> (i32, i32) {
    %c0_i32 = arith.constant 0 : i32
    %c0_i32_0 = arith.constant 0 : i32
    return %arg0, %c0_i32 : i32, i32
  }
  func.func @transform_4(%arg0: i32) -> (i32, i32) {
    %c0_i32 = arith.constant 0 : i32
    %c0_i32_0 = arith.constant 0 : i32
    return %arg0, %c0_i32 : i32, i32
  }
}

module attributes {stable_mosaic.version = 14 : i64} {
  func.func @_final_body(%arg0: i32, %arg1: memref<112x128xf32, #tpu.memory_space<vmem>>, %arg2: memref<112x128xf32, #tpu.memory_space<vmem>>, %arg3: memref<112x128xf32, #tpu.memory_space<vmem>>, %arg4: memref<112x128xf32, #tpu.memory_space<vmem>>, %arg5: memref<112x128xf32, #tpu.memory_space<vmem>>, %arg6: memref<1xf32, #tpu.memory_space<smem>>, %arg7: memref<112x128xf32, #tpu.memory_space<vmem>>) attributes {dimension_semantics = [#tpu.dimension_semantics<arbitrary>], iteration_bounds = array<i64: 7>, scalar_prefetch = 0 : i64, scratch_operands = 0 : i64, tpu.core_type = #tpu.core_type<tc>, window_params = [{transform_indices = @transform_0, window_bounds = array<i64: 112, 128>}, {transform_indices = @transform_1, window_bounds = array<i64: 112, 128>}, {transform_indices = @transform_2, window_bounds = array<i64: 112, 128>}, {transform_indices = @transform_3, window_bounds = array<i64: 112, 128>}, {transform_indices = @transform_4, window_bounds = array<i64: 112, 128>}, {transform_indices = @transform_5, window_bounds = array<i64: 1>}, {transform_indices = @transform_6, window_bounds = array<i64: 112, 128>}]} {
    %get3A = arith.constant 0 : index
    %get3A_0 = arith.constant 0 : index
    %get3A_1 = vector.load %arg1[%get3A, %get3A_0] : memref<112x128xf32, #tpu.memory_space<vmem>>, vector<112x128xf32>
    %get3A_2 = arith.constant 0 : index
    %get3A_3 = memref.load %arg6[%get3A_2] : memref<1xf32, #tpu.memory_space<smem>>
    %add3A = vector.broadcast %get3A_3 : f32 to vector<112x128xf32>
    %add3A_4 = arith.addf %get3A_1, %add3A : vector<112x128xf32>
    %get3A_5 = arith.constant 0 : index
    %get3A_6 = arith.constant 0 : index
    %get3A_7 = vector.load %arg2[%get3A_5, %get3A_6] : memref<112x128xf32, #tpu.memory_space<vmem>>, vector<112x128xf32>
    %get3A_8 = arith.constant 0 : index
    %get3A_9 = arith.constant 0 : index
    %get3A_10 = vector.load %arg4[%get3A_8, %get3A_9] : memref<112x128xf32, #tpu.memory_space<vmem>>, vector<112x128xf32>
    %get3A_11 = arith.constant 0 : index
    %get3A_12 = arith.constant 0 : index
    %get3A_13 = vector.load %arg5[%get3A_11, %get3A_12] : memref<112x128xf32, #tpu.memory_space<vmem>>, vector<112x128xf32>
    %add3A_14 = arith.addf %get3A_10, %get3A_13 : vector<112x128xf32>
    %get3A_15 = arith.constant 0 : index
    %get3A_16 = arith.constant 0 : index
    %get3A_17 = vector.load %arg3[%get3A_15, %get3A_16] : memref<112x128xf32, #tpu.memory_space<vmem>>, vector<112x128xf32>
    %add3A_18 = arith.addf %add3A_14, %get3A_17 : vector<112x128xf32>
    %mul3A = arith.mulf %get3A_7, %add3A_18 : vector<112x128xf32>
    %add3A_19 = arith.addf %add3A_4, %mul3A : vector<112x128xf32>
    %swap3A = arith.constant 0 : index
    %swap3A_20 = arith.constant 0 : index
    %swap3A_21 = vector.load %arg7[%swap3A, %swap3A_20] : memref<112x128xf32, #tpu.memory_space<vmem>>, vector<112x128xf32>
    tpu.vector_store %arg7[%swap3A, %swap3A_20], %add3A_19 {strides = array<i32>} : memref<112x128xf32, #tpu.memory_space<vmem>>, vector<112x128xf32>,
    return
  }
  func.func @transform_0(%arg0: i32) -> (i32, i32) {
    %c0_i32 = arith.constant 0 : i32
    %c0_i32_0 = arith.constant 0 : i32
    return %arg0, %c0_i32 : i32, i32
  }
  func.func @transform_1(%arg0: i32) -> (i32, i32) {
    %c0_i32 = arith.constant 0 : i32
    %c0_i32_0 = arith.constant 0 : i32
    return %arg0, %c0_i32 : i32, i32
  }
  func.func @transform_2(%arg0: i32) -> (i32, i32) {
    %c0_i32 = arith.constant 0 : i32
    %c0_i32_0 = arith.constant 0 : i32
    return %arg0, %c0_i32 : i32, i32
  }
  func.func @transform_3(%arg0: i32) -> (i32, i32) {
    %c0_i32 = arith.constant 0 : i32
    %c0_i32_0 = arith.constant 0 : i32
    return %arg0, %c0_i32 : i32, i32
  }
  func.func @transform_4(%arg0: i32) -> (i32, i32) {
    %c0_i32 = arith.constant 0 : i32
    %c0_i32_0 = arith.constant 0 : i32
    return %arg0, %c0_i32 : i32, i32
  }
  func.func @transform_5(%arg0: i32) -> i32 {
    %c0_i32 = arith.constant 0 : i32
    %c0_i32_0 = arith.constant 0 : i32
    return %c0_i32 : i32
  }
  func.func @transform_6(%arg0: i32) -> (i32, i32) {
    %c0_i32 = arith.constant 0 : i32
    %c0_i32_0 = arith.constant 0 : i32
    return %arg0, %c0_i32 : i32, i32
  }
}

</mosaic_0001>

<sc_bundles>
// kernel: kernel.11.cloned.1.call-start
scs
__scs_entry_jumppad:
0x0: {  	(pc) =	sbr.rel $0x88, $3  }
0x1: {  	(tag) =	ssettag $0x0;
	lr =	simm.s32 $0x1  }
0x2: {  	[smem:$0x3F93] =	sst lr;
	_ =	strace $0xD0000000  }
0x3: {  	_ = 	snop  }
0x4: {  	_ = 	snop  }
0x5: {  	_ = 	snop  }
0x6: {  	_ = 	snop  }
0x7: {  	_ = 	snop  }
__scs_overlays_trampoline_lowered:
0x8: {  	[smem:$0x3FA2] =	sst s0  }
0x9: {  	[smem:$0x3FA3] =	sst s1  }
0xa: {  	[smem:$0x3FA4] =	sst s2  }
0xb: {  	[smem:$0x3FA5] =	sst s3  }
0xc: {  	[smem:$0x3FA6] =	sst s4  }
0xd: {  	[smem:$0x3FA7] =	sst s5  }
0xe: {  	[smem:$0x3FA8] =	sst s6  }
0xf: {  	[smem:$0x3FA9] =	sst s7  }
0x10: {  	[smem:$0x3FAA] =	sst s8  }
0x11: {  	[smem:$0x3FAB] =	sst s9;
	s0 =	simm.s32 @!p0 $0x0  }
0x12: {  	s1 =	sld [smem:$0x3F91];
	s0 =	simm.s32 @p0 $0x1  }
0x13: {  	[smem:$0x3FAC] =	sst s0;
	s0 =	simm.s32 @!p1 $0x0  }
0x14: {  	s2 =	sld [smem:$0x3F90];
	s0 =	simm.s32 @p1 $0x1  }
0x15: {  	[smem:$0x3FAD] =	sst s0;
	s0 =	simm.s32 @!p2 $0x0  }
0x16: {  	s3 =	sld [smem:$0x3FDB];
	s0 =	simm.s32 @p2 $0x1  }
0x17: {  	s4 =	simm.s32 $0x1BF5;
	[smem:$0x3FAF] =	sst s0  }
0x18: {  	s0 =	sld [smem:$0x3F92];
	_ =	swait.ge [sflag:s4], $0x0  }
0x19: {  	s7 =	sld [smem:$0x3F93]  }
0x1a: {  	s8 =	sadd.s32 $0xFFFFE003, lr  }
0x1b: {  	s9 =	sadd.s32 $0xFFFFFEF7, lr;
	s5 =	simm.s32 $0xFFFFFFFF;
	p2 =	slt.u32 s8, $0xFFFFF086  }
0x1c: {  	p1 =	slt.u32 s9, $0xF7A;
	s5 =	simm.s32 @!p2 $0x0  }
0x1d: {  	s5 =	simm.s32 @p1 $0x1;
	p0 =	seq.s32 s7, s2  }
0x1e: {  	s7 =	smul.u32 @!p0 $0xF7A, s2;
	p2 =	seq.s32 @!p0 s5, $0x0  }
0x1f: {  	s9 =	smul.u32 $0xF7A, s1;
	s8 =	simm.s32 @!p0 $0x1BF5;
	p2 =	por !p2, p0  }
0x20: {  	[sflag:s8] =	ssyncset.s32 @!p0 $0xFFFFF086;
	s6 =	sadd.s32 @!p0 s3, s7;
	s7 =	simm.s32 @!p0 $0x108  }
0x21: {  	s3 =	sadd.s32 s3, s9;
	s6 =	sadd.s32 @!p0 $0x88, s6;
	s7 =	simm.s32 @p2 $0x1082  }
0x22: {  	[simem:s7], [sflag:s8] =	dma.local @!p0 [hbm:s6], $0xF7A  }
0x23: {  	s9 =	sor.u32 $0xD0000000, s2;
	s6 =	simm.s32 $0x108;
	_ =	swait.ge @!p0 [sflag:s8], $0x0  }
0x24: {  	s3 =	sadd.s32 $0x88, s3;
	s6 =	simm.s32 @!p1 $0x1082;
	[sflag:s4] =	ssyncset.s32 $0xFFFFF086  }
0x25: {  	[simem:s6], [sflag:s4] =	dma.local [hbm:s3], $0xF7A  }
0x26: {  	[smem:$0x3F93] =	sst s1;
	(tag) =	ssettag s2;
	_ =	strace s9  }
0x27: {  	s1 =	sld [smem:$0x3FA3]  }
0x28: {  	s2 =	sld [smem:$0x3FA4]  }
0x29: {  	s4 =	sld [smem:$0x3FA6]  }
0x2a: {  	p0 =	seq.s32 s5, $0x0;
	s5 =	sld [smem:$0x3FA7]  }
0x2b: {  	s6 =	sld [smem:$0x3FA8]  }
0x2c: {  	s7 =	sld [smem:$0x3FA9]  }
0x2d: {  	s3 =	simm.s32 $0x108;
	s8 =	sld [smem:$0x3FAA]  }
0x2e: {  	s3 =	simm.s32 @!p0 $0x1082;
	s9 =	sld [smem:$0x3FAB]  }
0x2f: {  	lr =	sadd.s32 s0, s3;
	s0 =	sld [smem:$0x3FA2]  }
0x30: {  	s3 =	sld [smem:$0x3FA5]  }
0x31: {  	[smem:$0x3FAE] =	sst s10  }
0x32: {  	s10 =	sld [smem:$0x3FAC];
	_ =	sdelay $0x3  }
0x33: {  	p0 =	seq.s32 s10, $0x1;
	s10 =	sld [smem:$0x3FAE];
	_ =	sdelay $0x3  }
0x34: {  	[smem:$0x3FAE] =	sst s10  }
0x35: {  	s10 =	sld [smem:$0x3FAD];
	_ =	sdelay $0x3  }
0x36: {  	p1 =	seq.s32 s10, $0x1;
	s10 =	sld [smem:$0x3FAE];
	_ =	sdelay $0x3  }
0x37: {  	[smem:$0x3FAE] =	sst s10  }
0x38: {  	s10 =	sld [smem:$0x3FAF]  }
0x39: {  	_ = 	snop;
	(pc) =	sbr.ind lr, $3  }
0x3a: {  	_ = 	snop  }
0x3b: {  	_ = 	snop  }
0x3c: {  	p2 =	seq.s32 s10, $0x1;
	s10 =	sld [smem:$0x3FAE]  }
0x3d: {  	_ =	shalt  }
0x3e: {  	_ =	shalt  }
0x3f: {  	_ =	shalt  }
0x40: {  	_ =	shalt  }
0x41: {  	_ =	shalt  }
0x42: {  	_ =	shalt  }
0x43: {  	_ =	shalt  }
0x44: {  	_ =	shalt  }
0x45: {  	_ =	shalt  }
0x46: {  	_ =	shalt  }
0x47: {  	_ =	shalt  }
0x48: {  	_ =	shalt  }
0x49: {  	_ =	shalt  }
0x4a: {  	_ =	shalt  }
0x4b: {  	_ =	shalt  }
0x4c: {  	_ =	shalt  }
0x4d: {  	_ =	shalt  }
0x4e: {  	_ =	shalt  }
0x4f: {  	_ =	shalt  }
0x50: {  	_ =	shalt  }
0x51: {  	_ =	shalt  }
0x52: {  	_ =	shalt  }
0x53: {  	_ =	shalt  }
0x54: {  	_ =	shalt  }
0x55: {  	_ =	shalt  }
0x56: {  	_ =	shalt  }
0x57: {  	_ =	shalt  }
0x58: {  	_ =	shalt  }
0x59: {  	_ =	shalt  }
0x5a: {  	_ =	shalt  }
0x5b: {  	_ =	shalt  }
0x5c: {  	_ =	shalt  }
0x5d: {  	_ =	shalt  }
0x5e: {  	_ =	shalt  }
0x5f: {  	_ =	shalt  }
0x60: {  	_ =	shalt  }
0x61: {  	_ =	shalt  }
0x62: {  	_ =	shalt  }
0x63: {  	_ =	shalt  }
0x64: {  	_ =	shalt  }
0x65: {  	_ =	shalt  }
0x66: {  	_ =	shalt  }
0x67: {  	_ =	shalt  }
0x68: {  	_ =	shalt  }
0x69: {  	_ =	shalt  }
0x6a: {  	_ =	shalt  }
0x6b: {  	_ =	shalt  }
0x6c: {  	_ =	shalt  }
0x6d: {  	_ =	shalt  }
0x6e: {  	_ =	shalt  }
0x6f: {  	_ =	shalt  }
0x70: {  	_ =	shalt  }
0x71: {  	_ =	shalt  }
0x72: {  	_ =	shalt  }
0x73: {  	_ =	shalt  }
0x74: {  	_ =	shalt  }
0x75: {  	_ =	shalt  }
0x76: {  	_ =	shalt  }
0x77: {  	_ =	shalt  }
0x78: {  	_ =	shalt  }
0x79: {  	_ =	shalt  }
0x7a: {  	_ =	shalt  }
0x7b: {  	_ =	shalt  }
0x7c: {  	_ =	shalt  }
0x7d: {  	_ =	shalt  }
0x7e: {  	_ =	shalt  }
0x7f: {  	_ =	shalt  }
0x80: {  	_ =	shalt  }
0x81: {  	_ =	shalt  }
0x82: {  	_ =	shalt  }
0x83: {  	_ =	shalt  }
0x84: {  	_ =	shalt  }
0x85: {  	_ =	shalt  }
0x86: {  	_ =	shalt  }
0x87: {  	_ =	shalt  }
.Lfunc_end0:
.L_simem_size_0:
called_computation.1_lowered:
.L_overlay_start_0:
0x88: {  	s2 =	sld [smem:$0x3FD9]  }
0x89: {  	s3 =	sld [smem:$0x3FFE];
	_ =	sdelay $0x1  }
0x8a: {  	s1 =	srdreg.scid  }
0x8b: {  	s0 =	sand.u32 $0x1, s1  }
0x8c: {  	s17 =	sshll.u32 s0, $0xA;
	s2 =	sadd.s32 s3, s2  }
0x8d: {  	s2 =	sadd.s32 s2, s17  }
0x8e: {  	[smem:$0x3FBA] =	sst s2  }
0x8f: {  	_ = 	snop  }
0x90: {  	s2 =	sld [smem:$0x3FD0];
	(tm) =	ssettm $0x1  }
0x91: {  	s18 =	sld [smem:$0x3FFB];
	_ =	sdelay $0x3  }
0x92: {  	_ =	strace s18  }
0x93: {  	s3 =	sld [smem:$0x3FFC];
	_ =	sdelay $0x3  }
0x94: {  	_ =	strace s3  }
0x95: {  	s3 =	sld [smem:$0x3FFD];
	_ =	sdelay $0x3  }
0x96: {  	_ =	strace s3  }
0x97: {  	_ =	strace $0x8FFFFFFF  }
0x98: {  	s19 =	sld [smem:$0x3FDB];
	_ =	sdelay $0x1  }
0x99: {  	s4 =	simm.s32 $_scs_section_size  }
0x9a: {  	s5 =	simm.s32 $_size__tile_overlayer_lowered;
	s6 =	simm.s32 $_tile_overlayer_lowered  }
0x9b: {  	s22 =	simm.s32 $0x1BFF;
	s21 =	sshll.u32 s6, $0x1;
	s3 =	sadd.s32 s4, s19  }
0x9c: {  	s7 =	simm.s32 $0x0;
	s20 =	sshll.u32 s5, $0x1;
	s5 =	sadd.s32 s21, s3  }
0x9d: {  	[timem:s7], [sflag:s22] =	dma.local [hbm:s5], s20  }
0x9e: {  	_ =	swait.ge [sflag:s22], s20  }
0x9f: {  	s4 =	ssub.s32 $0x0, s20;
	[sflag:s22] =	ssyncset.done $0x0  }
0xa0: {  	[sflag:s22] =	ssyncadd.s32 s4;
	_ =	sdelay $0x1  }
0xa1: {  	s23 =	simm.s32 $0x1B8B  }
0xa2: {  	_ =	swait.ge [sflag:s23], $0x1  }
0xa3: {  	[sflag:s23] =	ssyncset.done $0x0  }
0xa4: {  	s25 =	simm.s32 $0x1B8E;
	s24 =	sld [smem:$0x3FFE];
	[sflag:s23] =	ssyncadd.s32 $0xFFFFFFFF  }
0xa5: {  	s26 =	simm.s32 $execute0_lowered;
	[smem:$0x3FD2] =	sst s25  }
0xa6: {  	s5 =	sshll.u32 s26, $0x1;
	_ =	strace $0x80000049;
	[dreg:$0x1] =	wrdreg $0xFFFFFFFF  }
0xa7: {  	s28 =	simm.s32 $_size_execute0_lowered;
	s3 =	sadd.s32 s3, s5;
	[dreg:$0x0] =	wrdreg $0x0  }
0xa8: {  	s5 =	sshll.u32 s28, $0x1;
	[dreg:$0x2] =	wrdreg s3  }
0xa9: {  	[dreg:$0x3] =	wrdreg s5  }
0xaa: {  	[dreg:$0x4] =	wrdreg $0xC0  }
0xab: {  	_ =	task [dreg:s7], $0x5FFFF  }
0xac: {  	[dreg:$0x1] =	wrdreg $0xFFFFFFFF  }
0xad: {  	[dreg:$0x0] =	wrdreg $0x60  }
0xae: {  	[dreg:$0x2] =	wrdreg s24  }
0xaf: {  	[dreg:$0x3] =	wrdreg s2  }
0xb0: {  	[dreg:$0x4] =	wrdreg $0x1B0800  }
0xb1: {  	[dreg:$0x5] =	wrdreg $0x1C9000  }
0xb2: {  	[dreg:$0x6] =	wrdreg $0x9  }
0xb3: {  	_ =	task.clear_ibuf [dreg:s7], $0x7FFFF;
	_ =	strace $0x90000049  }
0xb4: {  	s29 =	simm.s32 $0x9;
	_ =	strace $0x8000004B  }
0xb5: {  	_ =	swait.ge [sflag:s29], $0x1  }
0xb6: {  	[sflag:s29] =	ssyncadd.s32 $0xFFFFFFFF  }
0xb7: {  	_ =	strace $0x9000004B  }
0xb8: {  	_ =	sfence  }
0xb9: {  	s30 =	sld [smem:$0x0];
	_ =	sdelay $0x2  }
0xba: {  	s31 =	sshll.u32 s1, $0xD;
	s1 =	sshrl.u32 s1, $0x2  }
0xbb: {  	s3 =	sand.u32 $0x4000, s31;
	s1 =	sadd.s32 s1, s30  }
0xbc: {  	s0 =	sor.u32 s3, s0;
	s1 =	sshll.u32 s1, $0x11  }
0xbd: {  	s0 =	sor.u32 s1, s0  }
0xbe: {  	s0 =	sadd.s32 $0x8F2B, s0  }
0xbf: {  	[sflag:s0] =	ssyncadd.remote.s32 $0x1  }
0xc0: {  	_ =	sfence.sel $0xFFFF  }
0xc1: {  	[dreg:$0x0] =	wrdreg $0xFFFFFFFF;
	(pc) =	sbr.abs _section_cstart, $3  }
0xc2: {  	[dreg:$0x1] =	wrdreg $0xFFFFFFFF  }
0xc3: {  	_ =	task.clear_ibuf [dreg:s7], $0x2FFFF;
	_ =	strace $0x9FFFFFFF  }
0xc4: {  	(tm) =	ssettm $0x7FFFFFFF  }
0xc5: {  	_ =	shalt  }
tec
execute0_lowered:
.L_overlay_start_1:
0x0: {  	(tag) =	ssettag $0x1  }
0x1: {  	s28 =	rddreg [dreg:$0x0]  }
0x2: {  	s8 =	rddreg [dreg:$0x1];
	s0 =	stileid.u32  }
0x3: {  	s2 =	rddreg [dreg:$0x2];
	s9 =	smul.u32 $0x1880, s0  }
0x4: {  	s3 =	rddreg [dreg:$0x3];
	s4 =	simm.s32 $0x0  }
0x5: {  	s6 =	srdreg.scid;
	[smem:$0x7FF] =	sst s4;
	s10 =	sshrl.u32 s9, $0x3  }
0x6: {  	s29 =	sand.u32 $0x1, s6;
	s24 =	sshll.u32 s0, $0x6;
	s5 =	sadd.s32 s10, s28  }
0x7: {  	_ =	strace $0x8000004A;
	s12 =	sshll.u32 s29, $0x4;
	s5 =	sadd.s32 $0x62200, s5  }
0x8: {  	s6 =	sor.u32 $0x1C01, s24;
	s23 =	sadd.s32 s9, s2;
	[dreg:$0x5] =	wrdreg s5  }
0x9: {  	s7 =	sshrl.u32 s23, $0x3;
	s5 =	simm.s32 $0x1;
	s11 =	rddreg [dreg:$0x5]  }
0xa: {  	[spmem:s7], [sflag:s6] =	dma.local [hbm:s11], $0x310  }
0xb: {  	s25 =	sor.u32 s0, s12;
	_ =	swait.ge [sflag:s5], $0x310  }
0xc: {  	s9 =	sadd.s32 s9, s3;
	s8 =	sadd.s32 s8, s10;
	[sflag:s5] =	ssyncset.done $0x0  }
0xd: {  	s9 =	sshrl.u32 s9, $0x3;
	s11 =	smul.u32 $0xC350, s25;
	[sflag:s5] =	ssyncadd.s32 $0xFFFFFCF0  }
0xe: {  	[spmem:s9], [sflag:s6] =	dma.local [hbm:s8], $0x310  }
0xf: {  	s26 =	sshrl.u32 s11, $0x3;
	_ =	swait.ge [sflag:s5], $0x310  }
0x10: {  	s19 =	sadd.s32 s26, s28;
	[sflag:s5] =	ssyncset.done $0x0  }
0x11: {  	s11 =	simm.s32 $0xC580;
	s10 =	sadd.s32 $0x600, s19;
	[sflag:s5] =	ssyncadd.s32 $0xFFFFFCF0  }
0x12: {  	[tilespmem:s11], [sflag:$0x1] =	stream.linear.gather [hbm4b:s10+s4], $0xC350, $0x38;
	[tilespmem:$0x1E180] =	vst v63  }
0x13: {  	_ =	swait.ge [sflag:s5], $0xC350  }
0x14: {  	[sflag:s5] =	ssyncset.done $0x0  }
0x15: {  	s12 =	sadd.s32 $0x31400, s19;
	[sflag:s5] =	ssyncadd.s32 $0xFFFF3CB0  }
0x16: {  	[tilespmem:s4], [sflag:$0x1] =	stream.linear.gather [hbm4b:s12+s4], $0x2710, $0x38;
	[tilespmem:$0x1E180] =	vst v63  }
0x17: {  	_ =	swait.ge [sflag:s5], $0x2710  }
0x18: {  	[sflag:s5] =	ssyncset.done $0x0  }
0x19: {  	s14 =	simm.s32 $0x2780;
	s13 =	sadd.s32 $0x318E2, s19;
	[sflag:s5] =	ssyncadd.s32 $0xFFFFD8F0  }
0x1a: {  	[tilespmem:s14], [sflag:$0x1] =	stream.linear.gather [hbm4b:s13+s4], $0x2710, $0x38;
	[tilespmem:$0x1E180] =	vst v63  }
0x1b: {  	_ =	swait.ge [sflag:s5], $0x2710  }
0x1c: {  	[sflag:s5] =	ssyncset.done $0x0  }
0x1d: {  	s16 =	simm.s32 $0x4F00;
	s15 =	sadd.s32 $0x31DC4, s19;
	[sflag:s5] =	ssyncadd.s32 $0xFFFFD8F0  }
0x1e: {  	[tilespmem:s16], [sflag:$0x1] =	stream.linear.gather [hbm4b:s15+s4], $0x2710, $0x38;
	[tilespmem:$0x1E180] =	vst v63  }
0x1f: {  	_ =	swait.ge [sflag:s5], $0x2710  }
0x20: {  	[sflag:s5] =	ssyncset.done $0x0  }
0x21: {  	s18 =	simm.s32 $0x7680;
	s17 =	sadd.s32 $0x322A6, s19;
	[sflag:s5] =	ssyncadd.s32 $0xFFFFD8F0  }
0x22: {  	[tilespmem:s18], [sflag:$0x1] =	stream.linear.gather [hbm4b:s17+s4], $0x2710, $0x38;
	[tilespmem:$0x1E180] =	vst v63  }
0x23: {  	_ =	swait.ge [sflag:s5], $0x2710  }
0x24: {  	[sflag:s5] =	ssyncset.done $0x0  }
0x25: {  	s20 =	simm.s32 $0x9E00;
	s19 =	sadd.s32 $0x32788, s19;
	[sflag:s5] =	ssyncadd.s32 $0xFFFFD8F0  }
0x26: {  	[tilespmem:s20], [sflag:$0x1] =	stream.linear.gather [hbm4b:s19+s4], $0x2710, $0x38;
	[tilespmem:$0x1E180] =	vst v63  }
0x27: {  	_ =	swait.ge [sflag:s5], $0x2710  }
0x28: {  	[sflag:s5] =	ssyncset.done $0x0  }
0x29: {  	[sflag:s5] =	ssyncadd.s32 $0xFFFFD8F0  }
0x2a: {  	s21 =	simm.s32 $0x2710;
	s22 =	simm.s32 $0x18900;
	[bflag:$0x0] =	sbarrier.arrive $0xFFFF  }
0x2b: {  	[tilespmem:s22], [sflag:$0x1] =	stream.indirect.gather [spmem:s2], $0x1, s11, s21, $0xb8;
	[tilespmem:$0x1E180] =	vst v63  }
0x2c: {  	_ =	swait.ge [sflag:s5], $0x2710  }
0x2d: {  	[sflag:s5] =	ssyncset.done $0x0  }
0x2e: {  	[sflag:s5] =	ssyncadd.s32 $0xFFFFD8F0  }
0x2f: {  	[spmem:s3] =	stream.indirect.scatter.add.f32 [tilespmem:s22], [sflag:$0x1], $0x1, s4, s21, $0xb8;
	[tilespmem:$0x1E180] =	vst v63  }
0x30: {  	_ =	swait.ge [sflag:s5], $0x2710  }
0x31: {  	[sflag:s5] =	ssyncset.done $0x0  }
0x32: {  	s23 =	simm.s32 $0xEC90;
	[sflag:s5] =	ssyncadd.s32 $0xFFFFD8F0  }
0x33: {  	[tilespmem:s22], [sflag:$0x1] =	stream.indirect.gather [spmem:s2], $0x1, s23, s21, $0xb8;
	[tilespmem:$0x1E180] =	vst v63  }
0x34: {  	_ =	swait.ge [sflag:s5], $0x2710  }
0x35: {  	[sflag:s5] =	ssyncset.done $0x0  }
0x36: {  	[sflag:s5] =	ssyncadd.s32 $0xFFFFD8F0  }
0x37: {  	[spmem:s3] =	stream.indirect.scatter.add.f32 [tilespmem:s22], [sflag:$0x1], $0x1, s14, s21, $0xb8;
	[tilespmem:$0x1E180] =	vst v63  }
0x38: {  	_ =	swait.ge [sflag:s5], $0x2710  }
0x39: {  	[sflag:s5] =	ssyncset.done $0x0  }
0x3a: {  	s24 =	simm.s32 $0x113A0;
	[sflag:s5] =	ssyncadd.s32 $0xFFFFD8F0  }
0x3b: {  	[tilespmem:s22], [sflag:$0x1] =	stream.indirect.gather [spmem:s2], $0x1, s24, s21, $0xb8;
	[tilespmem:$0x1E180] =	vst v63  }
0x3c: {  	_ =	swait.ge [sflag:s5], $0x2710  }
0x3d: {  	[sflag:s5] =	ssyncset.done $0x0  }
0x3e: {  	[sflag:s5] =	ssyncadd.s32 $0xFFFFD8F0  }
0x3f: {  	[spmem:s3] =	stream.indirect.scatter.add.f32 [tilespmem:s22], [sflag:$0x1], $0x1, s16, s21, $0xb8;
	[tilespmem:$0x1E180] =	vst v63  }
0x40: {  	_ =	swait.ge [sflag:s5], $0x2710  }
0x41: {  	[sflag:s5] =	ssyncset.done $0x0  }
0x42: {  	s25 =	simm.s32 $0x13AB0;
	[sflag:s5] =	ssyncadd.s32 $0xFFFFD8F0  }
0x43: {  	[tilespmem:s22], [sflag:$0x1] =	stream.indirect.gather [spmem:s2], $0x1, s25, s21, $0xb8;
	[tilespmem:$0x1E180] =	vst v63  }
0x44: {  	_ =	swait.ge [sflag:s5], $0x2710  }
0x45: {  	[sflag:s5] =	ssyncset.done $0x0  }
0x46: {  	[sflag:s5] =	ssyncadd.s32 $0xFFFFD8F0  }
0x47: {  	[spmem:s3] =	stream.indirect.scatter.add.f32 [tilespmem:s22], [sflag:$0x1], $0x1, s18, s21, $0xb8;
	[tilespmem:$0x1E180] =	vst v63  }
0x48: {  	_ =	swait.ge [sflag:s5], $0x2710  }
0x49: {  	s30 =	smul.u32 $0x3100, s0;
	s31 =	sshll.u32 s29, $0x7;
	[sflag:s5] =	ssyncset.done $0x0  }
0x4a: {  	s29 =	ssub.s32 $0x2, s29;
	s26 =	simm.s32 $0x161C0;
	[sflag:s5] =	ssyncadd.s32 $0xFFFFD8F0  }
0x4b: {  	[tilespmem:s22], [sflag:$0x1] =	stream.indirect.gather [spmem:s2], $0x1, s26, s21, $0xb8;
	[tilespmem:$0x1E180] =	vst v63  }
0x4c: {  	s30 =	sor.u32 s31, s30;
	s31 =	sshrl.u32 s29, $0x1;
	_ =	swait.ge [sflag:s5], $0x2710  }
0x4d: {  	s29 =	ssub.s32 s29, s31;
	[sflag:s5] =	ssyncset.done $0x0  }
0x4e: {  	s31 =	smax.u32 s29, $0x1;
	[sflag:s5] =	ssyncadd.s32 $0xFFFFD8F0  }
0x4f: {  	[spmem:s3] =	stream.indirect.scatter.add.f32 [tilespmem:s22], [sflag:$0x1], $0x1, s20, s21, $0xb8;
	[tilespmem:$0x1E180] =	vst v63  }
0x50: {  	p0 =	sne.s32 s31, $0x1;
	_ =	swait.ge [sflag:s5], $0x2710  }
.Ltmp0:
0x51: {  	s30 =	sshrl.u32 s30, $0x3;
	[sflag:s5] =	ssyncset.done $0x0;
	(pc) =	sbr.rel @!p0 .LBB2_2-.Ltmp0, $4  }
0x52: {  	s29 =	simm.s32 $0x20;
	s28 =	sadd.s32 s30, s28;
	[sflag:s5] =	ssyncadd.s32 $0xFFFFD8F0  }
0x53: {  	s30 =	simm.s32 $0x10;
	s28 =	sadd.s32 $0x65400, s28;
	[bflag:$0x0] =	sbarrier.arrive $0xFFFF  }
0x54: {  	[hbm:s28@s29], [sflag:s6] =	dma.strided [spmem:s9@s30], $0x310, s5, $0x10   }
0x55: {  	s31 =	sadd.s32 $0xFFFFFFFF, s31;
	_ =	swait.ge [sflag:s5], $0x310  }
.LBB2_1:
0x56: {  	[sflag:s5] =	ssyncset.done $0x0  }
0x57: {  	s1 =	rddreg [dreg:$0x5];
	[sflag:s5] =	ssyncadd.s32 $0xFFFFFCF0  }
0x58: {  	[spmem:s7], [sflag:s6] =	dma.local [hbm:s1], $0x310  }
0x59: {  	_ =	swait.ge [sflag:s5], $0x310  }
0x5a: {  	[sflag:s5] =	ssyncset.done $0x0  }
0x5b: {  	[sflag:s5] =	ssyncadd.s32 $0xFFFFFCF0  }
0x5c: {  	[spmem:s9], [sflag:s6] =	dma.local [hbm:s8], $0x310  }
0x5d: {  	_ =	swait.ge [sflag:s5], $0x310  }
0x5e: {  	[sflag:s5] =	ssyncset.done $0x0  }
0x5f: {  	[sflag:s5] =	ssyncadd.s32 $0xFFFFFCF0  }
0x60: {  	[tilespmem:s11], [sflag:$0x1] =	stream.linear.gather [hbm4b:s10+s4], $0xC350, $0x38;
	[tilespmem:$0x1E180] =	vst v63  }
0x61: {  	_ =	swait.ge [sflag:s5], $0xC350  }
0x62: {  	[sflag:s5] =	ssyncset.done $0x0  }
0x63: {  	[sflag:s5] =	ssyncadd.s32 $0xFFFF3CB0  }
0x64: {  	[tilespmem:s4], [sflag:$0x1] =	stream.linear.gather [hbm4b:s12+s4], $0x2710, $0x38;
	[tilespmem:$0x1E180] =	vst v63  }
0x65: {  	_ =	swait.ge [sflag:s5], $0x2710  }
0x66: {  	[sflag:s5] =	ssyncset.done $0x0  }
0x67: {  	[sflag:s5] =	ssyncadd.s32 $0xFFFFD8F0  }
0x68: {  	[tilespmem:s14], [sflag:$0x1] =	stream.linear.gather [hbm4b:s13+s4], $0x2710, $0x38;
	[tilespmem:$0x1E180] =	vst v63  }
0x69: {  	_ =	swait.ge [sflag:s5], $0x2710  }
0x6a: {  	[sflag:s5] =	ssyncset.done $0x0  }
0x6b: {  	[sflag:s5] =	ssyncadd.s32 $0xFFFFD8F0  }
0x6c: {  	[tilespmem:s16], [sflag:$0x1] =	stream.linear.gather [hbm4b:s15+s4], $0x2710, $0x38;
	[tilespmem:$0x1E180] =	vst v63  }
0x6d: {  	_ =	swait.ge [sflag:s5], $0x2710  }
0x6e: {  	[sflag:s5] =	ssyncset.done $0x0  }
0x6f: {  	[sflag:s5] =	ssyncadd.s32 $0xFFFFD8F0  }
0x70: {  	[tilespmem:s18], [sflag:$0x1] =	stream.linear.gather [hbm4b:s17+s4], $0x2710, $0x38;
	[tilespmem:$0x1E180] =	vst v63  }
0x71: {  	_ =	swait.ge [sflag:s5], $0x2710  }
0x72: {  	[sflag:s5] =	ssyncset.done $0x0  }
0x73: {  	[sflag:s5] =	ssyncadd.s32 $0xFFFFD8F0  }
0x74: {  	[tilespmem:s20], [sflag:$0x1] =	stream.linear.gather [hbm4b:s19+s4], $0x2710, $0x38;
	[tilespmem:$0x1E180] =	vst v63  }
0x75: {  	_ =	swait.ge [sflag:s5], $0x2710  }
0x76: {  	[sflag:s5] =	ssyncset.done $0x0  }
0x77: {  	[sflag:s5] =	ssyncadd.s32 $0xFFFFD8F0  }
0x78: {  	[bflag:$0x0] =	sbarrier.arrive $0xFFFF  }
0x79: {  	[tilespmem:s22], [sflag:$0x1] =	stream.indirect.gather [spmem:s2], $0x1, s11, s21, $0xb8;
	[tilespmem:$0x1E180] =	vst v63  }
0x7a: {  	_ =	swait.ge [sflag:s5], $0x2710  }
0x7b: {  	[sflag:s5] =	ssyncset.done $0x0  }
0x7c: {  	[sflag:s5] =	ssyncadd.s32 $0xFFFFD8F0  }
0x7d: {  	[spmem:s3] =	stream.indirect.scatter.add.f32 [tilespmem:s22], [sflag:$0x1], $0x1, s4, s21, $0xb8;
	[tilespmem:$0x1E180] =	vst v63  }
0x7e: {  	_ =	swait.ge [sflag:s5], $0x2710  }
0x7f: {  	[sflag:s5] =	ssyncset.done $0x0  }
0x80: {  	[sflag:s5] =	ssyncadd.s32 $0xFFFFD8F0  }
0x81: {  	[tilespmem:s22], [sflag:$0x1] =	stream.indirect.gather [spmem:s2], $0x1, s23, s21, $0xb8;
	[tilespmem:$0x1E180] =	vst v63  }
0x82: {  	_ =	swait.ge [sflag:s5], $0x2710  }
0x83: {  	[sflag:s5] =	ssyncset.done $0x0  }
0x84: {  	[sflag:s5] =	ssyncadd.s32 $0xFFFFD8F0  }
0x85: {  	[spmem:s3] =	stream.indirect.scatter.add.f32 [tilespmem:s22], [sflag:$0x1], $0x1, s14, s21, $0xb8;
	[tilespmem:$0x1E180] =	vst v63  }
0x86: {  	_ =	swait.ge [sflag:s5], $0x2710  }
0x87: {  	[sflag:s5] =	ssyncset.done $0x0  }
0x88: {  	[sflag:s5] =	ssyncadd.s32 $0xFFFFD8F0  }
0x89: {  	[tilespmem:s22], [sflag:$0x1] =	stream.indirect.gather [spmem:s2], $0x1, s24, s21, $0xb8;
	[tilespmem:$0x1E180] =	vst v63  }
0x8a: {  	_ =	swait.ge [sflag:s5], $0x2710  }
0x8b: {  	[sflag:s5] =	ssyncset.done $0x0  }
0x8c: {  	[sflag:s5] =	ssyncadd.s32 $0xFFFFD8F0  }
0x8d: {  	[spmem:s3] =	stream.indirect.scatter.add.f32 [tilespmem:s22], [sflag:$0x1], $0x1, s16, s21, $0xb8;
	[tilespmem:$0x1E180] =	vst v63  }
0x8e: {  	_ =	swait.ge [sflag:s5], $0x2710  }
0x8f: {  	[sflag:s5] =	ssyncset.done $0x0  }
0x90: {  	[sflag:s5] =	ssyncadd.s32 $0xFFFFD8F0  }
0x91: {  	[tilespmem:s22], [sflag:$0x1] =	stream.indirect.gather [spmem:s2], $0x1, s25, s21, $0xb8;
	[tilespmem:$0x1E180] =	vst v63  }
0x92: {  	_ =	swait.ge [sflag:s5], $0x2710  }
0x93: {  	[sflag:s5] =	ssyncset.done $0x0  }
0x94: {  	[sflag:s5] =	ssyncadd.s32 $0xFFFFD8F0  }
0x95: {  	[spmem:s3] =	stream.indirect.scatter.add.f32 [tilespmem:s22], [sflag:$0x1], $0x1, s18, s21, $0xb8;
	[tilespmem:$0x1E180] =	vst v63  }
0x96: {  	_ =	swait.ge [sflag:s5], $0x2710  }
0x97: {  	[sflag:s5] =	ssyncset.done $0x0  }
0x98: {  	[sflag:s5] =	ssyncadd.s32 $0xFFFFD8F0  }
0x99: {  	[tilespmem:s22], [sflag:$0x1] =	stream.indirect.gather [spmem:s2], $0x1, s26, s21, $0xb8;
	[tilespmem:$0x1E180] =	vst v63  }
0x9a: {  	_ =	swait.ge [sflag:s5], $0x2710  }
0x9b: {  	[sflag:s5] =	ssyncset.done $0x0  }
0x9c: {  	[sflag:s5] =	ssyncadd.s32 $0xFFFFD8F0  }
0x9d: {  	[spmem:s3] =	stream.indirect.scatter.add.f32 [tilespmem:s22], [sflag:$0x1], $0x1, s20, s21, $0xb8;
	[tilespmem:$0x1E180] =	vst v63  }
0x9e: {  	p0 =	sne.s32 s31, $0x1;
	_ =	swait.ge [sflag:s5], $0x2710  }
.Ltmp1:
0x9f: {  	[sflag:s5] =	ssyncset.done $0x0;
	(pc) =	sbr.rel @p0 .LBB2_1-.Ltmp1, $4  }
0xa0: {  	[sflag:s5] =	ssyncadd.s32 $0xFFFFD8F0  }
0xa1: {  	[bflag:$0x0] =	sbarrier.arrive $0xFFFF  }
0xa2: {  	[hbm:s28@s29], [sflag:s6] =	dma.strided [spmem:s9@s30], $0x310, s5, $0x10   }
0xa3: {  	s31 =	sadd.s32 $0xFFFFFFFF, s31;
	_ =	swait.ge [sflag:s5], $0x310  }
.LBB2_2:
0xa4: {  	[sflag:s5] =	ssyncset.done $0x0  }
0xa5: {  	[sflag:s5] =	ssyncadd.s32 $0xFFFFFCF0  }
0xa6: {  	_ =	sfence.sel $0x180000  }
0xa7: {  	[bflag:$0x0] =	sbarrier.arrive $0xFFFF  }
0xa8: {  	_ =	strace $0x9000004A  }
0xa9: {  	[bflag:$0x2] =	sbarrier.arrive $0xFFFF  }
0xaa: {  	p0 =	sne.s32 s0, $0x0;
	s0 =	rddreg [dreg:$0x4]  }
0xab: {  	s0 =	sadd.s32 @!p0 $0x100000, s0  }
0xac: {  	[sflag:s0] =	ssyncadd.tile.s32 @!p0 $0x1;
	_ =	shalt  }
.Lfunc_end2:
_tile_overlayer_lowered:
.L_overlay_start_2:
0xad: {  	(tag) =	ssettag $0x2  }
0xae: {  	s0 =	rddreg [dreg:$0x0];
	s2 =	stileid.u32  }
0xaf: {  	s1 =	rddreg [dreg:$0x1];
	p0 =	sne.s32 s2, $0x0  }
0xb0: {  	s3 =	rddreg [dreg:$0x2];
	[bflag:$0x3] =	sbarrier.arrive $0xFFFF;
	s2 =	simm.s32 @!p0 $0x1C01  }
0xb1: {  	[timem:s3], [sflag:s2] =	dma.local @!p0 [hbm:s0], s1  }
0xb2: {  	s0 =	simm.s32 @!p0 $0x1  }
0xb3: {  	_ =	swait.ge @!p0 [sflag:s0], s1  }
0xb4: {  	s1 =	ssub.s32 @!p0 $0x0, s1;
	[sflag:s0] =	ssyncset.done @!p0 $0x0  }
0xb5: {  	[sflag:s0] =	ssyncadd.s32 @!p0 s1  }
0xb6: {  	[bflag:$0x3] =	sbarrier.arrive $0xFFFF  }
0xb7: {  	_ =	shalt  }

// kernel: kernel.8.cloned.1.call-start
scs
__scs_entry_jumppad:
0x0: {  	(pc) =	sbr.rel $0x88, $3  }
0x1: {  	(tag) =	ssettag $0x0;
	lr =	simm.s32 $0x1  }
0x2: {  	[smem:$0x3F93] =	sst lr;
	_ =	strace $0xD0000000  }
0x3: {  	_ = 	snop  }
0x4: {  	_ = 	snop  }
0x5: {  	_ = 	snop  }
0x6: {  	_ = 	snop  }
0x7: {  	_ = 	snop  }
__scs_overlays_trampoline_lowered:
0x8: {  	[smem:$0x3FA2] =	sst s0  }
0x9: {  	[smem:$0x3FA3] =	sst s1  }
0xa: {  	[smem:$0x3FA4] =	sst s2  }
0xb: {  	[smem:$0x3FA5] =	sst s3  }
0xc: {  	[smem:$0x3FA6] =	sst s4  }
0xd: {  	[smem:$0x3FA7] =	sst s5  }
0xe: {  	[smem:$0x3FA8] =	sst s6  }
0xf: {  	[smem:$0x3FA9] =	sst s7  }
0x10: {  	[smem:$0x3FAA] =	sst s8  }
0x11: {  	[smem:$0x3FAB] =	sst s9;
	s0 =	simm.s32 @!p0 $0x0  }
0x12: {  	s1 =	sld [smem:$0x3F91];
	s0 =	simm.s32 @p0 $0x1  }
0x13: {  	[smem:$0x3FAC] =	sst s0;
	s0 =	simm.s32 @!p1 $0x0  }
0x14: {  	s2 =	sld [smem:$0x3F90];
	s0 =	simm.s32 @p1 $0x1  }
0x15: {  	[smem:$0x3FAD] =	sst s0;
	s0 =	simm.s32 @!p2 $0x0  }
0x16: {  	s3 =	sld [smem:$0x3FDB];
	s0 =	simm.s32 @p2 $0x1  }
0x17: {  	s4 =	simm.s32 $0x1BF5;
	[smem:$0x3FAF] =	sst s0  }
0x18: {  	s0 =	sld [smem:$0x3F92];
	_ =	swait.ge [sflag:s4], $0x0  }
0x19: {  	s7 =	sld [smem:$0x3F93]  }
0x1a: {  	s8 =	sadd.s32 $0xFFFFE003, lr  }
0x1b: {  	s9 =	sadd.s32 $0xFFFFFEF7, lr;
	s5 =	simm.s32 $0xFFFFFFFF;
	p2 =	slt.u32 s8, $0xFFFFF086  }
0x1c: {  	p1 =	slt.u32 s9, $0xF7A;
	s5 =	simm.s32 @!p2 $0x0  }
0x1d: {  	s5 =	simm.s32 @p1 $0x1;
	p0 =	seq.s32 s7, s2  }
0x1e: {  	s7 =	smul.u32 @!p0 $0xF7A, s2;
	p2 =	seq.s32 @!p0 s5, $0x0  }
0x1f: {  	s9 =	smul.u32 $0xF7A, s1;
	s8 =	simm.s32 @!p0 $0x1BF5;
	p2 =	por !p2, p0  }
0x20: {  	[sflag:s8] =	ssyncset.s32 @!p0 $0xFFFFF086;
	s6 =	sadd.s32 @!p0 s3, s7;
	s7 =	simm.s32 @!p0 $0x108  }
0x21: {  	s3 =	sadd.s32 s3, s9;
	s6 =	sadd.s32 @!p0 $0x88, s6;
	s7 =	simm.s32 @p2 $0x1082  }
0x22: {  	[simem:s7], [sflag:s8] =	dma.local @!p0 [hbm:s6], $0xF7A  }
0x23: {  	s9 =	sor.u32 $0xD0000000, s2;
	s6 =	simm.s32 $0x108;
	_ =	swait.ge @!p0 [sflag:s8], $0x0  }
0x24: {  	s3 =	sadd.s32 $0x88, s3;
	s6 =	simm.s32 @!p1 $0x1082;
	[sflag:s4] =	ssyncset.s32 $0xFFFFF086  }
0x25: {  	[simem:s6], [sflag:s4] =	dma.local [hbm:s3], $0xF7A  }
0x26: {  	[smem:$0x3F93] =	sst s1;
	(tag) =	ssettag s2;
	_ =	strace s9  }
0x27: {  	s1 =	sld [smem:$0x3FA3]  }
0x28: {  	s2 =	sld [smem:$0x3FA4]  }
0x29: {  	s4 =	sld [smem:$0x3FA6]  }
0x2a: {  	p0 =	seq.s32 s5, $0x0;
	s5 =	sld [smem:$0x3FA7]  }
0x2b: {  	s6 =	sld [smem:$0x3FA8]  }
0x2c: {  	s7 =	sld [smem:$0x3FA9]  }
0x2d: {  	s3 =	simm.s32 $0x108;
	s8 =	sld [smem:$0x3FAA]  }
0x2e: {  	s3 =	simm.s32 @!p0 $0x1082;
	s9 =	sld [smem:$0x3FAB]  }
0x2f: {  	lr =	sadd.s32 s0, s3;
	s0 =	sld [smem:$0x3FA2]  }
0x30: {  	s3 =	sld [smem:$0x3FA5]  }
0x31: {  	[smem:$0x3FAE] =	sst s10  }
0x32: {  	s10 =	sld [smem:$0x3FAC];
	_ =	sdelay $0x3  }
0x33: {  	p0 =	seq.s32 s10, $0x1;
	s10 =	sld [smem:$0x3FAE];
	_ =	sdelay $0x3  }
0x34: {  	[smem:$0x3FAE] =	sst s10  }
0x35: {  	s10 =	sld [smem:$0x3FAD];
	_ =	sdelay $0x3  }
0x36: {  	p1 =	seq.s32 s10, $0x1;
	s10 =	sld [smem:$0x3FAE];
	_ =	sdelay $0x3  }
0x37: {  	[smem:$0x3FAE] =	sst s10  }
0x38: {  	s10 =	sld [smem:$0x3FAF]  }
0x39: {  	_ = 	snop;
	(pc) =	sbr.ind lr, $3  }
0x3a: {  	_ = 	snop  }
0x3b: {  	_ = 	snop  }
0x3c: {  	p2 =	seq.s32 s10, $0x1;
	s10 =	sld [smem:$0x3FAE]  }
0x3d: {  	_ =	shalt  }
0x3e: {  	_ =	shalt  }
0x3f: {  	_ =	shalt  }
0x40: {  	_ =	shalt  }
0x41: {  	_ =	shalt  }
0x42: {  	_ =	shalt  }
0x43: {  	_ =	shalt  }
0x44: {  	_ =	shalt  }
0x45: {  	_ =	shalt  }
0x46: {  	_ =	shalt  }
0x47: {  	_ =	shalt  }
0x48: {  	_ =	shalt  }
0x49: {  	_ =	shalt  }
0x4a: {  	_ =	shalt  }
0x4b: {  	_ =	shalt  }
0x4c: {  	_ =	shalt  }
0x4d: {  	_ =	shalt  }
0x4e: {  	_ =	shalt  }
0x4f: {  	_ =	shalt  }
0x50: {  	_ =	shalt  }
0x51: {  	_ =	shalt  }
0x52: {  	_ =	shalt  }
0x53: {  	_ =	shalt  }
0x54: {  	_ =	shalt  }
0x55: {  	_ =	shalt  }
0x56: {  	_ =	shalt  }
0x57: {  	_ =	shalt  }
0x58: {  	_ =	shalt  }
0x59: {  	_ =	shalt  }
0x5a: {  	_ =	shalt  }
0x5b: {  	_ =	shalt  }
0x5c: {  	_ =	shalt  }
0x5d: {  	_ =	shalt  }
0x5e: {  	_ =	shalt  }
0x5f: {  	_ =	shalt  }
0x60: {  	_ =	shalt  }
0x61: {  	_ =	shalt  }
0x62: {  	_ =	shalt  }
0x63: {  	_ =	shalt  }
0x64: {  	_ =	shalt  }
0x65: {  	_ =	shalt  }
0x66: {  	_ =	shalt  }
0x67: {  	_ =	shalt  }
0x68: {  	_ =	shalt  }
0x69: {  	_ =	shalt  }
0x6a: {  	_ =	shalt  }
0x6b: {  	_ =	shalt  }
0x6c: {  	_ =	shalt  }
0x6d: {  	_ =	shalt  }
0x6e: {  	_ =	shalt  }
0x6f: {  	_ =	shalt  }
0x70: {  	_ =	shalt  }
0x71: {  	_ =	shalt  }
0x72: {  	_ =	shalt  }
0x73: {  	_ =	shalt  }
0x74: {  	_ =	shalt  }
0x75: {  	_ =	shalt  }
0x76: {  	_ =	shalt  }
0x77: {  	_ =	shalt  }
0x78: {  	_ =	shalt  }
0x79: {  	_ =	shalt  }
0x7a: {  	_ =	shalt  }
0x7b: {  	_ =	shalt  }
0x7c: {  	_ =	shalt  }
0x7d: {  	_ =	shalt  }
0x7e: {  	_ =	shalt  }
0x7f: {  	_ =	shalt  }
0x80: {  	_ =	shalt  }
0x81: {  	_ =	shalt  }
0x82: {  	_ =	shalt  }
0x83: {  	_ =	shalt  }
0x84: {  	_ =	shalt  }
0x85: {  	_ =	shalt  }
0x86: {  	_ =	shalt  }
0x87: {  	_ =	shalt  }
.Lfunc_end0:
.L_simem_size_0:
called_computation_lowered:
.L_overlay_start_0:
0x88: {  	s2 =	sld [smem:$0x3FD9]  }
0x89: {  	s3 =	sld [smem:$0x3FFE];
	_ =	sdelay $0x1  }
0x8a: {  	s1 =	srdreg.scid  }
0x8b: {  	s0 =	sand.u32 $0x1, s1  }
0x8c: {  	s17 =	sshll.u32 s0, $0xA;
	s2 =	sadd.s32 s3, s2  }
0x8d: {  	s2 =	sadd.s32 s2, s17  }
0x8e: {  	[smem:$0x3FBA] =	sst s2  }
0x8f: {  	_ = 	snop  }
0x90: {  	s2 =	sld [smem:$0x3FD0];
	(tm) =	ssettm $0x1  }
0x91: {  	s18 =	sld [smem:$0x3FFB];
	_ =	sdelay $0x3  }
0x92: {  	_ =	strace s18  }
0x93: {  	s3 =	sld [smem:$0x3FFC];
	_ =	sdelay $0x3  }
0x94: {  	_ =	strace s3  }
0x95: {  	s3 =	sld [smem:$0x3FFD];
	_ =	sdelay $0x3  }
0x96: {  	_ =	strace s3  }
0x97: {  	_ =	strace $0x8FFFFFFF  }
0x98: {  	s19 =	sld [smem:$0x3FDB];
	_ =	sdelay $0x1  }
0x99: {  	s4 =	simm.s32 $_scs_section_size  }
0x9a: {  	s5 =	simm.s32 $_size__tile_overlayer_lowered;
	s6 =	simm.s32 $_tile_overlayer_lowered  }
0x9b: {  	s22 =	simm.s32 $0x1BFF;
	s21 =	sshll.u32 s6, $0x1;
	s3 =	sadd.s32 s4, s19  }
0x9c: {  	s7 =	simm.s32 $0x0;
	s20 =	sshll.u32 s5, $0x1;
	s5 =	sadd.s32 s21, s3  }
0x9d: {  	[timem:s7], [sflag:s22] =	dma.local [hbm:s5], s20  }
0x9e: {  	_ =	swait.ge [sflag:s22], s20  }
0x9f: {  	s4 =	ssub.s32 $0x0, s20;
	[sflag:s22] =	ssyncset.done $0x0  }
0xa0: {  	[sflag:s22] =	ssyncadd.s32 s4;
	_ =	sdelay $0x1  }
0xa1: {  	s23 =	simm.s32 $0x1B8B  }
0xa2: {  	_ =	swait.ge [sflag:s23], $0x1  }
0xa3: {  	[sflag:s23] =	ssyncset.done $0x0  }
0xa4: {  	s25 =	simm.s32 $0x1B8E;
	s24 =	sld [smem:$0x3FFE];
	[sflag:s23] =	ssyncadd.s32 $0xFFFFFFFF  }
0xa5: {  	s26 =	simm.s32 $execute0_lowered;
	[smem:$0x3FD2] =	sst s25  }
0xa6: {  	s5 =	sshll.u32 s26, $0x1;
	_ =	strace $0x80000046;
	[dreg:$0x1] =	wrdreg $0xFFFFFFFF  }
0xa7: {  	s28 =	simm.s32 $_size_execute0_lowered;
	s3 =	sadd.s32 s3, s5;
	[dreg:$0x0] =	wrdreg $0x0  }
0xa8: {  	s5 =	sshll.u32 s28, $0x1;
	[dreg:$0x2] =	wrdreg s3  }
0xa9: {  	[dreg:$0x3] =	wrdreg s5  }
0xaa: {  	[dreg:$0x4] =	wrdreg $0xC0  }
0xab: {  	_ =	task [dreg:s7], $0x5FFFF  }
0xac: {  	[dreg:$0x1] =	wrdreg $0xFFFFFFFF  }
0xad: {  	[dreg:$0x0] =	wrdreg $0x60  }
0xae: {  	[dreg:$0x2] =	wrdreg s24  }
0xaf: {  	[dreg:$0x3] =	wrdreg s2  }
0xb0: {  	[dreg:$0x4] =	wrdreg $0x187000  }
0xb1: {  	[dreg:$0x5] =	wrdreg $0x9  }
0xb2: {  	_ =	task.clear_ibuf [dreg:s7], $0x6FFFF;
	_ =	strace $0x90000046  }
0xb3: {  	s29 =	simm.s32 $0x9;
	_ =	strace $0x80000048  }
0xb4: {  	_ =	swait.ge [sflag:s29], $0x1  }
0xb5: {  	[sflag:s29] =	ssyncadd.s32 $0xFFFFFFFF  }
0xb6: {  	_ =	strace $0x90000048  }
0xb7: {  	_ =	sfence  }
0xb8: {  	s30 =	sld [smem:$0x0];
	_ =	sdelay $0x2  }
0xb9: {  	s31 =	sshll.u32 s1, $0xD;
	s1 =	sshrl.u32 s1, $0x2  }
0xba: {  	s3 =	sand.u32 $0x4000, s31;
	s1 =	sadd.s32 s1, s30  }
0xbb: {  	s0 =	sor.u32 s3, s0;
	s1 =	sshll.u32 s1, $0x11  }
0xbc: {  	s0 =	sor.u32 s1, s0  }
0xbd: {  	s0 =	sadd.s32 $0x8F2B, s0  }
0xbe: {  	[sflag:s0] =	ssyncadd.remote.s32 $0x1  }
0xbf: {  	_ =	sfence.sel $0xFFFF  }
0xc0: {  	[dreg:$0x0] =	wrdreg $0xFFFFFFFF;
	(pc) =	sbr.abs _section_cstart, $3  }
0xc1: {  	[dreg:$0x1] =	wrdreg $0xFFFFFFFF  }
0xc2: {  	_ =	task.clear_ibuf [dreg:s7], $0x2FFFF;
	_ =	strace $0x9FFFFFFF  }
0xc3: {  	(tm) =	ssettm $0x7FFFFFFF  }
tec
execute0_lowered:
.L_overlay_start_1:
0x0: {  	(tag) =	ssettag $0x1  }
0x1: {  	s12 =	rddreg [dreg:$0x0]  }
0x2: {  	s4 =	rddreg [dreg:$0x1]  }
0x3: {  	s2 =	rddreg [dreg:$0x2]  }
0x4: {  	s0 =	rddreg [dreg:$0x3]  }
0x5: {  	s1 =	stileid.u32;
	s3 =	simm.s32 $0x0;
	s5 =	srdreg.scid  }
0x6: {  	s6 =	smul.u32 $0x1880, s1;
	[smem:$0x7FF] =	sst s3  }
0x7: {  	s11 =	sand.u32 $0x1, s5;
	s29 =	sshll.u32 s1, $0x6;
	_ =	strace $0x80000047  }
0x8: {  	s5 =	sor.u32 $0x1C01, s29;
	s28 =	sshrl.u32 s6, $0x3;
	s6 =	sadd.s32 s6, s2  }
0x9: {  	s4 =	sadd.s32 s4, s28;
	s7 =	sshrl.u32 s6, $0x3;
	s6 =	simm.s32 $0x1  }
0xa: {  	[spmem:s7], [sflag:s5] =	dma.local [hbm:s4], $0x310  }
0xb: {  	s8 =	sshll.u32 s11, $0x4;
	_ =	swait.ge [sflag:s6], $0x310  }
0xc: {  	s9 =	simm.s32 $0xC380;
	s8 =	sor.u32 s1, s8;
	[sflag:s6] =	ssyncset.done $0x0  }
0xd: {  	s10 =	smul.u32 $0x186A, s8;
	s8 =	sadd.s32 $0x62200, s12;
	[sflag:s6] =	ssyncadd.s32 $0xFFFFFCF0  }
0xe: {  	[tilespmem:s9], [sflag:$0x1] =	stream.linear.gather [hbm4b:s8+s3], $0xC380, $0x38;
	[tilespmem:$0x19F80] =	vst v63  }
0xf: {  	_ =	swait.ge [sflag:s6], $0xC380  }
0x10: {  	s10 =	sadd.s32 s10, s12;
	[sflag:s6] =	ssyncset.done $0x0  }
0x11: {  	s10 =	sadd.s32 $0x31400, s10;
	[sflag:s6] =	ssyncadd.s32 $0xFFFF3C80  }
0x12: {  	[tilespmem:s3], [sflag:$0x1] =	stream.linear.gather [hbm4b:s10+s3], $0xC350, $0x38;
	[tilespmem:$0x19F80] =	vst v63  }
0x13: {  	s13 =	smul.u32 $0x3100, s1;
	_ =	swait.ge [sflag:s6], $0xC350  }
0x14: {  	s14 =	sshll.u32 s11, $0x7;
	s30 =	ssub.s32 $0x2, s11;
	[sflag:s6] =	ssyncset.done $0x0  }
0x15: {  	s11 =	simm.s32 $0xC350;
	s15 =	sshrl.u32 s30, $0x1;
	[sflag:s6] =	ssyncadd.s32 $0xFFFF3CB0  }
0x16: {  	s13 =	sor.u32 s14, s13;
	s31 =	ssub.s32 s30, s15;
	[bflag:$0x0] =	sbarrier.arrive $0xFFFF  }
0x17: {  	[spmem:s2] =	stream.indirect.scatter.add.f32 [tilespmem:s9], [sflag:$0x1], $0x1, s3, s11, $0xb8;
	[tilespmem:$0x19F80] =	vst v63  }
0x18: {  	s14 =	simm.s32 $0x10;
	s15 =	smax.u32 s31, $0x1;
	_ =	swait.ge [sflag:s6], $0xC350  }
0x19: {  	s13 =	sshrl.u32 s13, $0x3;
	p0 =	sne.s32 s15, $0x1;
	[sflag:s6] =	ssyncset.done $0x0  }
.Ltmp0:
0x1a: {  	s12 =	sadd.s32 s13, s12;
	[sflag:s6] =	ssyncadd.s32 $0xFFFF3CB0;
	(pc) =	sbr.rel @!p0 .LBB2_2-.Ltmp0, $4  }
0x1b: {  	s13 =	simm.s32 $0x20;
	s12 =	sadd.s32 $0x63C00, s12;
	[bflag:$0x0] =	sbarrier.arrive $0xFFFF  }
0x1c: {  	[hbm:s12@s13], [sflag:s5] =	dma.strided [spmem:s7@s14], $0x310, s6, $0x10   }
0x1d: {  	_ =	swait.ge [sflag:s6], $0x310  }
0x1e: {  	s15 =	sadd.s32 $0xFFFFFFFF, s15;
	[sflag:s6] =	ssyncset.done $0x0  }
.LBB2_1:
0x1f: {  	p0 =	sne.s32 s15, $0x1;
	s15 =	sadd.s32 $0xFFFFFFFF, s15;
	[sflag:s6] =	ssyncadd.s32 $0xFFFFFCF0  }
0x20: {  	[spmem:s7], [sflag:s5] =	dma.local [hbm:s4], $0x310  }
0x21: {  	_ =	swait.ge [sflag:s6], $0x310  }
0x22: {  	[sflag:s6] =	ssyncset.done $0x0  }
0x23: {  	[sflag:s6] =	ssyncadd.s32 $0xFFFFFCF0  }
0x24: {  	[tilespmem:s9], [sflag:$0x1] =	stream.linear.gather [hbm4b:s8+s3], $0xC380, $0x38;
	[tilespmem:$0x19F80] =	vst v63  }
0x25: {  	_ =	swait.ge [sflag:s6], $0xC380  }
0x26: {  	[sflag:s6] =	ssyncset.done $0x0  }
0x27: {  	[sflag:s6] =	ssyncadd.s32 $0xFFFF3C80  }
0x28: {  	[tilespmem:s3], [sflag:$0x1] =	stream.linear.gather [hbm4b:s10+s3], $0xC350, $0x38;
	[tilespmem:$0x19F80] =	vst v63  }
0x29: {  	_ =	swait.ge [sflag:s6], $0xC350  }
0x2a: {  	[sflag:s6] =	ssyncset.done $0x0  }
0x2b: {  	[sflag:s6] =	ssyncadd.s32 $0xFFFF3CB0  }
0x2c: {  	[bflag:$0x0] =	sbarrier.arrive $0xFFFF  }
0x2d: {  	[spmem:s2] =	stream.indirect.scatter.add.f32 [tilespmem:s9], [sflag:$0x1], $0x1, s3, s11, $0xb8;
	[tilespmem:$0x19F80] =	vst v63  }
0x2e: {  	_ =	swait.ge [sflag:s6], $0xC350  }
0x2f: {  	[sflag:s6] =	ssyncset.done $0x0  }
.Ltmp1:
0x30: {  	[sflag:s6] =	ssyncadd.s32 $0xFFFF3CB0;
	(pc) =	sbr.rel @p0 .LBB2_1-.Ltmp1, $4  }
0x31: {  	[bflag:$0x0] =	sbarrier.arrive $0xFFFF  }
0x32: {  	[hbm:s12@s13], [sflag:s5] =	dma.strided [spmem:s7@s14], $0x310, s6, $0x10   }
0x33: {  	_ =	swait.ge [sflag:s6], $0x310  }
0x34: {  	[sflag:s6] =	ssyncset.done $0x0  }
.LBB2_2:
0x35: {  	[sflag:s6] =	ssyncadd.s32 $0xFFFFFCF0  }
0x36: {  	_ =	sfence.sel $0x180000  }
0x37: {  	[bflag:$0x0] =	sbarrier.arrive $0xFFFF  }
0x38: {  	p0 =	sne.s32 s1, $0x0;
	_ =	strace $0x90000047  }
0x39: {  	s0 =	sadd.s32 @!p0 $0x100000, s0;
	[bflag:$0x2] =	sbarrier.arrive $0xFFFF  }
0x3a: {  	[sflag:s0] =	ssyncadd.tile.s32 @!p0 $0x1;
	_ =	shalt  }
.Lfunc_end2:
_tile_overlayer_lowered:
.L_overlay_start_2:
0x3b: {  	(tag) =	ssettag $0x2  }
0x3c: {  	s0 =	rddreg [dreg:$0x0];
	s2 =	stileid.u32  }
0x3d: {  	s1 =	rddreg [dreg:$0x1];
	p0 =	sne.s32 s2, $0x0  }
0x3e: {  	s3 =	rddreg [dreg:$0x2];
	[bflag:$0x3] =	sbarrier.arrive $0xFFFF;
	s2 =	simm.s32 @!p0 $0x1C01  }
0x3f: {  	[timem:s3], [sflag:s2] =	dma.local @!p0 [hbm:s0], s1  }
0x40: {  	s0 =	simm.s32 @!p0 $0x1  }
0x41: {  	_ =	swait.ge @!p0 [sflag:s0], s1  }
0x42: {  	s1 =	ssub.s32 @!p0 $0x0, s1;
	[sflag:s0] =	ssyncset.done @!p0 $0x0  }
0x43: {  	[sflag:s0] =	ssyncadd.s32 @!p0 s1  }
0x44: {  	[bflag:$0x3] =	sbarrier.arrive $0xFFFF  }
0x45: {  	_ =	shalt  }

</sc_bundles>
